<compile_context>
chip_gen: v7x
topology: tpu7x:2x2x1
jax: 0.10.2.dev20260603
libtpu: 0.0.44.dev20260713+nightly
codegen_flags: <defaults>
</compile_context>

<pallas_src>
import functools

import jax
import jax.numpy as jnp
from jax import lax
from jax.experimental import pallas as pl
from jax.experimental.pallas import tpu as pltpu
from jax.experimental.pallas import tpu_sc as plsc

L = 16
NC, NS = 2, 16
NW = NC * NS
CHUNK = 16


def _floor_to_int(f):
    t = f.astype(jnp.int32)
    return jnp.where(f < 0.0, jnp.int32(-1), t)


def _corner_math(xs, ys, gw, gh):
    fx = xs * float(gw) - 0.5
    fy = ys * float(gh) - 0.5
    ix0 = _floor_to_int(fx)
    iy0 = _floor_to_int(fy)
    wx1 = fx - ix0.astype(jnp.float32)
    wy1 = fy - iy0.astype(jnp.float32)
    wx0 = 1.0 - wx1
    wy0 = 1.0 - wy1
    ix1 = ix0 + 1
    iy1 = iy0 + 1
    vx0 = ix0 >= 0
    vy0 = iy0 >= 0
    vx1 = ix1 <= gw - 1
    vy1 = iy1 <= gh - 1
    cx0 = jnp.maximum(ix0, 0)
    cy0 = jnp.maximum(iy0, 0)
    cx1 = jnp.minimum(ix1, gw - 1)
    cy1 = jnp.minimum(iy1, gh - 1)
    zero = jnp.zeros((L,), jnp.float32)
    idx = [cy0 * gw + cx0, cy0 * gw + cx1, cy1 * gw + cx0, cy1 * gw + cx1]
    wgt = [jnp.where(vx0 & vy0, wx0 * wy0, zero),
           jnp.where(vx1 & vy0, wx1 * wy0, zero),
           jnp.where(vx0 & vy1, wx0 * wy1, zero),
           jnp.where(vx1 & vy1, wx1 * wy1, zero)]
    return idx, wgt


def _make_sc_sampler(B, P, Cin, Hf, Wf_, Hc, Wc, DOUT):
    HWf = Hf * Wf_
    HWc = Hc * Wc
    WPB = NW // B
    PPW = P // WPB
    NCHUNK = PPW // CHUNK
    CG = Cin // L
    mesh = plsc.VectorSubcoreMesh(core_axis_name="c", subcore_axis_name="s")

    @functools.partial(
        pl.kernel,
        mesh=mesh,
        out_type=jax.ShapeDtypeStruct((B * P, DOUT), jnp.float32),
        scratch_types=[
            pltpu.VMEM((2 * PPW,), jnp.float32),
            pltpu.VMEM((HWc,), jnp.float32),
            pltpu.VMEM((PPW,), jnp.int32),
            pltpu.VMEM((PPW,), jnp.int32),
            pltpu.VMEM((PPW,), jnp.int32),
            pltpu.VMEM((PPW,), jnp.int32),
            pltpu.VMEM((PPW,), jnp.float32),
            pltpu.VMEM((PPW,), jnp.float32),
            pltpu.VMEM((PPW,), jnp.float32),
            pltpu.VMEM((PPW,), jnp.float32),
            pltpu.VMEM((PPW,), jnp.float32),
            pltpu.VMEM((CHUNK, Cin), jnp.float32),
            pltpu.VMEM((CHUNK, Cin), jnp.float32),
            pltpu.VMEM((CHUNK, Cin), jnp.float32),
            pltpu.VMEM((CHUNK, Cin), jnp.float32),
            pltpu.VMEM((CHUNK, Cin), jnp.float32),
            pltpu.VMEM((CHUNK, Cin), jnp.float32),
            pltpu.VMEM((CHUNK, Cin), jnp.float32),
            pltpu.VMEM((CHUNK, Cin), jnp.float32),
            pltpu.VMEM((CHUNK, DOUT), jnp.float32),
            pltpu.VMEM((CHUNK, DOUT), jnp.float32),
            pltpu.SemaphoreType.DMA,
            pltpu.SemaphoreType.DMA,
            pltpu.SemaphoreType.DMA,
        ],
        compiler_params=pltpu.CompilerParams(needs_layout_passes=False),
    )
    def sampler(fine_hbm, coarse_hbm, coords_hbm, out_hbm,
                coords_v, ctab_v, i00_v, i01_v, i10_v, i11_v,
                w00_v, w01_v, w10_v, w11_v, cs_v,
                a00_v, a01_v, a10_v, a11_v,
                c00_v, c01_v, c10_v, c11_v,
                acc0_v, acc1_v, gsem0, gsem1, ssem):
        wid = lax.axis_index("s") * NC + lax.axis_index("c")
        b = wid // WPB
        q = wid % WPB

        pltpu.sync_copy(coarse_hbm.at[b], ctab_v)
        pltpu.sync_copy(coords_hbm.at[b, pl.ds(2 * q * PPW, 2 * PPW)],
                        coords_v)

        def idxmath(g, _):
            lanes = jnp.arange(L, dtype=jnp.int32)
            base = 2 * g * L
            sl = pl.ds(g * L, L)
            xs = plsc.load_gather(coords_v, [base + 2 * lanes])
            ys = plsc.load_gather(coords_v, [base + 2 * lanes + 1])
            fidx, fwgt = _corner_math(xs, ys, Wf_, Hf)
            fbase = b * HWf
            i00_v[sl] = fbase + fidx[0]
            i01_v[sl] = fbase + fidx[1]
            i10_v[sl] = fbase + fidx[2]
            i11_v[sl] = fbase + fidx[3]
            w00_v[sl] = fwgt[0]
            w01_v[sl] = fwgt[1]
            w10_v[sl] = fwgt[2]
            w11_v[sl] = fwgt[3]
            cidx, cwgt = _corner_math(xs, ys, Wc, Hc)
            cs_v[sl] = (cwgt[0] * plsc.load_gather(ctab_v, [cidx[0]])
                        + cwgt[1] * plsc.load_gather(ctab_v, [cidx[1]])
                        + cwgt[2] * plsc.load_gather(ctab_v, [cidx[2]])
                        + cwgt[3] * plsc.load_gather(ctab_v, [cidx[3]]))
            return 0

        lax.fori_loop(0, PPW // L, idxmath, 0)

        set0 = (a00_v, a01_v, a10_v, a11_v)
        set1 = (c00_v, c01_v, c10_v, c11_v)

        def fire(ci, bufs, gsem):
            sl = pl.ds(ci * CHUNK, CHUNK)
            pltpu.async_copy(fine_hbm.at[i00_v[sl]], bufs[0], gsem)
            pltpu.async_copy(fine_hbm.at[i01_v[sl]], bufs[1], gsem)
            pltpu.async_copy(fine_hbm.at[i10_v[sl]], bufs[2], gsem)
            pltpu.async_copy(fine_hbm.at[i11_v[sl]], bufs[3], gsem)

        def drain_gathers(bufs, gsem):
            for k in range(4):
                pltpu.make_async_copy(fine_hbm.at[pl.ds(0, CHUNK)],
                                      bufs[k], gsem).wait()

        def combine(ci, bufs, acc_v):
            def one_point(p, _):
                pidx = jnp.full((L,), ci * CHUNK + p, jnp.int32)
                s00 = plsc.load_gather(w00_v, [pidx])
                s01 = plsc.load_gather(w01_v, [pidx])
                s10 = plsc.load_gather(w10_v, [pidx])
                s11 = plsc.load_gather(w11_v, [pidx])
                for g in range(CG):
                    sl = pl.ds(g * L, L)
                    acc_v[p, sl] = (s00 * bufs[0][p, sl] + s01 * bufs[1][p, sl]
                                    + s10 * bufs[2][p, sl]
                                    + s11 * bufs[3][p, sl])
                cs = plsc.load_gather(cs_v, [pidx])
                lane0 = jnp.where(jnp.arange(L, dtype=jnp.int32) == 0,
                                  jnp.full((L,), 1.0, jnp.float32),
                                  jnp.full((L,), 0.0, jnp.float32))
                acc_v[p, pl.ds(Cin, L)] = cs * lane0
                return 0

            lax.fori_loop(0, CHUNK, one_point, 0)

        def store(ci, acc_v):
            row0 = b * P + q * PPW + ci * CHUNK
            pltpu.async_copy(acc_v, out_hbm.at[pl.ds(row0, CHUNK)], ssem)

        def drain_store(acc_v):
            pltpu.make_async_copy(out_hbm.at[pl.ds(0, CHUNK)], acc_v,
                                  ssem).wait()

        fire(0, set0, gsem0)

        def body(j, _):
            ci0 = 2 * j
            fire(ci0 + 1, set1, gsem1)

            @pl.when(j > 0)
            def _():
                drain_store(acc0_v)
                drain_store(acc1_v)

            drain_gathers(set0, gsem0)
            combine(ci0, set0, acc0_v)
            store(ci0, acc0_v)

            @pl.when(ci0 + 2 < NCHUNK)
            def _():
                fire(ci0 + 2, set0, gsem0)

            drain_gathers(set1, gsem1)
            combine(ci0 + 1, set1, acc1_v)
            store(ci0 + 1, acc1_v)
            return 0

        lax.fori_loop(0, NCHUNK // 2, body, 0)
        drain_store(acc0_v)
        drain_store(acc1_v)

    return sampler


def _mlp_body(x_ref, w1_ref, b1_ref, w2_ref, b2_ref, w3_ref, b3_ref,
              wf_ref, bf_ref, o_ref):
    h = jnp.dot(x_ref[...], w1_ref[...], preferred_element_type=jnp.float32)
    h = jnp.maximum(h + b1_ref[...], 0.0)
    h = jnp.dot(h, w2_ref[...], preferred_element_type=jnp.float32)
    h = jnp.maximum(h + b2_ref[...], 0.0)
    h = jnp.dot(h, w3_ref[...], preferred_element_type=jnp.float32)
    h = jnp.maximum(h + b3_ref[...], 0.0)
    o_ref[...] = (jnp.dot(h, wf_ref[...], preferred_element_type=jnp.float32)
                  + bf_ref[...])


def _mlp(x, w1t, b1, w2t, b2, w3t, b3, wft, bf, BM=2048):
    N, K = x.shape
    fc = w2t.shape[0]
    grid = (N // BM,)
    full = lambda i: (0, 0)
    return pl.pallas_call(
        _mlp_body,
        grid=grid,
        in_specs=[
            pl.BlockSpec((BM, K), lambda i: (i, 0)),
            pl.BlockSpec((K, fc), full),
            pl.BlockSpec((1, fc), full),
            pl.BlockSpec((fc, fc), full),
            pl.BlockSpec((1, fc), full),
            pl.BlockSpec((fc, fc), full),
            pl.BlockSpec((1, fc), full),
            pl.BlockSpec((fc, 1), full),
            pl.BlockSpec((1, 1), full),
        ],
        out_specs=pl.BlockSpec((BM, 1), lambda i: (i, 0)),
        out_shape=jax.ShapeDtypeStruct((N, 1), jnp.float32),
    )(x, w1t, b1, w2t, b2, w3t, b3, wft, bf)


def kernel(coarse_logits, fine_features, point_coords,
           W1, b1, W2, b2, W3, b3, Wf, bf):
    B, Cout, Hc, Wc = coarse_logits.shape
    _, Cin, Hf, Wf_ = fine_features.shape
    P = point_coords.shape[1]
    fc = W1.shape[0]
    DOUT = Cin + L

    fine_t = fine_features.reshape(B, Cin, Hf * Wf_)
    fine_t = fine_t.transpose(0, 2, 1).reshape(B * Hf * Wf_, Cin)
    coarse_flat = coarse_logits.reshape(B, Hc * Wc)
    coords_flat = point_coords.reshape(B, 2 * P)

    sampler = _make_sc_sampler(B, P, Cin, Hf, Wf_, Hc, Wc, DOUT)
    sampled = sampler(fine_t, coarse_flat, coords_flat)

    w1t = jnp.concatenate(
        [W1.T, jnp.zeros((DOUT - W1.shape[1], fc), jnp.float32)], axis=0)
    y = _mlp(sampled, w1t, b1.reshape(1, fc), W2.T, b2.reshape(1, fc),
             W3.T, b3.reshape(1, fc), Wf.T, bf.reshape(1, 1))
    return y.reshape(B, P, Cout).transpose(0, 2, 1)

# --- scband reference (transcript-rebuilt; emitter-appended) ---
"""Pipeline reference for scband-point-rend-module-30983894073417 (READ-ONLY COPY).

The authoritative reference and input builder live on the scoring server;
editing this copy changes nothing except your own understanding.
"""

import jax, jax.numpy as jnp
import numpy as np


def grid_sample_bilinear(inp, grid):
    # inp: [B, C, H, W]; grid: [B, Hg, Wg, 2] with (x, y) in [-1, 1]; align_corners=False, zero padding
    B, C, H, W = inp.shape
    gx = grid[..., 0]
    gy = grid[..., 1]
    ix = ((gx + 1.0) * W - 1.0) / 2.0
    iy = ((gy + 1.0) * H - 1.0) / 2.0
    ix0 = jnp.floor(ix)
    iy0 = jnp.floor(iy)
    ix1 = ix0 + 1.0
    iy1 = iy0 + 1.0
    wx1 = ix - ix0
    wx0 = 1.0 - wx1
    wy1 = iy - iy0
    wy0 = 1.0 - wy1
    flat = inp.reshape(B, C, H * W)

    def gather(ixc, iyc):
        valid = (ixc >= 0) & (ixc <= W - 1) & (iyc >= 0) & (iyc <= H - 1)
        ii = jnp.clip(ixc, 0, W - 1).astype(jnp.int32)
        jj = jnp.clip(iyc, 0, H - 1).astype(jnp.int32)
        idx = (jj * W + ii).reshape(B, 1, -1)
        vals = jnp.take_along_axis(flat, idx, axis=2)
        vals = vals.reshape(B, C, ixc.shape[1], ixc.shape[2])
        return vals * valid.astype(inp.dtype)[:, None, :, :]

    v00 = gather(ix0, iy0)
    v01 = gather(ix1, iy0)
    v10 = gather(ix0, iy1)
    v11 = gather(ix1, iy1)
    w00 = (wx0 * wy0)[:, None, :, :]
    w01 = (wx1 * wy0)[:, None, :, :]
    w10 = (wx0 * wy1)[:, None, :, :]
    w11 = (wx1 * wy1)[:, None, :, :]
    return v00 * w00 + v01 * w01 + v10 * w10 + v11 * w11


def point_sample(inp, coords):
    # coords: [B, P, 2] in [0, 1] -> sampled [B, C, P]
    grid = 2.0 * coords - 1.0
    grid = grid[:, None, :, :]  # [B, 1, P, 2]
    out = grid_sample_bilinear(inp, grid)  # [B, C, 1, P]
    return out[:, :, 0, :]


def mlp(x, W1, b1, W2, b2, W3, b3, Wf, bf):
    h = jax.nn.relu(jnp.einsum('oi,bip->bop', W1, x) + b1[None, :, None])
    h = jax.nn.relu(jnp.einsum('oi,bip->bop', W2, h) + b2[None, :, None])
    h = jax.nn.relu(jnp.einsum('oi,bip->bop', W3, h) + b3[None, :, None])
    return jnp.einsum('oi,bip->bop', Wf, h) + bf[None, :, None]


def setup_inputs(seed: int = 0) -> dict:
    key = jax.random.key(seed)
    ks = jax.random.split(key, 12)
    B, Cout, Hc, Wc = 8, 1, 64, 64
    Cin, Hf, Wf_ = 384, 128, 128
    P = 8192
    fc = 256
    in0 = Cin + Cout
    return {
        'coarse_logits': jax.random.normal(ks[0], (B, Cout, Hc, Wc), dtype=jnp.float32),
        'fine_features': jax.random.normal(ks[1], (B, Cin, Hf, Wf_), dtype=jnp.float32),
        'point_coords': jax.random.uniform(ks[2], (B, P, 2), dtype=jnp.float32),
        'W1': jax.random.normal(ks[3], (fc, in0), dtype=jnp.float32) * 0.02,
        'b1': jnp.zeros((fc,), dtype=jnp.float32),
        'W2': jax.random.normal(ks[4], (fc, fc), dtype=jnp.float32) * 0.02,
        'b2': jnp.zeros((fc,), dtype=jnp.float32),
        'W3': jax.random.normal(ks[5], (fc, fc), dtype=jnp.float32) * 0.02,
        'b3': jnp.zeros((fc,), dtype=jnp.float32),
        'Wf': jax.random.normal(ks[6], (1, fc), dtype=jnp.float32) * 0.02,
        'bf': jnp.zeros((1,), dtype=jnp.float32),
    }


def reference(coarse_logits, fine_features, point_coords, W1, b1, W2, b2, W3, b3, Wf, bf):
    coarse_sampled = point_sample(coarse_logits, point_coords)  # [B, Cout, P]
    fine_sampled = point_sample(fine_features, point_coords)    # [B, Cin, P]
    features = jnp.concatenate([fine_sampled, coarse_sampled], axis=1)
    return mlp(features, W1, b1, W2, b2, W3, b3, Wf, bf)

if __name__ == "__main__":
    import jax
    _d = setup_inputs()
    print(jax.jit(kernel)(*tuple(_d.values())))

</pallas_src>

<mosaic_0001>
#map = affine_map<(d0, d1) -> (0, 0)>
module attributes {stable_mosaic.version = 14 : i64} {
  func.func @sampler(%arg0: i32, %arg1: i32, %arg2: memref<131072x384xf32, #tpu.memory_space<hbm>>, %arg3: memref<8x4096xf32, #tpu.memory_space<hbm>>, %arg4: memref<8x16384xf32, #tpu.memory_space<hbm>>, %arg5: memref<65536x400xf32, #tpu.memory_space<hbm>>, %arg6: memref<4096xf32, #tpu.memory_space<vmem>>, %arg7: memref<4096xf32, #tpu.memory_space<vmem>>, %arg8: memref<2048xi32, #tpu.memory_space<vmem>>, %arg9: memref<2048xi32, #tpu.memory_space<vmem>>, %arg10: memref<2048xi32, #tpu.memory_space<vmem>>, %arg11: memref<2048xi32, #tpu.memory_space<vmem>>, %arg12: memref<2048xf32, #tpu.memory_space<vmem>>, %arg13: memref<2048xf32, #tpu.memory_space<vmem>>, %arg14: memref<2048xf32, #tpu.memory_space<vmem>>, %arg15: memref<2048xf32, #tpu.memory_space<vmem>>, %arg16: memref<2048xf32, #tpu.memory_space<vmem>>, %arg17: memref<16x384xf32, #tpu.memory_space<vmem>>, %arg18: memref<16x384xf32, #tpu.memory_space<vmem>>, %arg19: memref<16x384xf32, #tpu.memory_space<vmem>>, %arg20: memref<16x384xf32, #tpu.memory_space<vmem>>, %arg21: memref<16x384xf32, #tpu.memory_space<vmem>>, %arg22: memref<16x384xf32, #tpu.memory_space<vmem>>, %arg23: memref<16x384xf32, #tpu.memory_space<vmem>>, %arg24: memref<16x384xf32, #tpu.memory_space<vmem>>, %arg25: memref<16x400xf32, #tpu.memory_space<vmem>>, %arg26: memref<16x400xf32, #tpu.memory_space<vmem>>, %arg27: memref<!tpu.dma_semaphore, #tpu.memory_space<semaphore_mem>>, %arg28: memref<!tpu.dma_semaphore, #tpu.memory_space<semaphore_mem>>, %arg29: memref<!tpu.dma_semaphore, #tpu.memory_space<semaphore_mem>>) attributes {dimension_semantics = [#tpu.dimension_semantics<core_parallel>, #tpu.dimension_semantics<subcore_parallel>], iteration_bounds = array<i64: 2, 16>, scalar_prefetch = 0 : i64, scratch_operands = 24 : i64, tpu.core_type = #tpu.core_type<sc_vector_subcore>, window_params = [{transform_indices = #map}, {transform_indices = #map}, {transform_indices = #map}, {transform_indices = #map}]} {
    %mul3A = arith.constant 2 : i32
    %mul3A_0 = arith.muli %arg1, %mul3A : i32
    %add3A = arith.addi %mul3A_0, %arg0 : i32
    %jit3A = arith.constant 4 : i32
    %div3A = arith.divsi %add3A, %jit3A : i32
    %sign3A = arith.constant 0 : i32
    %sign3A_1 = arith.cmpi sgt, %add3A, %sign3A : i32
    %sign3A_2 = arith.extui %sign3A_1 : i1 to i32
    %sign3A_3 = arith.constant 0 : i32
    %sign3A_4 = arith.cmpi slt, %add3A, %sign3A_3 : i32
    %sign3A_5 = arith.extui %sign3A_4 : i1 to i32
    %sign3A_6 = arith.subi %sign3A_2, %sign3A_5 : i32
    %sign3A_7 = arith.constant 0 : i32
    %sign3A_8 = arith.cmpi sgt, %jit3A, %sign3A_7 : i32
    %sign3A_9 = arith.extui %sign3A_8 : i1 to i32
    %sign3A_10 = arith.constant 0 : i32
    %sign3A_11 = arith.cmpi slt, %jit3A, %sign3A_10 : i32
    %sign3A_12 = arith.extui %sign3A_11 : i1 to i32
    %sign3A_13 = arith.subi %sign3A_9, %sign3A_12 : i32
    %ne3A = arith.cmpi ne, %sign3A_6, %sign3A_13 : i32
    %rem3A = arith.remsi %add3A, %jit3A : i32
    %ne3A_14 = arith.constant 0 : i32
    %ne3A_15 = arith.cmpi ne, %rem3A, %ne3A_14 : i32
    %and3A = arith.andi %ne3A, %ne3A_15 : i1
    %sub3A = arith.constant 1 : i32
    %sub3A_16 = arith.subi %div3A, %sub3A : i32
    %select_n3A = arith.select %and3A, %sub3A_16, %div3A : i32
    %jit3A_17 = arith.constant 4 : i32
    %eq3A = arith.constant 0 : i32
    %eq3A_18 = arith.cmpi eq, %jit3A_17, %eq3A : i32
    %jit3A_19 = arith.constant 1 : i32
    %select_n3A_20 = arith.select %eq3A_18, %jit3A_19, %jit3A_17 : i32
    %rem3A_21 = arith.remsi %add3A, %select_n3A_20 : i32
    %ne3A_22 = arith.constant 0 : i32
    %ne3A_23 = arith.cmpi ne, %rem3A_21, %ne3A_22 : i32
    %lt3A = arith.constant 0 : i32
    %lt3A_24 = arith.cmpi slt, %rem3A_21, %lt3A : i32
    %lt3A_25 = arith.constant 0 : i32
    %lt3A_26 = arith.cmpi slt, %select_n3A_20, %lt3A_25 : i32
    %ne3A_27 = arith.xori %lt3A_24, %lt3A_26 : i1
    %and3A_28 = arith.andi %ne3A_27, %ne3A_23 : i1
    %add3A_29 = arith.addi %rem3A_21, %select_n3A_20 : i32
    %select_n3A_30 = arith.select %and3A_28, %add3A_29, %rem3A_21 : i32
    "tpu.region"() ({
      %run_scoped3A = tpu.sem_alloc : memref<!tpu.dma_semaphore, #tpu.memory_space<semaphore_mem>>
      %dma_start3A_77 = arith.constant 0 : i32
      %dma_start3A_78 = tpu.memref_slice %arg3[%select_n3A, %dma_start3A_77] : memref<8x4096xf32, #tpu.memory_space<hbm>> -> memref<1x4096xf32, #tpu.memory_space<hbm>>
      %dma_start3A_79 = tpu.memref_squeeze %dma_start3A_78 : memref<1x4096xf32, #tpu.memory_space<hbm>> -> memref<4096xf32, #tpu.memory_space<hbm>>
      %dma_start3A_80 = arith.constant 0 : i32
      %dma_start3A_81 = tpu.memref_slice %arg3[%select_n3A, %dma_start3A_80] : memref<8x4096xf32, #tpu.memory_space<hbm>> -> memref<1x4096xf32, #tpu.memory_space<hbm>>
      %dma_start3A_82 = tpu.memref_squeeze %dma_start3A_81 : memref<1x4096xf32, #tpu.memory_space<hbm>> -> memref<4096xf32, #tpu.memory_space<hbm>>
      tpu.enqueue_dma source(%dma_start3A_82 : memref<4096xf32, #tpu.memory_space<hbm>>) target(%arg7 : memref<4096xf32, #tpu.memory_space<vmem>>) target_semaphore(%run_scoped3A : memref<!tpu.dma_semaphore, #tpu.memory_space<semaphore_mem>>)
      %dma_wait3A_83 = arith.constant 0 : i32
      %dma_wait3A_84 = tpu.memref_slice %arg3[%select_n3A, %dma_wait3A_83] : memref<8x4096xf32, #tpu.memory_space<hbm>> -> memref<1x4096xf32, #tpu.memory_space<hbm>>
      %dma_wait3A_85 = tpu.memref_squeeze %dma_wait3A_84 : memref<1x4096xf32, #tpu.memory_space<hbm>> -> memref<4096xf32, #tpu.memory_space<hbm>>
      %dma_wait3A_86 = arith.constant 0 : i32
      %dma_wait3A_87 = tpu.memref_slice %arg3[%select_n3A, %dma_wait3A_86] : memref<8x4096xf32, #tpu.memory_space<hbm>> -> memref<1x4096xf32, #tpu.memory_space<hbm>>
      %dma_wait3A_88 = tpu.memref_squeeze %dma_wait3A_87 : memref<1x4096xf32, #tpu.memory_space<hbm>> -> memref<4096xf32, #tpu.memory_space<hbm>>
      tpu.wait_dma2 semaphore(%run_scoped3A : memref<!tpu.dma_semaphore, #tpu.memory_space<semaphore_mem>>) src(%dma_wait3A_88 : memref<4096xf32, #tpu.memory_space<hbm>>) dst(%arg7 : memref<4096xf32, #tpu.memory_space<vmem>>)
      tpu.yield
    }) : () -> ()
    %mul3A_31 = arith.constant 2 : i32
    %mul3A_32 = arith.muli %mul3A_31, %select_n3A_30 : i32
    %mul3A_33 = arith.constant 2048 : i32
    %mul3A_34 = arith.muli %mul3A_32, %mul3A_33 : i32
    "tpu.region"() ({
      %run_scoped3A = tpu.sem_alloc : memref<!tpu.dma_semaphore, #tpu.memory_space<semaphore_mem>>
      %dma_start3A_77 = tpu.memref_slice %arg4[%select_n3A, %mul3A_34] : memref<8x16384xf32, #tpu.memory_space<hbm>> -> memref<1x4096xf32, #tpu.memory_space<hbm>>
      %dma_start3A_78 = tpu.memref_squeeze %dma_start3A_77 : memref<1x4096xf32, #tpu.memory_space<hbm>> -> memref<4096xf32, #tpu.memory_space<hbm>>
      %dma_start3A_79 = tpu.memref_slice %arg4[%select_n3A, %mul3A_34] : memref<8x16384xf32, #tpu.memory_space<hbm>> -> memref<1x4096xf32, #tpu.memory_space<hbm>>
      %dma_start3A_80 = tpu.memref_squeeze %dma_start3A_79 : memref<1x4096xf32, #tpu.memory_space<hbm>> -> memref<4096xf32, #tpu.memory_space<hbm>>
      tpu.enqueue_dma source(%dma_start3A_80 : memref<4096xf32, #tpu.memory_space<hbm>>) target(%arg6 : memref<4096xf32, #tpu.memory_space<vmem>>) target_semaphore(%run_scoped3A : memref<!tpu.dma_semaphore, #tpu.memory_space<semaphore_mem>>)
      %dma_wait3A_81 = tpu.memref_slice %arg4[%select_n3A, %mul3A_34] : memref<8x16384xf32, #tpu.memory_space<hbm>> -> memref<1x4096xf32, #tpu.memory_space<hbm>>
      %dma_wait3A_82 = tpu.memref_squeeze %dma_wait3A_81 : memref<1x4096xf32, #tpu.memory_space<hbm>> -> memref<4096xf32, #tpu.memory_space<hbm>>
      %dma_wait3A_83 = tpu.memref_slice %arg4[%select_n3A, %mul3A_34] : memref<8x16384xf32, #tpu.memory_space<hbm>> -> memref<1x4096xf32, #tpu.memory_space<hbm>>
      %dma_wait3A_84 = tpu.memref_squeeze %dma_wait3A_83 : memref<1x4096xf32, #tpu.memory_space<hbm>> -> memref<4096xf32, #tpu.memory_space<hbm>>
      tpu.wait_dma2 semaphore(%run_scoped3A : memref<!tpu.dma_semaphore, #tpu.memory_space<semaphore_mem>>) src(%dma_wait3A_84 : memref<4096xf32, #tpu.memory_space<hbm>>) dst(%arg6 : memref<4096xf32, #tpu.memory_space<vmem>>)
      tpu.yield
    }) : () -> ()
    %scan3A = arith.constant 0 : i32
    %scan3A_35 = arith.constant 0 : i32
    %scan3A_36 = arith.constant 128 : i32
    %scan3A_37 = arith.addi %scan3A_35, %scan3A_36 : i32
    %scan3A_38 = arith.constant 1 : i32
    %scan3A_39 = scf.for %scan3A_77 = %scan3A_35 to %scan3A_37 step %scan3A_38 iter_args(%scan3A_78 = %scan3A) -> (i32)  : i32 {
      %iota3A = tpu.iota {dimensions = array<i32: 0>} : vector<16xi32>
      %mul3A_79 = arith.constant 2 : i32
      %mul3A_80 = arith.muli %mul3A_79, %scan3A_77 : i32
      %mul3A_81 = arith.constant 16 : i32
      %mul3A_82 = arith.muli %mul3A_80, %mul3A_81 : i32
      %mul3A_83 = arith.constant 16 : i32
      %mul3A_84 = arith.muli %scan3A_77, %mul3A_83 : i32
      %mul3A_85 = arith.constant 2 : i32
      %mul3A_86 = vector.broadcast %mul3A_85 : i32 to vector<16xi32>
      %mul3A_87 = arith.muli %mul3A_86, %iota3A : vector<16xi32>
      %add3A_88 = vector.broadcast %mul3A_82 : i32 to vector<16xi32>
      %add3A_89 = arith.addi %add3A_88, %mul3A_87 : vector<16xi32>
      %gather3A = tpu.vector_load_idx %arg6[%add3A_89] : memref<4096xf32, #tpu.memory_space<vmem>>[vector<16xi32>], vector<16xf32>,
      %mul3A_90 = arith.constant 2 : i32
      %mul3A_91 = vector.broadcast %mul3A_90 : i32 to vector<16xi32>
      %mul3A_92 = arith.muli %mul3A_91, %iota3A : vector<16xi32>
      %add3A_93 = vector.broadcast %mul3A_82 : i32 to vector<16xi32>
      %add3A_94 = arith.addi %add3A_93, %mul3A_92 : vector<16xi32>
      %add3A_95 = arith.constant 1 : i32
      %add3A_96 = vector.broadcast %add3A_95 : i32 to vector<16xi32>
      %add3A_97 = arith.addi %add3A_94, %add3A_96 : vector<16xi32>
      %gather3A_98 = tpu.vector_load_idx %arg6[%add3A_97] : memref<4096xf32, #tpu.memory_space<vmem>>[vector<16xi32>], vector<16xf32>,
      %mul3A_99 = arith.constant 1.280000e+02 : f32
      %mul3A_100 = vector.broadcast %mul3A_99 : f32 to vector<16xf32>
      %mul3A_101 = arith.mulf %gather3A, %mul3A_100 : vector<16xf32>
      %sub3A_102 = arith.constant 5.000000e-01 : f32
      %sub3A_103 = vector.broadcast %sub3A_102 : f32 to vector<16xf32>
      %sub3A_104 = arith.subf %mul3A_101, %sub3A_103 : vector<16xf32>
      %mul3A_105 = arith.constant 1.280000e+02 : f32
      %mul3A_106 = vector.broadcast %mul3A_105 : f32 to vector<16xf32>
      %mul3A_107 = arith.mulf %gather3A_98, %mul3A_106 : vector<16xf32>
      %sub3A_108 = arith.constant 5.000000e-01 : f32
      %sub3A_109 = vector.broadcast %sub3A_108 : f32 to vector<16xf32>
      %sub3A_110 = arith.subf %mul3A_107, %sub3A_109 : vector<16xf32>
      %convert_element_type3A = arith.fptosi %sub3A_104 : vector<16xf32> to vector<16xi32>
      %lt3A_111 = arith.constant 0.000000e+00 : f32
      %lt3A_112 = vector.broadcast %lt3A_111 : f32 to vector<16xf32>
      %lt3A_113 = arith.cmpf olt, %sub3A_104, %lt3A_112 : vector<16xf32>
      %jit3A_114 = arith.constant -1 : i32
      %broadcast_in_dim3A = vector.broadcast %jit3A_114 : i32 to vector<16xi32>
      %select_n3A_115 = arith.select %lt3A_113, %broadcast_in_dim3A, %convert_element_type3A : vector<16xi1>, vector<16xi32>
      %convert_element_type3A_116 = arith.fptosi %sub3A_110 : vector<16xf32> to vector<16xi32>
      %lt3A_117 = arith.constant 0.000000e+00 : f32
      %lt3A_118 = vector.broadcast %lt3A_117 : f32 to vector<16xf32>
      %lt3A_119 = arith.cmpf olt, %sub3A_110, %lt3A_118 : vector<16xf32>
      %jit3A_120 = arith.constant -1 : i32
      %broadcast_in_dim3A_121 = vector.broadcast %jit3A_120 : i32 to vector<16xi32>
      %select_n3A_122 = arith.select %lt3A_119, %broadcast_in_dim3A_121, %convert_element_type3A_116 : vector<16xi1>, vector<16xi32>
      %convert_element_type3A_123 = arith.sitofp %select_n3A_115 : vector<16xi32> to vector<16xf32>
      %sub3A_124 = arith.subf %sub3A_104, %convert_element_type3A_123 : vector<16xf32>
      %convert_element_type3A_125 = arith.sitofp %select_n3A_122 : vector<16xi32> to vector<16xf32>
      %sub3A_126 = arith.subf %sub3A_110, %convert_element_type3A_125 : vector<16xf32>
      %sub3A_127 = arith.constant 1.000000e+00 : f32
      %sub3A_128 = vector.broadcast %sub3A_127 : f32 to vector<16xf32>
      %sub3A_129 = arith.subf %sub3A_128, %sub3A_124 : vector<16xf32>
      %sub3A_130 = arith.constant 1.000000e+00 : f32
      %sub3A_131 = vector.broadcast %sub3A_130 : f32 to vector<16xf32>
      %sub3A_132 = arith.subf %sub3A_131, %sub3A_126 : vector<16xf32>
      %add3A_133 = arith.constant 1 : i32
      %add3A_134 = vector.broadcast %add3A_133 : i32 to vector<16xi32>
      %add3A_135 = arith.addi %select_n3A_115, %add3A_134 : vector<16xi32>
      %add3A_136 = arith.constant 1 : i32
      %add3A_137 = vector.broadcast %add3A_136 : i32 to vector<16xi32>
      %add3A_138 = arith.addi %select_n3A_122, %add3A_137 : vector<16xi32>
      %ge3A = arith.constant 0 : i32
      %ge3A_139 = vector.broadcast %ge3A : i32 to vector<16xi32>
      %ge3A_140 = arith.cmpi sge, %select_n3A_115, %ge3A_139 : vector<16xi32>
      %ge3A_141 = arith.constant 0 : i32
      %ge3A_142 = vector.broadcast %ge3A_141 : i32 to vector<16xi32>
      %ge3A_143 = arith.cmpi sge, %select_n3A_122, %ge3A_142 : vector<16xi32>
      %le3A = arith.constant 127 : i32
      %le3A_144 = vector.broadcast %le3A : i32 to vector<16xi32>
      %le3A_145 = arith.cmpi sle, %add3A_135, %le3A_144 : vector<16xi32>
      %le3A_146 = arith.constant 127 : i32
      %le3A_147 = vector.broadcast %le3A_146 : i32 to vector<16xi32>
      %le3A_148 = arith.cmpi sle, %add3A_138, %le3A_147 : vector<16xi32>
      %max3A = arith.constant 0 : i32
      %max3A_149 = vector.broadcast %max3A : i32 to vector<16xi32>
      %max3A_150 = arith.maxsi %select_n3A_115, %max3A_149 : vector<16xi32>
      %max3A_151 = arith.constant 0 : i32
      %max3A_152 = vector.broadcast %max3A_151 : i32 to vector<16xi32>
      %max3A_153 = arith.maxsi %select_n3A_122, %max3A_152 : vector<16xi32>
      %min3A = arith.constant 127 : i32
      %min3A_154 = vector.broadcast %min3A : i32 to vector<16xi32>
      %min3A_155 = arith.minsi %add3A_135, %min3A_154 : vector<16xi32>
      %min3A_156 = arith.constant 127 : i32
      %min3A_157 = vector.broadcast %min3A_156 : i32 to vector<16xi32>
      %min3A_158 = arith.minsi %add3A_138, %min3A_157 : vector<16xi32>
      %broadcast_in_dim3A_159 = arith.constant 0.000000e+00 : f32
      %broadcast_in_dim3A_160 = vector.broadcast %broadcast_in_dim3A_159 : f32 to vector<16xf32>
      %mul3A_161 = arith.constant 128 : i32
      %mul3A_162 = vector.broadcast %mul3A_161 : i32 to vector<16xi32>
      %mul3A_163 = arith.muli %max3A_153, %mul3A_162 : vector<16xi32>
      %add3A_164 = arith.addi %mul3A_163, %max3A_150 : vector<16xi32>
      %mul3A_165 = arith.constant 128 : i32
      %mul3A_166 = vector.broadcast %mul3A_165 : i32 to vector<16xi32>
      %mul3A_167 = arith.muli %max3A_153, %mul3A_166 : vector<16xi32>
      %add3A_168 = arith.addi %mul3A_167, %min3A_155 : vector<16xi32>
      %mul3A_169 = arith.constant 128 : i32
      %mul3A_170 = vector.broadcast %mul3A_169 : i32 to vector<16xi32>
      %mul3A_171 = arith.muli %min3A_158, %mul3A_170 : vector<16xi32>
      %add3A_172 = arith.addi %mul3A_171, %max3A_150 : vector<16xi32>
      %mul3A_173 = arith.constant 128 : i32
      %mul3A_174 = vector.broadcast %mul3A_173 : i32 to vector<16xi32>
      %mul3A_175 = arith.muli %min3A_158, %mul3A_174 : vector<16xi32>
      %add3A_176 = arith.addi %mul3A_175, %min3A_155 : vector<16xi32>
      %and3A_177 = arith.andi %ge3A_140, %ge3A_143 : vector<16xi1>
      %mul3A_178 = arith.mulf %sub3A_129, %sub3A_132 : vector<16xf32>
      %select_n3A_179 = arith.select %and3A_177, %mul3A_178, %broadcast_in_dim3A_160 : vector<16xi1>, vector<16xf32>
      %and3A_180 = arith.andi %le3A_145, %ge3A_143 : vector<16xi1>
      %mul3A_181 = arith.mulf %sub3A_124, %sub3A_132 : vector<16xf32>
      %select_n3A_182 = arith.select %and3A_180, %mul3A_181, %broadcast_in_dim3A_160 : vector<16xi1>, vector<16xf32>
      %and3A_183 = arith.andi %ge3A_140, %le3A_148 : vector<16xi1>
      %mul3A_184 = arith.mulf %sub3A_129, %sub3A_126 : vector<16xf32>
      %select_n3A_185 = arith.select %and3A_183, %mul3A_184, %broadcast_in_dim3A_160 : vector<16xi1>, vector<16xf32>
      %and3A_186 = arith.andi %le3A_145, %le3A_148 : vector<16xi1>
      %mul3A_187 = arith.mulf %sub3A_124, %sub3A_126 : vector<16xf32>
      %select_n3A_188 = arith.select %and3A_186, %mul3A_187, %broadcast_in_dim3A_160 : vector<16xi1>, vector<16xf32>
      %mul3A_189 = arith.constant 16384 : i32
      %mul3A_190 = arith.muli %select_n3A, %mul3A_189 : i32
      %add3A_191 = vector.broadcast %mul3A_190 : i32 to vector<16xi32>
      %add3A_192 = arith.addi %add3A_191, %add3A_164 : vector<16xi32>
      %swap3A = arith.index_cast %mul3A_84 : i32 to index
      %swap3A_193 = tpu.vector_load %arg8[%swap3A] {strides = array<i32>} : memref<2048xi32, #tpu.memory_space<vmem>>, vector<16xi32>,
      tpu.vector_store %arg8[%swap3A], %add3A_192 {strides = array<i32>} : memref<2048xi32, #tpu.memory_space<vmem>>, vector<16xi32>,
      %add3A_194 = vector.broadcast %mul3A_190 : i32 to vector<16xi32>
      %add3A_195 = arith.addi %add3A_194, %add3A_168 : vector<16xi32>
      %swap3A_196 = arith.index_cast %mul3A_84 : i32 to index
      %swap3A_197 = tpu.vector_load %arg9[%swap3A_196] {strides = array<i32>} : memref<2048xi32, #tpu.memory_space<vmem>>, vector<16xi32>,
      tpu.vector_store %arg9[%swap3A_196], %add3A_195 {strides = array<i32>} : memref<2048xi32, #tpu.memory_space<vmem>>, vector<16xi32>,
      %add3A_198 = vector.broadcast %mul3A_190 : i32 to vector<16xi32>
      %add3A_199 = arith.addi %add3A_198, %add3A_172 : vector<16xi32>
      %swap3A_200 = arith.index_cast %mul3A_84 : i32 to index
      %swap3A_201 = tpu.vector_load %arg10[%swap3A_200] {strides = array<i32>} : memref<2048xi32, #tpu.memory_space<vmem>>, vector<16xi32>,
      tpu.vector_store %arg10[%swap3A_200], %add3A_199 {strides = array<i32>} : memref<2048xi32, #tpu.memory_space<vmem>>, vector<16xi32>,
      %add3A_202 = vector.broadcast %mul3A_190 : i32 to vector<16xi32>
      %add3A_203 = arith.addi %add3A_202, %add3A_176 : vector<16xi32>
      %swap3A_204 = arith.index_cast %mul3A_84 : i32 to index
      %swap3A_205 = tpu.vector_load %arg11[%swap3A_204] {strides = array<i32>} : memref<2048xi32, #tpu.memory_space<vmem>>, vector<16xi32>,
      tpu.vector_store %arg11[%swap3A_204], %add3A_203 {strides = array<i32>} : memref<2048xi32, #tpu.memory_space<vmem>>, vector<16xi32>,
      %swap3A_206 = arith.index_cast %mul3A_84 : i32 to index
      %swap3A_207 = tpu.vector_load %arg12[%swap3A_206] {strides = array<i32>} : memref<2048xf32, #tpu.memory_space<vmem>>, vector<16xf32>,
      tpu.vector_store %arg12[%swap3A_206], %select_n3A_179 {strides = array<i32>} : memref<2048xf32, #tpu.memory_space<vmem>>, vector<16xf32>,
      %swap3A_208 = arith.index_cast %mul3A_84 : i32 to index
      %swap3A_209 = tpu.vector_load %arg13[%swap3A_208] {strides = array<i32>} : memref<2048xf32, #tpu.memory_space<vmem>>, vector<16xf32>,
      tpu.vector_store %arg13[%swap3A_208], %select_n3A_182 {strides = array<i32>} : memref<2048xf32, #tpu.memory_space<vmem>>, vector<16xf32>,
      %swap3A_210 = arith.index_cast %mul3A_84 : i32 to index
      %swap3A_211 = tpu.vector_load %arg14[%swap3A_210] {strides = array<i32>} : memref<2048xf32, #tpu.memory_space<vmem>>, vector<16xf32>,
      tpu.vector_store %arg14[%swap3A_210], %select_n3A_185 {strides = array<i32>} : memref<2048xf32, #tpu.memory_space<vmem>>, vector<16xf32>,
      %swap3A_212 = arith.index_cast %mul3A_84 : i32 to index
      %swap3A_213 = tpu.vector_load %arg15[%swap3A_212] {strides = array<i32>} : memref<2048xf32, #tpu.memory_space<vmem>>, vector<16xf32>,
      tpu.vector_store %arg15[%swap3A_212], %select_n3A_188 {strides = array<i32>} : memref<2048xf32, #tpu.memory_space<vmem>>, vector<16xf32>,
      %mul3A_214 = arith.constant 6.400000e+01 : f32
      %mul3A_215 = vector.broadcast %mul3A_214 : f32 to vector<16xf32>
      %mul3A_216 = arith.mulf %gather3A, %mul3A_215 : vector<16xf32>
      %sub3A_217 = arith.constant 5.000000e-01 : f32
      %sub3A_218 = vector.broadcast %sub3A_217 : f32 to vector<16xf32>
      %sub3A_219 = arith.subf %mul3A_216, %sub3A_218 : vector<16xf32>
      %mul3A_220 = arith.constant 6.400000e+01 : f32
      %mul3A_221 = vector.broadcast %mul3A_220 : f32 to vector<16xf32>
      %mul3A_222 = arith.mulf %gather3A_98, %mul3A_221 : vector<16xf32>
      %sub3A_223 = arith.constant 5.000000e-01 : f32
      %sub3A_224 = vector.broadcast %sub3A_223 : f32 to vector<16xf32>
      %sub3A_225 = arith.subf %mul3A_222, %sub3A_224 : vector<16xf32>
      %convert_element_type3A_226 = arith.fptosi %sub3A_219 : vector<16xf32> to vector<16xi32>
      %lt3A_227 = arith.constant 0.000000e+00 : f32
      %lt3A_228 = vector.broadcast %lt3A_227 : f32 to vector<16xf32>
      %lt3A_229 = arith.cmpf olt, %sub3A_219, %lt3A_228 : vector<16xf32>
      %jit3A_230 = arith.constant -1 : i32
      %broadcast_in_dim3A_231 = vector.broadcast %jit3A_230 : i32 to vector<16xi32>
      %select_n3A_232 = arith.select %lt3A_229, %broadcast_in_dim3A_231, %convert_element_type3A_226 : vector<16xi1>, vector<16xi32>
      %convert_element_type3A_233 = arith.fptosi %sub3A_225 : vector<16xf32> to vector<16xi32>
      %lt3A_234 = arith.constant 0.000000e+00 : f32
      %lt3A_235 = vector.broadcast %lt3A_234 : f32 to vector<16xf32>
      %lt3A_236 = arith.cmpf olt, %sub3A_225, %lt3A_235 : vector<16xf32>
      %jit3A_237 = arith.constant -1 : i32
      %broadcast_in_dim3A_238 = vector.broadcast %jit3A_237 : i32 to vector<16xi32>
      %select_n3A_239 = arith.select %lt3A_236, %broadcast_in_dim3A_238, %convert_element_type3A_233 : vector<16xi1>, vector<16xi32>
      %convert_element_type3A_240 = arith.sitofp %select_n3A_232 : vector<16xi32> to vector<16xf32>
      %sub3A_241 = arith.subf %sub3A_219, %convert_element_type3A_240 : vector<16xf32>
      %convert_element_type3A_242 = arith.sitofp %select_n3A_239 : vector<16xi32> to vector<16xf32>
      %sub3A_243 = arith.subf %sub3A_225, %convert_element_type3A_242 : vector<16xf32>
      %sub3A_244 = arith.constant 1.000000e+00 : f32
      %sub3A_245 = vector.broadcast %sub3A_244 : f32 to vector<16xf32>
      %sub3A_246 = arith.subf %sub3A_245, %sub3A_241 : vector<16xf32>
      %sub3A_247 = arith.constant 1.000000e+00 : f32
      %sub3A_248 = vector.broadcast %sub3A_247 : f32 to vector<16xf32>
      %sub3A_249 = arith.subf %sub3A_248, %sub3A_243 : vector<16xf32>
      %add3A_250 = arith.constant 1 : i32
      %add3A_251 = vector.broadcast %add3A_250 : i32 to vector<16xi32>
      %add3A_252 = arith.addi %select_n3A_232, %add3A_251 : vector<16xi32>
      %add3A_253 = arith.constant 1 : i32
      %add3A_254 = vector.broadcast %add3A_253 : i32 to vector<16xi32>
      %add3A_255 = arith.addi %select_n3A_239, %add3A_254 : vector<16xi32>
      %ge3A_256 = arith.constant 0 : i32
      %ge3A_257 = vector.broadcast %ge3A_256 : i32 to vector<16xi32>
      %ge3A_258 = arith.cmpi sge, %select_n3A_232, %ge3A_257 : vector<16xi32>
      %ge3A_259 = arith.constant 0 : i32
      %ge3A_260 = vector.broadcast %ge3A_259 : i32 to vector<16xi32>
      %ge3A_261 = arith.cmpi sge, %select_n3A_239, %ge3A_260 : vector<16xi32>
      %le3A_262 = arith.constant 63 : i32
      %le3A_263 = vector.broadcast %le3A_262 : i32 to vector<16xi32>
      %le3A_264 = arith.cmpi sle, %add3A_252, %le3A_263 : vector<16xi32>
      %le3A_265 = arith.constant 63 : i32
      %le3A_266 = vector.broadcast %le3A_265 : i32 to vector<16xi32>
      %le3A_267 = arith.cmpi sle, %add3A_255, %le3A_266 : vector<16xi32>
      %max3A_268 = arith.constant 0 : i32
      %max3A_269 = vector.broadcast %max3A_268 : i32 to vector<16xi32>
      %max3A_270 = arith.maxsi %select_n3A_232, %max3A_269 : vector<16xi32>
      %max3A_271 = arith.constant 0 : i32
      %max3A_272 = vector.broadcast %max3A_271 : i32 to vector<16xi32>
      %max3A_273 = arith.maxsi %select_n3A_239, %max3A_272 : vector<16xi32>
      %min3A_274 = arith.constant 63 : i32
      %min3A_275 = vector.broadcast %min3A_274 : i32 to vector<16xi32>
      %min3A_276 = arith.minsi %add3A_252, %min3A_275 : vector<16xi32>
      %min3A_277 = arith.constant 63 : i32
      %min3A_278 = vector.broadcast %min3A_277 : i32 to vector<16xi32>
      %min3A_279 = arith.minsi %add3A_255, %min3A_278 : vector<16xi32>
      %broadcast_in_dim3A_280 = arith.constant 0.000000e+00 : f32
      %broadcast_in_dim3A_281 = vector.broadcast %broadcast_in_dim3A_280 : f32 to vector<16xf32>
      %mul3A_282 = arith.constant 64 : i32
      %mul3A_283 = vector.broadcast %mul3A_282 : i32 to vector<16xi32>
      %mul3A_284 = arith.muli %max3A_273, %mul3A_283 : vector<16xi32>
      %add3A_285 = arith.addi %mul3A_284, %max3A_270 : vector<16xi32>
      %mul3A_286 = arith.constant 64 : i32
      %mul3A_287 = vector.broadcast %mul3A_286 : i32 to vector<16xi32>
      %mul3A_288 = arith.muli %max3A_273, %mul3A_287 : vector<16xi32>
      %add3A_289 = arith.addi %mul3A_288, %min3A_276 : vector<16xi32>
      %mul3A_290 = arith.constant 64 : i32
      %mul3A_291 = vector.broadcast %mul3A_290 : i32 to vector<16xi32>
      %mul3A_292 = arith.muli %min3A_279, %mul3A_291 : vector<16xi32>
      %add3A_293 = arith.addi %mul3A_292, %max3A_270 : vector<16xi32>
      %mul3A_294 = arith.constant 64 : i32
      %mul3A_295 = vector.broadcast %mul3A_294 : i32 to vector<16xi32>
      %mul3A_296 = arith.muli %min3A_279, %mul3A_295 : vector<16xi32>
      %add3A_297 = arith.addi %mul3A_296, %min3A_276 : vector<16xi32>
      %and3A_298 = arith.andi %ge3A_258, %ge3A_261 : vector<16xi1>
      %mul3A_299 = arith.mulf %sub3A_246, %sub3A_249 : vector<16xf32>
      %select_n3A_300 = arith.select %and3A_298, %mul3A_299, %broadcast_in_dim3A_281 : vector<16xi1>, vector<16xf32>
      %and3A_301 = arith.andi %le3A_264, %ge3A_261 : vector<16xi1>
      %mul3A_302 = arith.mulf %sub3A_241, %sub3A_249 : vector<16xf32>
      %select_n3A_303 = arith.select %and3A_301, %mul3A_302, %broadcast_in_dim3A_281 : vector<16xi1>, vector<16xf32>
      %and3A_304 = arith.andi %ge3A_258, %le3A_267 : vector<16xi1>
      %mul3A_305 = arith.mulf %sub3A_246, %sub3A_243 : vector<16xf32>
      %select_n3A_306 = arith.select %and3A_304, %mul3A_305, %broadcast_in_dim3A_281 : vector<16xi1>, vector<16xf32>
      %and3A_307 = arith.andi %le3A_264, %le3A_267 : vector<16xi1>
      %mul3A_308 = arith.mulf %sub3A_241, %sub3A_243 : vector<16xf32>
      %select_n3A_309 = arith.select %and3A_307, %mul3A_308, %broadcast_in_dim3A_281 : vector<16xi1>, vector<16xf32>
      %gather3A_310 = tpu.vector_load_idx %arg7[%add3A_285] : memref<4096xf32, #tpu.memory_space<vmem>>[vector<16xi32>], vector<16xf32>,
      %mul3A_311 = arith.mulf %select_n3A_300, %gather3A_310 : vector<16xf32>
      %gather3A_312 = tpu.vector_load_idx %arg7[%add3A_289] : memref<4096xf32, #tpu.memory_space<vmem>>[vector<16xi32>], vector<16xf32>,
      %mul3A_313 = arith.mulf %select_n3A_303, %gather3A_312 : vector<16xf32>
      %add3A_314 = arith.addf %mul3A_311, %mul3A_313 : vector<16xf32>
      %gather3A_315 = tpu.vector_load_idx %arg7[%add3A_293] : memref<4096xf32, #tpu.memory_space<vmem>>[vector<16xi32>], vector<16xf32>,
      %mul3A_316 = arith.mulf %select_n3A_306, %gather3A_315 : vector<16xf32>
      %add3A_317 = arith.addf %add3A_314, %mul3A_316 : vector<16xf32>
      %gather3A_318 = tpu.vector_load_idx %arg7[%add3A_297] : memref<4096xf32, #tpu.memory_space<vmem>>[vector<16xi32>], vector<16xf32>,
      %mul3A_319 = arith.mulf %select_n3A_309, %gather3A_318 : vector<16xf32>
      %add3A_320 = arith.addf %add3A_317, %mul3A_319 : vector<16xf32>
      %swap3A_321 = arith.index_cast %mul3A_84 : i32 to index
      %swap3A_322 = tpu.vector_load %arg16[%swap3A_321] {strides = array<i32>} : memref<2048xf32, #tpu.memory_space<vmem>>, vector<16xf32>,
      tpu.vector_store %arg16[%swap3A_321], %add3A_320 {strides = array<i32>} : memref<2048xf32, #tpu.memory_space<vmem>>, vector<16xf32>,
      %scan3A_323 = arith.constant 0 : i32
      scf.yield %scan3A_323 : i32
    }
    %scan3A_40 = arith.constant 128 : i32
    %get3A = arith.constant 0 : index
    %get3A_41 = tpu.vector_load %arg8[%get3A] {strides = array<i32>} : memref<2048xi32, #tpu.memory_space<vmem>>, vector<16xi32>,
    %dma_start3A = arith.constant 0 : i32
    %dma_start3A_42 = arith.constant 0 : i32
    %dma_start3A_43 = tpu.memref_slice %arg2[%dma_start3A, %dma_start3A_42] : memref<131072x384xf32, #tpu.memory_space<hbm>> -> memref<131072x384xf32, #tpu.memory_space<hbm>>
    tpu.enqueue_indirect_dma source(%dma_start3A_43 : memref<131072x384xf32, #tpu.memory_space<hbm>>) target(%arg17 : memref<16x384xf32, #tpu.memory_space<vmem>>) offsets(%get3A_41 : vector<16xi32>) semaphore(%arg27 : memref<!tpu.dma_semaphore, #tpu.memory_space<semaphore_mem>>)
    %get3A_44 = arith.constant 0 : index
    %get3A_45 = tpu.vector_load %arg9[%get3A_44] {strides = array<i32>} : memref<2048xi32, #tpu.memory_space<vmem>>, vector<16xi32>,
    %dma_start3A_46 = arith.constant 0 : i32
    %dma_start3A_47 = arith.constant 0 : i32
    %dma_start3A_48 = tpu.memref_slice %arg2[%dma_start3A_46, %dma_start3A_47] : memref<131072x384xf32, #tpu.memory_space<hbm>> -> memref<131072x384xf32, #tpu.memory_space<hbm>>
    tpu.enqueue_indirect_dma source(%dma_start3A_48 : memref<131072x384xf32, #tpu.memory_space<hbm>>) target(%arg18 : memref<16x384xf32, #tpu.memory_space<vmem>>) offsets(%get3A_45 : vector<16xi32>) semaphore(%arg27 : memref<!tpu.dma_semaphore, #tpu.memory_space<semaphore_mem>>)
    %get3A_49 = arith.constant 0 : index
    %get3A_50 = tpu.vector_load %arg10[%get3A_49] {strides = array<i32>} : memref<2048xi32, #tpu.memory_space<vmem>>, vector<16xi32>,
    %dma_start3A_51 = arith.constant 0 : i32
    %dma_start3A_52 = arith.constant 0 : i32
    %dma_start3A_53 = tpu.memref_slice %arg2[%dma_start3A_51, %dma_start3A_52] : memref<131072x384xf32, #tpu.memory_space<hbm>> -> memref<131072x384xf32, #tpu.memory_space<hbm>>
    tpu.enqueue_indirect_dma source(%dma_start3A_53 : memref<131072x384xf32, #tpu.memory_space<hbm>>) target(%arg19 : memref<16x384xf32, #tpu.memory_space<vmem>>) offsets(%get3A_50 : vector<16xi32>) semaphore(%arg27 : memref<!tpu.dma_semaphore, #tpu.memory_space<semaphore_mem>>)
    %get3A_54 = arith.constant 0 : index
    %get3A_55 = tpu.vector_load %arg11[%get3A_54] {strides = array<i32>} : memref<2048xi32, #tpu.memory_space<vmem>>, vector<16xi32>,
    %dma_start3A_56 = arith.constant 0 : i32
    %dma_start3A_57 = arith.constant 0 : i32
    %dma_start3A_58 = tpu.memref_slice %arg2[%dma_start3A_56, %dma_start3A_57] : memref<131072x384xf32, #tpu.memory_space<hbm>> -> memref<131072x384xf32, #tpu.memory_space<hbm>>
    tpu.enqueue_indirect_dma source(%dma_start3A_58 : memref<131072x384xf32, #tpu.memory_space<hbm>>) target(%arg20 : memref<16x384xf32, #tpu.memory_space<vmem>>) offsets(%get3A_55 : vector<16xi32>) semaphore(%arg27 : memref<!tpu.dma_semaphore, #tpu.memory_space<semaphore_mem>>)
    %scan3A_59 = arith.constant 0 : i32
    %scan3A_60 = arith.constant 0 : i32
    %scan3A_61 = arith.constant 64 : i32
    %scan3A_62 = arith.addi %scan3A_60, %scan3A_61 : i32
    %scan3A_63 = arith.constant 1 : i32
    %scan3A_64 = scf.for %scan3A_77 = %scan3A_60 to %scan3A_62 step %scan3A_63 iter_args(%scan3A_78 = %scan3A_59) -> (i32)  : i32 {
      %mul3A_79 = arith.constant 2 : i32
      %mul3A_80 = arith.muli %mul3A_79, %scan3A_77 : i32
      %add3A_81 = arith.constant 1 : i32
      %add3A_82 = arith.addi %mul3A_80, %add3A_81 : i32
      %mul3A_83 = arith.constant 16 : i32
      %mul3A_84 = arith.muli %add3A_82, %mul3A_83 : i32
      %get3A_85 = arith.index_cast %mul3A_84 : i32 to index
      %get3A_86 = tpu.vector_load %arg8[%get3A_85] {strides = array<i32>} : memref<2048xi32, #tpu.memory_space<vmem>>, vector<16xi32>,
      %dma_start3A_87 = arith.constant 0 : i32
      %dma_start3A_88 = arith.constant 0 : i32
      %dma_start3A_89 = tpu.memref_slice %arg2[%dma_start3A_87, %dma_start3A_88] : memref<131072x384xf32, #tpu.memory_space<hbm>> -> memref<131072x384xf32, #tpu.memory_space<hbm>>
      tpu.enqueue_indirect_dma source(%dma_start3A_89 : memref<131072x384xf32, #tpu.memory_space<hbm>>) target(%arg21 : memref<16x384xf32, #tpu.memory_space<vmem>>) offsets(%get3A_86 : vector<16xi32>) semaphore(%arg28 : memref<!tpu.dma_semaphore, #tpu.memory_space<semaphore_mem>>)
      %get3A_90 = arith.index_cast %mul3A_84 : i32 to index
      %get3A_91 = tpu.vector_load %arg9[%get3A_90] {strides = array<i32>} : memref<2048xi32, #tpu.memory_space<vmem>>, vector<16xi32>,
      %dma_start3A_92 = arith.constant 0 : i32
      %dma_start3A_93 = arith.constant 0 : i32
      %dma_start3A_94 = tpu.memref_slice %arg2[%dma_start3A_92, %dma_start3A_93] : memref<131072x384xf32, #tpu.memory_space<hbm>> -> memref<131072x384xf32, #tpu.memory_space<hbm>>
      tpu.enqueue_indirect_dma source(%dma_start3A_94 : memref<131072x384xf32, #tpu.memory_space<hbm>>) target(%arg22 : memref<16x384xf32, #tpu.memory_space<vmem>>) offsets(%get3A_91 : vector<16xi32>) semaphore(%arg28 : memref<!tpu.dma_semaphore, #tpu.memory_space<semaphore_mem>>)
      %get3A_95 = arith.index_cast %mul3A_84 : i32 to index
      %get3A_96 = tpu.vector_load %arg10[%get3A_95] {strides = array<i32>} : memref<2048xi32, #tpu.memory_space<vmem>>, vector<16xi32>,
      %dma_start3A_97 = arith.constant 0 : i32
      %dma_start3A_98 = arith.constant 0 : i32
      %dma_start3A_99 = tpu.memref_slice %arg2[%dma_start3A_97, %dma_start3A_98] : memref<131072x384xf32, #tpu.memory_space<hbm>> -> memref<131072x384xf32, #tpu.memory_space<hbm>>
      tpu.enqueue_indirect_dma source(%dma_start3A_99 : memref<131072x384xf32, #tpu.memory_space<hbm>>) target(%arg23 : memref<16x384xf32, #tpu.memory_space<vmem>>) offsets(%get3A_96 : vector<16xi32>) semaphore(%arg28 : memref<!tpu.dma_semaphore, #tpu.memory_space<semaphore_mem>>)
      %get3A_100 = arith.index_cast %mul3A_84 : i32 to index
      %get3A_101 = tpu.vector_load %arg11[%get3A_100] {strides = array<i32>} : memref<2048xi32, #tpu.memory_space<vmem>>, vector<16xi32>,
      %dma_start3A_102 = arith.constant 0 : i32
      %dma_start3A_103 = arith.constant 0 : i32
      %dma_start3A_104 = tpu.memref_slice %arg2[%dma_start3A_102, %dma_start3A_103] : memref<131072x384xf32, #tpu.memory_space<hbm>> -> memref<131072x384xf32, #tpu.memory_space<hbm>>
      tpu.enqueue_indirect_dma source(%dma_start3A_104 : memref<131072x384xf32, #tpu.memory_space<hbm>>) target(%arg24 : memref<16x384xf32, #tpu.memory_space<vmem>>) offsets(%get3A_101 : vector<16xi32>) semaphore(%arg28 : memref<!tpu.dma_semaphore, #tpu.memory_space<semaphore_mem>>)
      %gt3A = arith.constant 0 : i32
      %gt3A_105 = arith.cmpi sgt, %scan3A_77, %gt3A : i32
      %convert_element_type3A = arith.extui %gt3A_105 : i1 to i32
      %cond3A = arith.constant 0 : i32
      %cond3A_106 = arith.cmpi ne, %convert_element_type3A, %cond3A : i32
      scf.if %cond3A_106 {
        %dma_wait3A_205 = arith.constant 0 : i32
        %dma_wait3A_206 = arith.constant 0 : i32
        %dma_wait3A_207 = tpu.memref_slice %arg5[%dma_wait3A_205, %dma_wait3A_206] : memref<65536x400xf32, #tpu.memory_space<hbm>> -> memref<16x400xf32, #tpu.memory_space<hbm>>
        %dma_wait3A_208 = arith.constant 0 : i32
        %dma_wait3A_209 = arith.constant 0 : i32
        %dma_wait3A_210 = tpu.memref_slice %arg5[%dma_wait3A_208, %dma_wait3A_209] : memref<65536x400xf32, #tpu.memory_space<hbm>> -> memref<16x400xf32, #tpu.memory_space<hbm>>
        tpu.wait_dma2 semaphore(%arg29 : memref<!tpu.dma_semaphore, #tpu.memory_space<semaphore_mem>>) src(%dma_wait3A_210 : memref<16x400xf32, #tpu.memory_space<hbm>>) dst(%arg25 : memref<16x400xf32, #tpu.memory_space<vmem>>)
        %dma_wait3A_211 = arith.constant 0 : i32
        %dma_wait3A_212 = arith.constant 0 : i32
        %dma_wait3A_213 = tpu.memref_slice %arg5[%dma_wait3A_211, %dma_wait3A_212] : memref<65536x400xf32, #tpu.memory_space<hbm>> -> memref<16x400xf32, #tpu.memory_space<hbm>>
        %dma_wait3A_214 = arith.constant 0 : i32
        %dma_wait3A_215 = arith.constant 0 : i32
        %dma_wait3A_216 = tpu.memref_slice %arg5[%dma_wait3A_214, %dma_wait3A_215] : memref<65536x400xf32, #tpu.memory_space<hbm>> -> memref<16x400xf32, #tpu.memory_space<hbm>>
        tpu.wait_dma2 semaphore(%arg29 : memref<!tpu.dma_semaphore, #tpu.memory_space<semaphore_mem>>) src(%dma_wait3A_216 : memref<16x400xf32, #tpu.memory_space<hbm>>) dst(%arg26 : memref<16x400xf32, #tpu.memory_space<vmem>>)
      } else {
      }
      %dma_wait3A_107 = arith.constant 0 : i32
      %dma_wait3A_108 = arith.constant 0 : i32
      %dma_wait3A_109 = tpu.memref_slice %arg2[%dma_wait3A_107, %dma_wait3A_108] : memref<131072x384xf32, #tpu.memory_space<hbm>> -> memref<16x384xf32, #tpu.memory_space<hbm>>
      %dma_wait3A_110 = arith.constant 0 : i32
      %dma_wait3A_111 = arith.constant 0 : i32
      %dma_wait3A_112 = tpu.memref_slice %arg2[%dma_wait3A_110, %dma_wait3A_111] : memref<131072x384xf32, #tpu.memory_space<hbm>> -> memref<16x384xf32, #tpu.memory_space<hbm>>
      tpu.wait_dma2 semaphore(%arg27 : memref<!tpu.dma_semaphore, #tpu.memory_space<semaphore_mem>>) src(%dma_wait3A_112 : memref<16x384xf32, #tpu.memory_space<hbm>>) dst(%arg17 : memref<16x384xf32, #tpu.memory_space<vmem>>)
      %dma_wait3A_113 = arith.constant 0 : i32
      %dma_wait3A_114 = arith.constant 0 : i32
      %dma_wait3A_115 = tpu.memref_slice %arg2[%dma_wait3A_113, %dma_wait3A_114] : memref<131072x384xf32, #tpu.memory_space<hbm>> -> memref<16x384xf32, #tpu.memory_space<hbm>>
      %dma_wait3A_116 = arith.constant 0 : i32
      %dma_wait3A_117 = arith.constant 0 : i32
      %dma_wait3A_118 = tpu.memref_slice %arg2[%dma_wait3A_116, %dma_wait3A_117] : memref<131072x384xf32, #tpu.memory_space<hbm>> -> memref<16x384xf32, #tpu.memory_space<hbm>>
      tpu.wait_dma2 semaphore(%arg27 : memref<!tpu.dma_semaphore, #tpu.memory_space<semaphore_mem>>) src(%dma_wait3A_118 : memref<16x384xf32, #tpu.memory_space<hbm>>) dst(%arg18 : memref<16x384xf32, #tpu.memory_space<vmem>>)
      %dma_wait3A_119 = arith.constant 0 : i32
      %dma_wait3A_120 = arith.constant 0 : i32
      %dma_wait3A_121 = tpu.memref_slice %arg2[%dma_wait3A_119, %dma_wait3A_120] : memref<131072x384xf32, #tpu.memory_space<hbm>> -> memref<16x384xf32, #tpu.memory_space<hbm>>
      %dma_wait3A_122 = arith.constant 0 : i32
      %dma_wait3A_123 = arith.constant 0 : i32
      %dma_wait3A_124 = tpu.memref_slice %arg2[%dma_wait3A_122, %dma_wait3A_123] : memref<131072x384xf32, #tpu.memory_space<hbm>> -> memref<16x384xf32, #tpu.memory_space<hbm>>
      tpu.wait_dma2 semaphore(%arg27 : memref<!tpu.dma_semaphore, #tpu.memory_space<semaphore_mem>>) src(%dma_wait3A_124 : memref<16x384xf32, #tpu.memory_space<hbm>>) dst(%arg19 : memref<16x384xf32, #tpu.memory_space<vmem>>)
      %dma_wait3A_125 = arith.constant 0 : i32
      %dma_wait3A_126 = arith.constant 0 : i32
      %dma_wait3A_127 = tpu.memref_slice %arg2[%dma_wait3A_125, %dma_wait3A_126] : memref<131072x384xf32, #tpu.memory_space<hbm>> -> memref<16x384xf32, #tpu.memory_space<hbm>>
      %dma_wait3A_128 = arith.constant 0 : i32
      %dma_wait3A_129 = arith.constant 0 : i32
      %dma_wait3A_130 = tpu.memref_slice %arg2[%dma_wait3A_128, %dma_wait3A_129] : memref<131072x384xf32, #tpu.memory_space<hbm>> -> memref<16x384xf32, #tpu.memory_space<hbm>>
      tpu.wait_dma2 semaphore(%arg27 : memref<!tpu.dma_semaphore, #tpu.memory_space<semaphore_mem>>) src(%dma_wait3A_130 : memref<16x384xf32, #tpu.memory_space<hbm>>) dst(%arg20 : memref<16x384xf32, #tpu.memory_space<vmem>>)
      %scan3A_131 = arith.constant 0 : i32
      %scan3A_132 = arith.constant 0 : i32
      %scan3A_133 = arith.constant 16 : i32
      %scan3A_134 = arith.addi %scan3A_132, %scan3A_133 : i32
      %scan3A_135 = arith.constant 1 : i32
      %scan3A_136 = scf.for %scan3A_205 = %scan3A_132 to %scan3A_134 step %scan3A_135 iter_args(%scan3A_206 = %scan3A_131) -> (i32)  : i32 {
        %mul3A_207 = arith.constant 16 : i32
        %mul3A_208 = arith.muli %mul3A_80, %mul3A_207 : i32
        %add3A_209 = arith.addi %mul3A_208, %scan3A_205 : i32
        %broadcast_in_dim3A = vector.broadcast %add3A_209 : i32 to vector<16xi32>
        %gather3A = tpu.vector_load_idx %arg12[%broadcast_in_dim3A] : memref<2048xf32, #tpu.memory_space<vmem>>[vector<16xi32>], vector<16xf32>,
        %gather3A_210 = tpu.vector_load_idx %arg13[%broadcast_in_dim3A] : memref<2048xf32, #tpu.memory_space<vmem>>[vector<16xi32>], vector<16xf32>,
        %gather3A_211 = tpu.vector_load_idx %arg14[%broadcast_in_dim3A] : memref<2048xf32, #tpu.memory_space<vmem>>[vector<16xi32>], vector<16xf32>,
        %gather3A_212 = tpu.vector_load_idx %arg15[%broadcast_in_dim3A] : memref<2048xf32, #tpu.memory_space<vmem>>[vector<16xi32>], vector<16xf32>,
        %get3A_213 = arith.index_cast %scan3A_205 : i32 to index
        %get3A_214 = arith.constant 0 : index
        %get3A_215 = tpu.vector_load %arg17[%get3A_213, %get3A_214] {strides = array<i32>} : memref<16x384xf32, #tpu.memory_space<vmem>>, vector<16xf32>,
        %mul3A_216 = arith.mulf %gather3A, %get3A_215 : vector<16xf32>
        %get3A_217 = arith.index_cast %scan3A_205 : i32 to index
        %get3A_218 = arith.constant 0 : index
        %get3A_219 = tpu.vector_load %arg18[%get3A_217, %get3A_218] {strides = array<i32>} : memref<16x384xf32, #tpu.memory_space<vmem>>, vector<16xf32>,
        %mul3A_220 = arith.mulf %gather3A_210, %get3A_219 : vector<16xf32>
        %add3A_221 = arith.addf %mul3A_216, %mul3A_220 : vector<16xf32>
        %get3A_222 = arith.index_cast %scan3A_205 : i32 to index
        %get3A_223 = arith.constant 0 : index
        %get3A_224 = tpu.vector_load %arg19[%get3A_222, %get3A_223] {strides = array<i32>} : memref<16x384xf32, #tpu.memory_space<vmem>>, vector<16xf32>,
        %mul3A_225 = arith.mulf %gather3A_211, %get3A_224 : vector<16xf32>
        %add3A_226 = arith.addf %add3A_221, %mul3A_225 : vector<16xf32>
        %get3A_227 = arith.index_cast %scan3A_205 : i32 to index
        %get3A_228 = arith.constant 0 : index
        %get3A_229 = tpu.vector_load %arg20[%get3A_227, %get3A_228] {strides = array<i32>} : memref<16x384xf32, #tpu.memory_space<vmem>>, vector<16xf32>,
        %mul3A_230 = arith.mulf %gather3A_212, %get3A_229 : vector<16xf32>
        %add3A_231 = arith.addf %add3A_226, %mul3A_230 : vector<16xf32>
        %swap3A = arith.index_cast %scan3A_205 : i32 to index
        %swap3A_232 = arith.constant 0 : index
        %swap3A_233 = tpu.vector_load %arg25[%swap3A, %swap3A_232] {strides = array<i32>} : memref<16x400xf32, #tpu.memory_space<vmem>>, vector<16xf32>,
        tpu.vector_store %arg25[%swap3A, %swap3A_232], %add3A_231 {strides = array<i32>} : memref<16x400xf32, #tpu.memory_space<vmem>>, vector<16xf32>,
        %get3A_234 = arith.index_cast %scan3A_205 : i32 to index
        %get3A_235 = arith.constant 16 : index
        %get3A_236 = tpu.vector_load %arg17[%get3A_234, %get3A_235] {strides = array<i32>} : memref<16x384xf32, #tpu.memory_space<vmem>>, vector<16xf32>,
        %mul3A_237 = arith.mulf %gather3A, %get3A_236 : vector<16xf32>
        %get3A_238 = arith.index_cast %scan3A_205 : i32 to index
        %get3A_239 = arith.constant 16 : index
        %get3A_240 = tpu.vector_load %arg18[%get3A_238, %get3A_239] {strides = array<i32>} : memref<16x384xf32, #tpu.memory_space<vmem>>, vector<16xf32>,
        %mul3A_241 = arith.mulf %gather3A_210, %get3A_240 : vector<16xf32>
        %add3A_242 = arith.addf %mul3A_237, %mul3A_241 : vector<16xf32>
        %get3A_243 = arith.index_cast %scan3A_205 : i32 to index
        %get3A_244 = arith.constant 16 : index
        %get3A_245 = tpu.vector_load %arg19[%get3A_243, %get3A_244] {strides = array<i32>} : memref<16x384xf32, #tpu.memory_space<vmem>>, vector<16xf32>,
        %mul3A_246 = arith.mulf %gather3A_211, %get3A_245 : vector<16xf32>
        %add3A_247 = arith.addf %add3A_242, %mul3A_246 : vector<16xf32>
        %get3A_248 = arith.index_cast %scan3A_205 : i32 to index
        %get3A_249 = arith.constant 16 : index
        %get3A_250 = tpu.vector_load %arg20[%get3A_248, %get3A_249] {strides = array<i32>} : memref<16x384xf32, #tpu.memory_space<vmem>>, vector<16xf32>,
        %mul3A_251 = arith.mulf %gather3A_212, %get3A_250 : vector<16xf32>
        %add3A_252 = arith.addf %add3A_247, %mul3A_251 : vector<16xf32>
        %swap3A_253 = arith.index_cast %scan3A_205 : i32 to index
        %swap3A_254 = arith.constant 16 : index
        %swap3A_255 = tpu.vector_load %arg25[%swap3A_253, %swap3A_254] {strides = array<i32>} : memref<16x400xf32, #tpu.memory_space<vmem>>, vector<16xf32>,
        tpu.vector_store %arg25[%swap3A_253, %swap3A_254], %add3A_252 {strides = array<i32>} : memref<16x400xf32, #tpu.memory_space<vmem>>, vector<16xf32>,
        %get3A_256 = arith.index_cast %scan3A_205 : i32 to index
        %get3A_257 = arith.constant 32 : index
        %get3A_258 = tpu.vector_load %arg17[%get3A_256, %get3A_257] {strides = array<i32>} : memref<16x384xf32, #tpu.memory_space<vmem>>, vector<16xf32>,
        %mul3A_259 = arith.mulf %gather3A, %get3A_258 : vector<16xf32>
        %get3A_260 = arith.index_cast %scan3A_205 : i32 to index
        %get3A_261 = arith.constant 32 : index
        %get3A_262 = tpu.vector_load %arg18[%get3A_260, %get3A_261] {strides = array<i32>} : memref<16x384xf32, #tpu.memory_space<vmem>>, vector<16xf32>,
        %mul3A_263 = arith.mulf %gather3A_210, %get3A_262 : vector<16xf32>
        %add3A_264 = arith.addf %mul3A_259, %mul3A_263 : vector<16xf32>
        %get3A_265 = arith.index_cast %scan3A_205 : i32 to index
        %get3A_266 = arith.constant 32 : index
        %get3A_267 = tpu.vector_load %arg19[%get3A_265, %get3A_266] {strides = array<i32>} : memref<16x384xf32, #tpu.memory_space<vmem>>, vector<16xf32>,
        %mul3A_268 = arith.mulf %gather3A_211, %get3A_267 : vector<16xf32>
        %add3A_269 = arith.addf %add3A_264, %mul3A_268 : vector<16xf32>
        %get3A_270 = arith.index_cast %scan3A_205 : i32 to index
        %get3A_271 = arith.constant 32 : index
        %get3A_272 = tpu.vector_load %arg20[%get3A_270, %get3A_271] {strides = array<i32>} : memref<16x384xf32, #tpu.memory_space<vmem>>, vector<16xf32>,
        %mul3A_273 = arith.mulf %gather3A_212, %get3A_272 : vector<16xf32>
        %add3A_274 = arith.addf %add3A_269, %mul3A_273 : vector<16xf32>
        %swap3A_275 = arith.index_cast %scan3A_205 : i32 to index
        %swap3A_276 = arith.constant 32 : index
        %swap3A_277 = tpu.vector_load %arg25[%swap3A_275, %swap3A_276] {strides = array<i32>} : memref<16x400xf32, #tpu.memory_space<vmem>>, vector<16xf32>,
        tpu.vector_store %arg25[%swap3A_275, %swap3A_276], %add3A_274 {strides = array<i32>} : memref<16x400xf32, #tpu.memory_space<vmem>>, vector<16xf32>,
        %get3A_278 = arith.index_cast %scan3A_205 : i32 to index
        %get3A_279 = arith.constant 48 : index
        %get3A_280 = tpu.vector_load %arg17[%get3A_278, %get3A_279] {strides = array<i32>} : memref<16x384xf32, #tpu.memory_space<vmem>>, vector<16xf32>,
        %mul3A_281 = arith.mulf %gather3A, %get3A_280 : vector<16xf32>
        %get3A_282 = arith.index_cast %scan3A_205 : i32 to index
        %get3A_283 = arith.constant 48 : index
        %get3A_284 = tpu.vector_load %arg18[%get3A_282, %get3A_283] {strides = array<i32>} : memref<16x384xf32, #tpu.memory_space<vmem>>, vector<16xf32>,
        %mul3A_285 = arith.mulf %gather3A_210, %get3A_284 : vector<16xf32>
        %add3A_286 = arith.addf %mul3A_281, %mul3A_285 : vector<16xf32>
        %get3A_287 = arith.index_cast %scan3A_205 : i32 to index
        %get3A_288 = arith.constant 48 : index
        %get3A_289 = tpu.vector_load %arg19[%get3A_287, %get3A_288] {strides = array<i32>} : memref<16x384xf32, #tpu.memory_space<vmem>>, vector<16xf32>,
        %mul3A_290 = arith.mulf %gather3A_211, %get3A_289 : vector<16xf32>
        %add3A_291 = arith.addf %add3A_286, %mul3A_290 : vector<16xf32>
        %get3A_292 = arith.index_cast %scan3A_205 : i32 to index
        %get3A_293 = arith.constant 48 : index
        %get3A_294 = tpu.vector_load %arg20[%get3A_292, %get3A_293] {strides = array<i32>} : memref<16x384xf32, #tpu.memory_space<vmem>>, vector<16xf32>,
        %mul3A_295 = arith.mulf %gather3A_212, %get3A_294 : vector<16xf32>
        %add3A_296 = arith.addf %add3A_291, %mul3A_295 : vector<16xf32>
        %swap3A_297 = arith.index_cast %scan3A_205 : i32 to index
        %swap3A_298 = arith.constant 48 : index
        %swap3A_299 = tpu.vector_load %arg25[%swap3A_297, %swap3A_298] {strides = array<i32>} : memref<16x400xf32, #tpu.memory_space<vmem>>, vector<16xf32>,
        tpu.vector_store %arg25[%swap3A_297, %swap3A_298], %add3A_296 {strides = array<i32>} : memref<16x400xf32, #tpu.memory_space<vmem>>, vector<16xf32>,
        %get3A_300 = arith.index_cast %scan3A_205 : i32 to index
        %get3A_301 = arith.constant 64 : index
        %get3A_302 = tpu.vector_load %arg17[%get3A_300, %get3A_301] {strides = array<i32>} : memref<16x384xf32, #tpu.memory_space<vmem>>, vector<16xf32>,
        %mul3A_303 = arith.mulf %gather3A, %get3A_302 : vector<16xf32>
        %get3A_304 = arith.index_cast %scan3A_205 : i32 to index
        %get3A_305 = arith.constant 64 : index
        %get3A_306 = tpu.vector_load %arg18[%get3A_304, %get3A_305] {strides = array<i32>} : memref<16x384xf32, #tpu.memory_space<vmem>>, vector<16xf32>,
        %mul3A_307 = arith.mulf %gather3A_210, %get3A_306 : vector<16xf32>
        %add3A_308 = arith.addf %mul3A_303, %mul3A_307 : vector<16xf32>
        %get3A_309 = arith.index_cast %scan3A_205 : i32 to index
        %get3A_310 = arith.constant 64 : index
        %get3A_311 = tpu.vector_load %arg19[%get3A_309, %get3A_310] {strides = array<i32>} : memref<16x384xf32, #tpu.memory_space<vmem>>, vector<16xf32>,
        %mul3A_312 = arith.mulf %gather3A_211, %get3A_311 : vector<16xf32>
        %add3A_313 = arith.addf %add3A_308, %mul3A_312 : vector<16xf32>
        %get3A_314 = arith.index_cast %scan3A_205 : i32 to index
        %get3A_315 = arith.constant 64 : index
        %get3A_316 = tpu.vector_load %arg20[%get3A_314, %get3A_315] {strides = array<i32>} : memref<16x384xf32, #tpu.memory_space<vmem>>, vector<16xf32>,
        %mul3A_317 = arith.mulf %gather3A_212, %get3A_316 : vector<16xf32>
        %add3A_318 = arith.addf %add3A_313, %mul3A_317 : vector<16xf32>
        %swap3A_319 = arith.index_cast %scan3A_205 : i32 to index
        %swap3A_320 = arith.constant 64 : index
        %swap3A_321 = tpu.vector_load %arg25[%swap3A_319, %swap3A_320] {strides = array<i32>} : memref<16x400xf32, #tpu.memory_space<vmem>>, vector<16xf32>,
        tpu.vector_store %arg25[%swap3A_319, %swap3A_320], %add3A_318 {strides = array<i32>} : memref<16x400xf32, #tpu.memory_space<vmem>>, vector<16xf32>,
        %get3A_322 = arith.index_cast %scan3A_205 : i32 to index
        %get3A_323 = arith.constant 80 : index
        %get3A_324 = tpu.vector_load %arg17[%get3A_322, %get3A_323] {strides = array<i32>} : memref<16x384xf32, #tpu.memory_space<vmem>>, vector<16xf32>,
        %mul3A_325 = arith.mulf %gather3A, %get3A_324 : vector<16xf32>
        %get3A_326 = arith.index_cast %scan3A_205 : i32 to index
        %get3A_327 = arith.constant 80 : index
        %get3A_328 = tpu.vector_load %arg18[%get3A_326, %get3A_327] {strides = array<i32>} : memref<16x384xf32, #tpu.memory_space<vmem>>, vector<16xf32>,
        %mul3A_329 = arith.mulf %gather3A_210, %get3A_328 : vector<16xf32>
        %add3A_330 = arith.addf %mul3A_325, %mul3A_329 : vector<16xf32>
        %get3A_331 = arith.index_cast %scan3A_205 : i32 to index
        %get3A_332 = arith.constant 80 : index
        %get3A_333 = tpu.vector_load %arg19[%get3A_331, %get3A_332] {strides = array<i32>} : memref<16x384xf32, #tpu.memory_space<vmem>>, vector<16xf32>,
        %mul3A_334 = arith.mulf %gather3A_211, %get3A_333 : vector<16xf32>
        %add3A_335 = arith.addf %add3A_330, %mul3A_334 : vector<16xf32>
        %get3A_336 = arith.index_cast %scan3A_205 : i32 to index
        %get3A_337 = arith.constant 80 : index
        %get3A_338 = tpu.vector_load %arg20[%get3A_336, %get3A_337] {strides = array<i32>} : memref<16x384xf32, #tpu.memory_space<vmem>>, vector<16xf32>,
        %mul3A_339 = arith.mulf %gather3A_212, %get3A_338 : vector<16xf32>
        %add3A_340 = arith.addf %add3A_335, %mul3A_339 : vector<16xf32>
        %swap3A_341 = arith.index_cast %scan3A_205 : i32 to index
        %swap3A_342 = arith.constant 80 : index
        %swap3A_343 = tpu.vector_load %arg25[%swap3A_341, %swap3A_342] {strides = array<i32>} : memref<16x400xf32, #tpu.memory_space<vmem>>, vector<16xf32>,
        tpu.vector_store %arg25[%swap3A_341, %swap3A_342], %add3A_340 {strides = array<i32>} : memref<16x400xf32, #tpu.memory_space<vmem>>, vector<16xf32>,
        %get3A_344 = arith.index_cast %scan3A_205 : i32 to index
        %get3A_345 = arith.constant 96 : index
        %get3A_346 = tpu.vector_load %arg17[%get3A_344, %get3A_345] {strides = array<i32>} : memref<16x384xf32, #tpu.memory_space<vmem>>, vector<16xf32>,
        %mul3A_347 = arith.mulf %gather3A, %get3A_346 : vector<16xf32>
        %get3A_348 = arith.index_cast %scan3A_205 : i32 to index
        %get3A_349 = arith.constant 96 : index
        %get3A_350 = tpu.vector_load %arg18[%get3A_348, %get3A_349] {strides = array<i32>} : memref<16x384xf32, #tpu.memory_space<vmem>>, vector<16xf32>,
        %mul3A_351 = arith.mulf %gather3A_210, %get3A_350 : vector<16xf32>
        %add3A_352 = arith.addf %mul3A_347, %mul3A_351 : vector<16xf32>
        %get3A_353 = arith.index_cast %scan3A_205 : i32 to index
        %get3A_354 = arith.constant 96 : index
        %get3A_355 = tpu.vector_load %arg19[%get3A_353, %get3A_354] {strides = array<i32>} : memref<16x384xf32, #tpu.memory_space<vmem>>, vector<16xf32>,
        %mul3A_356 = arith.mulf %gather3A_211, %get3A_355 : vector<16xf32>
        %add3A_357 = arith.addf %add3A_352, %mul3A_356 : vector<16xf32>
        %get3A_358 = arith.index_cast %scan3A_205 : i32 to index
        %get3A_359 = arith.constant 96 : index
        %get3A_360 = tpu.vector_load %arg20[%get3A_358, %get3A_359] {strides = array<i32>} : memref<16x384xf32, #tpu.memory_space<vmem>>, vector<16xf32>,
        %mul3A_361 = arith.mulf %gather3A_212, %get3A_360 : vector<16xf32>
        %add3A_362 = arith.addf %add3A_357, %mul3A_361 : vector<16xf32>
        %swap3A_363 = arith.index_cast %scan3A_205 : i32 to index
        %swap3A_364 = arith.constant 96 : index
        %swap3A_365 = tpu.vector_load %arg25[%swap3A_363, %swap3A_364] {strides = array<i32>} : memref<16x400xf32, #tpu.memory_space<vmem>>, vector<16xf32>,
        tpu.vector_store %arg25[%swap3A_363, %swap3A_364], %add3A_362 {strides = array<i32>} : memref<16x400xf32, #tpu.memory_space<vmem>>, vector<16xf32>,
        %get3A_366 = arith.index_cast %scan3A_205 : i32 to index
        %get3A_367 = arith.constant 112 : index
        %get3A_368 = tpu.vector_load %arg17[%get3A_366, %get3A_367] {strides = array<i32>} : memref<16x384xf32, #tpu.memory_space<vmem>>, vector<16xf32>,
        %mul3A_369 = arith.mulf %gather3A, %get3A_368 : vector<16xf32>
        %get3A_370 = arith.index_cast %scan3A_205 : i32 to index
        %get3A_371 = arith.constant 112 : index
        %get3A_372 = tpu.vector_load %arg18[%get3A_370, %get3A_371] {strides = array<i32>} : memref<16x384xf32, #tpu.memory_space<vmem>>, vector<16xf32>,
        %mul3A_373 = arith.mulf %gather3A_210, %get3A_372 : vector<16xf32>
        %add3A_374 = arith.addf %mul3A_369, %mul3A_373 : vector<16xf32>
        %get3A_375 = arith.index_cast %scan3A_205 : i32 to index
        %get3A_376 = arith.constant 112 : index
        %get3A_377 = tpu.vector_load %arg19[%get3A_375, %get3A_376] {strides = array<i32>} : memref<16x384xf32, #tpu.memory_space<vmem>>, vector<16xf32>,
        %mul3A_378 = arith.mulf %gather3A_211, %get3A_377 : vector<16xf32>
        %add3A_379 = arith.addf %add3A_374, %mul3A_378 : vector<16xf32>
        %get3A_380 = arith.index_cast %scan3A_205 : i32 to index
        %get3A_381 = arith.constant 112 : index
        %get3A_382 = tpu.vector_load %arg20[%get3A_380, %get3A_381] {strides = array<i32>} : memref<16x384xf32, #tpu.memory_space<vmem>>, vector<16xf32>,
        %mul3A_383 = arith.mulf %gather3A_212, %get3A_382 : vector<16xf32>
        %add3A_384 = arith.addf %add3A_379, %mul3A_383 : vector<16xf32>
        %swap3A_385 = arith.index_cast %scan3A_205 : i32 to index
        %swap3A_386 = arith.constant 112 : index
        %swap3A_387 = tpu.vector_load %arg25[%swap3A_385, %swap3A_386] {strides = array<i32>} : memref<16x400xf32, #tpu.memory_space<vmem>>, vector<16xf32>,
        tpu.vector_store %arg25[%swap3A_385, %swap3A_386], %add3A_384 {strides = array<i32>} : memref<16x400xf32, #tpu.memory_space<vmem>>, vector<16xf32>,
        %get3A_388 = arith.index_cast %scan3A_205 : i32 to index
        %get3A_389 = arith.constant 128 : index
        %get3A_390 = tpu.vector_load %arg17[%get3A_388, %get3A_389] {strides = array<i32>} : memref<16x384xf32, #tpu.memory_space<vmem>>, vector<16xf32>,
        %mul3A_391 = arith.mulf %gather3A, %get3A_390 : vector<16xf32>
        %get3A_392 = arith.index_cast %scan3A_205 : i32 to index
        %get3A_393 = arith.constant 128 : index
        %get3A_394 = tpu.vector_load %arg18[%get3A_392, %get3A_393] {strides = array<i32>} : memref<16x384xf32, #tpu.memory_space<vmem>>, vector<16xf32>,
        %mul3A_395 = arith.mulf %gather3A_210, %get3A_394 : vector<16xf32>
        %add3A_396 = arith.addf %mul3A_391, %mul3A_395 : vector<16xf32>
        %get3A_397 = arith.index_cast %scan3A_205 : i32 to index
        %get3A_398 = arith.constant 128 : index
        %get3A_399 = tpu.vector_load %arg19[%get3A_397, %get3A_398] {strides = array<i32>} : memref<16x384xf32, #tpu.memory_space<vmem>>, vector<16xf32>,
        %mul3A_400 = arith.mulf %gather3A_211, %get3A_399 : vector<16xf32>
        %add3A_401 = arith.addf %add3A_396, %mul3A_400 : vector<16xf32>
        %get3A_402 = arith.index_cast %scan3A_205 : i32 to index
        %get3A_403 = arith.constant 128 : index
        %get3A_404 = tpu.vector_load %arg20[%get3A_402, %get3A_403] {strides = array<i32>} : memref<16x384xf32, #tpu.memory_space<vmem>>, vector<16xf32>,
        %mul3A_405 = arith.mulf %gather3A_212, %get3A_404 : vector<16xf32>
        %add3A_406 = arith.addf %add3A_401, %mul3A_405 : vector<16xf32>
        %swap3A_407 = arith.index_cast %scan3A_205 : i32 to index
        %swap3A_408 = arith.constant 128 : index
        %swap3A_409 = tpu.vector_load %arg25[%swap3A_407, %swap3A_408] {strides = array<i32>} : memref<16x400xf32, #tpu.memory_space<vmem>>, vector<16xf32>,
        tpu.vector_store %arg25[%swap3A_407, %swap3A_408], %add3A_406 {strides = array<i32>} : memref<16x400xf32, #tpu.memory_space<vmem>>, vector<16xf32>,
        %get3A_410 = arith.index_cast %scan3A_205 : i32 to index
        %get3A_411 = arith.constant 144 : index
        %get3A_412 = tpu.vector_load %arg17[%get3A_410, %get3A_411] {strides = array<i32>} : memref<16x384xf32, #tpu.memory_space<vmem>>, vector<16xf32>,
        %mul3A_413 = arith.mulf %gather3A, %get3A_412 : vector<16xf32>
        %get3A_414 = arith.index_cast %scan3A_205 : i32 to index
        %get3A_415 = arith.constant 144 : index
        %get3A_416 = tpu.vector_load %arg18[%get3A_414, %get3A_415] {strides = array<i32>} : memref<16x384xf32, #tpu.memory_space<vmem>>, vector<16xf32>,
        %mul3A_417 = arith.mulf %gather3A_210, %get3A_416 : vector<16xf32>
        %add3A_418 = arith.addf %mul3A_413, %mul3A_417 : vector<16xf32>
        %get3A_419 = arith.index_cast %scan3A_205 : i32 to index
        %get3A_420 = arith.constant 144 : index
        %get3A_421 = tpu.vector_load %arg19[%get3A_419, %get3A_420] {strides = array<i32>} : memref<16x384xf32, #tpu.memory_space<vmem>>, vector<16xf32>,
        %mul3A_422 = arith.mulf %gather3A_211, %get3A_421 : vector<16xf32>
        %add3A_423 = arith.addf %add3A_418, %mul3A_422 : vector<16xf32>
        %get3A_424 = arith.index_cast %scan3A_205 : i32 to index
        %get3A_425 = arith.constant 144 : index
        %get3A_426 = tpu.vector_load %arg20[%get3A_424, %get3A_425] {strides = array<i32>} : memref<16x384xf32, #tpu.memory_space<vmem>>, vector<16xf32>,
        %mul3A_427 = arith.mulf %gather3A_212, %get3A_426 : vector<16xf32>
        %add3A_428 = arith.addf %add3A_423, %mul3A_427 : vector<16xf32>
        %swap3A_429 = arith.index_cast %scan3A_205 : i32 to index
        %swap3A_430 = arith.constant 144 : index
        %swap3A_431 = tpu.vector_load %arg25[%swap3A_429, %swap3A_430] {strides = array<i32>} : memref<16x400xf32, #tpu.memory_space<vmem>>, vector<16xf32>,
        tpu.vector_store %arg25[%swap3A_429, %swap3A_430], %add3A_428 {strides = array<i32>} : memref<16x400xf32, #tpu.memory_space<vmem>>, vector<16xf32>,
        %get3A_432 = arith.index_cast %scan3A_205 : i32 to index
        %get3A_433 = arith.constant 160 : index
        %get3A_434 = tpu.vector_load %arg17[%get3A_432, %get3A_433] {strides = array<i32>} : memref<16x384xf32, #tpu.memory_space<vmem>>, vector<16xf32>,
        %mul3A_435 = arith.mulf %gather3A, %get3A_434 : vector<16xf32>
        %get3A_436 = arith.index_cast %scan3A_205 : i32 to index
        %get3A_437 = arith.constant 160 : index
        %get3A_438 = tpu.vector_load %arg18[%get3A_436, %get3A_437] {strides = array<i32>} : memref<16x384xf32, #tpu.memory_space<vmem>>, vector<16xf32>,
        %mul3A_439 = arith.mulf %gather3A_210, %get3A_438 : vector<16xf32>
        %add3A_440 = arith.addf %mul3A_435, %mul3A_439 : vector<16xf32>
        %get3A_441 = arith.index_cast %scan3A_205 : i32 to index
        %get3A_442 = arith.constant 160 : index
        %get3A_443 = tpu.vector_load %arg19[%get3A_441, %get3A_442] {strides = array<i32>} : memref<16x384xf32, #tpu.memory_space<vmem>>, vector<16xf32>,
        %mul3A_444 = arith.mulf %gather3A_211, %get3A_443 : vector<16xf32>
        %add3A_445 = arith.addf %add3A_440, %mul3A_444 : vector<16xf32>
        %get3A_446 = arith.index_cast %scan3A_205 : i32 to index
        %get3A_447 = arith.constant 160 : index
        %get3A_448 = tpu.vector_load %arg20[%get3A_446, %get3A_447] {strides = array<i32>} : memref<16x384xf32, #tpu.memory_space<vmem>>, vector<16xf32>,
        %mul3A_449 = arith.mulf %gather3A_212, %get3A_448 : vector<16xf32>
        %add3A_450 = arith.addf %add3A_445, %mul3A_449 : vector<16xf32>
        %swap3A_451 = arith.index_cast %scan3A_205 : i32 to index
        %swap3A_452 = arith.constant 160 : index
        %swap3A_453 = tpu.vector_load %arg25[%swap3A_451, %swap3A_452] {strides = array<i32>} : memref<16x400xf32, #tpu.memory_space<vmem>>, vector<16xf32>,
        tpu.vector_store %arg25[%swap3A_451, %swap3A_452], %add3A_450 {strides = array<i32>} : memref<16x400xf32, #tpu.memory_space<vmem>>, vector<16xf32>,
        %get3A_454 = arith.index_cast %scan3A_205 : i32 to index
        %get3A_455 = arith.constant 176 : index
        %get3A_456 = tpu.vector_load %arg17[%get3A_454, %get3A_455] {strides = array<i32>} : memref<16x384xf32, #tpu.memory_space<vmem>>, vector<16xf32>,
        %mul3A_457 = arith.mulf %gather3A, %get3A_456 : vector<16xf32>
        %get3A_458 = arith.index_cast %scan3A_205 : i32 to index
        %get3A_459 = arith.constant 176 : index
        %get3A_460 = tpu.vector_load %arg18[%get3A_458, %get3A_459] {strides = array<i32>} : memref<16x384xf32, #tpu.memory_space<vmem>>, vector<16xf32>,
        %mul3A_461 = arith.mulf %gather3A_210, %get3A_460 : vector<16xf32>
        %add3A_462 = arith.addf %mul3A_457, %mul3A_461 : vector<16xf32>
        %get3A_463 = arith.index_cast %scan3A_205 : i32 to index
        %get3A_464 = arith.constant 176 : index
        %get3A_465 = tpu.vector_load %arg19[%get3A_463, %get3A_464] {strides = array<i32>} : memref<16x384xf32, #tpu.memory_space<vmem>>, vector<16xf32>,
        %mul3A_466 = arith.mulf %gather3A_211, %get3A_465 : vector<16xf32>
        %add3A_467 = arith.addf %add3A_462, %mul3A_466 : vector<16xf32>
        %get3A_468 = arith.index_cast %scan3A_205 : i32 to index
        %get3A_469 = arith.constant 176 : index
        %get3A_470 = tpu.vector_load %arg20[%get3A_468, %get3A_469] {strides = array<i32>} : memref<16x384xf32, #tpu.memory_space<vmem>>, vector<16xf32>,
        %mul3A_471 = arith.mulf %gather3A_212, %get3A_470 : vector<16xf32>
        %add3A_472 = arith.addf %add3A_467, %mul3A_471 : vector<16xf32>
        %swap3A_473 = arith.index_cast %scan3A_205 : i32 to index
        %swap3A_474 = arith.constant 176 : index
        %swap3A_475 = tpu.vector_load %arg25[%swap3A_473, %swap3A_474] {strides = array<i32>} : memref<16x400xf32, #tpu.memory_space<vmem>>, vector<16xf32>,
        tpu.vector_store %arg25[%swap3A_473, %swap3A_474], %add3A_472 {strides = array<i32>} : memref<16x400xf32, #tpu.memory_space<vmem>>, vector<16xf32>,
        %get3A_476 = arith.index_cast %scan3A_205 : i32 to index
        %get3A_477 = arith.constant 192 : index
        %get3A_478 = tpu.vector_load %arg17[%get3A_476, %get3A_477] {strides = array<i32>} : memref<16x384xf32, #tpu.memory_space<vmem>>, vector<16xf32>,
        %mul3A_479 = arith.mulf %gather3A, %get3A_478 : vector<16xf32>
        %get3A_480 = arith.index_cast %scan3A_205 : i32 to index
        %get3A_481 = arith.constant 192 : index
        %get3A_482 = tpu.vector_load %arg18[%get3A_480, %get3A_481] {strides = array<i32>} : memref<16x384xf32, #tpu.memory_space<vmem>>, vector<16xf32>,
        %mul3A_483 = arith.mulf %gather3A_210, %get3A_482 : vector<16xf32>
        %add3A_484 = arith.addf %mul3A_479, %mul3A_483 : vector<16xf32>
        %get3A_485 = arith.index_cast %scan3A_205 : i32 to index
        %get3A_486 = arith.constant 192 : index
        %get3A_487 = tpu.vector_load %arg19[%get3A_485, %get3A_486] {strides = array<i32>} : memref<16x384xf32, #tpu.memory_space<vmem>>, vector<16xf32>,
        %mul3A_488 = arith.mulf %gather3A_211, %get3A_487 : vector<16xf32>
        %add3A_489 = arith.addf %add3A_484, %mul3A_488 : vector<16xf32>
        %get3A_490 = arith.index_cast %scan3A_205 : i32 to index
        %get3A_491 = arith.constant 192 : index
        %get3A_492 = tpu.vector_load %arg20[%get3A_490, %get3A_491] {strides = array<i32>} : memref<16x384xf32, #tpu.memory_space<vmem>>, vector<16xf32>,
        %mul3A_493 = arith.mulf %gather3A_212, %get3A_492 : vector<16xf32>
        %add3A_494 = arith.addf %add3A_489, %mul3A_493 : vector<16xf32>
        %swap3A_495 = arith.index_cast %scan3A_205 : i32 to index
        %swap3A_496 = arith.constant 192 : index
        %swap3A_497 = tpu.vector_load %arg25[%swap3A_495, %swap3A_496] {strides = array<i32>} : memref<16x400xf32, #tpu.memory_space<vmem>>, vector<16xf32>,
        tpu.vector_store %arg25[%swap3A_495, %swap3A_496], %add3A_494 {strides = array<i32>} : memref<16x400xf32, #tpu.memory_space<vmem>>, vector<16xf32>,
        %get3A_498 = arith.index_cast %scan3A_205 : i32 to index
        %get3A_499 = arith.constant 208 : index
        %get3A_500 = tpu.vector_load %arg17[%get3A_498, %get3A_499] {strides = array<i32>} : memref<16x384xf32, #tpu.memory_space<vmem>>, vector<16xf32>,
        %mul3A_501 = arith.mulf %gather3A, %get3A_500 : vector<16xf32>
        %get3A_502 = arith.index_cast %scan3A_205 : i32 to index
        %get3A_503 = arith.constant 208 : index
        %get3A_504 = tpu.vector_load %arg18[%get3A_502, %get3A_503] {strides = array<i32>} : memref<16x384xf32, #tpu.memory_space<vmem>>, vector<16xf32>,
        %mul3A_505 = arith.mulf %gather3A_210, %get3A_504 : vector<16xf32>
        %add3A_506 = arith.addf %mul3A_501, %mul3A_505 : vector<16xf32>
        %get3A_507 = arith.index_cast %scan3A_205 : i32 to index
        %get3A_508 = arith.constant 208 : index
        %get3A_509 = tpu.vector_load %arg19[%get3A_507, %get3A_508] {strides = array<i32>} : memref<16x384xf32, #tpu.memory_space<vmem>>, vector<16xf32>,
        %mul3A_510 = arith.mulf %gather3A_211, %get3A_509 : vector<16xf32>
        %add3A_511 = arith.addf %add3A_506, %mul3A_510 : vector<16xf32>
        %get3A_512 = arith.index_cast %scan3A_205 : i32 to index
        %get3A_513 = arith.constant 208 : index
        %get3A_514 = tpu.vector_load %arg20[%get3A_512, %get3A_513] {strides = array<i32>} : memref<16x384xf32, #tpu.memory_space<vmem>>, vector<16xf32>,
        %mul3A_515 = arith.mulf %gather3A_212, %get3A_514 : vector<16xf32>
        %add3A_516 = arith.addf %add3A_511, %mul3A_515 : vector<16xf32>
        %swap3A_517 = arith.index_cast %scan3A_205 : i32 to index
        %swap3A_518 = arith.constant 208 : index
        %swap3A_519 = tpu.vector_load %arg25[%swap3A_517, %swap3A_518] {strides = array<i32>} : memref<16x400xf32, #tpu.memory_space<vmem>>, vector<16xf32>,
        tpu.vector_store %arg25[%swap3A_517, %swap3A_518], %add3A_516 {strides = array<i32>} : memref<16x400xf32, #tpu.memory_space<vmem>>, vector<16xf32>,
        %get3A_520 = arith.index_cast %scan3A_205 : i32 to index
        %get3A_521 = arith.constant 224 : index
        %get3A_522 = tpu.vector_load %arg17[%get3A_520, %get3A_521] {strides = array<i32>} : memref<16x384xf32, #tpu.memory_space<vmem>>, vector<16xf32>,
        %mul3A_523 = arith.mulf %gather3A, %get3A_522 : vector<16xf32>
        %get3A_524 = arith.index_cast %scan3A_205 : i32 to index
        %get3A_525 = arith.constant 224 : index
        %get3A_526 = tpu.vector_load %arg18[%get3A_524, %get3A_525] {strides = array<i32>} : memref<16x384xf32, #tpu.memory_space<vmem>>, vector<16xf32>,
        %mul3A_527 = arith.mulf %gather3A_210, %get3A_526 : vector<16xf32>
        %add3A_528 = arith.addf %mul3A_523, %mul3A_527 : vector<16xf32>
        %get3A_529 = arith.index_cast %scan3A_205 : i32 to index
        %get3A_530 = arith.constant 224 : index
        %get3A_531 = tpu.vector_load %arg19[%get3A_529, %get3A_530] {strides = array<i32>} : memref<16x384xf32, #tpu.memory_space<vmem>>, vector<16xf32>,
        %mul3A_532 = arith.mulf %gather3A_211, %get3A_531 : vector<16xf32>
        %add3A_533 = arith.addf %add3A_528, %mul3A_532 : vector<16xf32>
        %get3A_534 = arith.index_cast %scan3A_205 : i32 to index
        %get3A_535 = arith.constant 224 : index
        %get3A_536 = tpu.vector_load %arg20[%get3A_534, %get3A_535] {strides = array<i32>} : memref<16x384xf32, #tpu.memory_space<vmem>>, vector<16xf32>,
        %mul3A_537 = arith.mulf %gather3A_212, %get3A_536 : vector<16xf32>
        %add3A_538 = arith.addf %add3A_533, %mul3A_537 : vector<16xf32>
        %swap3A_539 = arith.index_cast %scan3A_205 : i32 to index
        %swap3A_540 = arith.constant 224 : index
        %swap3A_541 = tpu.vector_load %arg25[%swap3A_539, %swap3A_540] {strides = array<i32>} : memref<16x400xf32, #tpu.memory_space<vmem>>, vector<16xf32>,
        tpu.vector_store %arg25[%swap3A_539, %swap3A_540], %add3A_538 {strides = array<i32>} : memref<16x400xf32, #tpu.memory_space<vmem>>, vector<16xf32>,
        %get3A_542 = arith.index_cast %scan3A_205 : i32 to index
        %get3A_543 = arith.constant 240 : index
        %get3A_544 = tpu.vector_load %arg17[%get3A_542, %get3A_543] {strides = array<i32>} : memref<16x384xf32, #tpu.memory_space<vmem>>, vector<16xf32>,
        %mul3A_545 = arith.mulf %gather3A, %get3A_544 : vector<16xf32>
        %get3A_546 = arith.index_cast %scan3A_205 : i32 to index
        %get3A_547 = arith.constant 240 : index
        %get3A_548 = tpu.vector_load %arg18[%get3A_546, %get3A_547] {strides = array<i32>} : memref<16x384xf32, #tpu.memory_space<vmem>>, vector<16xf32>,
        %mul3A_549 = arith.mulf %gather3A_210, %get3A_548 : vector<16xf32>
        %add3A_550 = arith.addf %mul3A_545, %mul3A_549 : vector<16xf32>
        %get3A_551 = arith.index_cast %scan3A_205 : i32 to index
        %get3A_552 = arith.constant 240 : index
        %get3A_553 = tpu.vector_load %arg19[%get3A_551, %get3A_552] {strides = array<i32>} : memref<16x384xf32, #tpu.memory_space<vmem>>, vector<16xf32>,
        %mul3A_554 = arith.mulf %gather3A_211, %get3A_553 : vector<16xf32>
        %add3A_555 = arith.addf %add3A_550, %mul3A_554 : vector<16xf32>
        %get3A_556 = arith.index_cast %scan3A_205 : i32 to index
        %get3A_557 = arith.constant 240 : index
        %get3A_558 = tpu.vector_load %arg20[%get3A_556, %get3A_557] {strides = array<i32>} : memref<16x384xf32, #tpu.memory_space<vmem>>, vector<16xf32>,
        %mul3A_559 = arith.mulf %gather3A_212, %get3A_558 : vector<16xf32>
        %add3A_560 = arith.addf %add3A_555, %mul3A_559 : vector<16xf32>
        %swap3A_561 = arith.index_cast %scan3A_205 : i32 to index
        %swap3A_562 = arith.constant 240 : index
        %swap3A_563 = tpu.vector_load %arg25[%swap3A_561, %swap3A_562] {strides = array<i32>} : memref<16x400xf32, #tpu.memory_space<vmem>>, vector<16xf32>,
        tpu.vector_store %arg25[%swap3A_561, %swap3A_562], %add3A_560 {strides = array<i32>} : memref<16x400xf32, #tpu.memory_space<vmem>>, vector<16xf32>,
        %get3A_564 = arith.index_cast %scan3A_205 : i32 to index
        %get3A_565 = arith.constant 256 : index
        %get3A_566 = tpu.vector_load %arg17[%get3A_564, %get3A_565] {strides = array<i32>} : memref<16x384xf32, #tpu.memory_space<vmem>>, vector<16xf32>,
        %mul3A_567 = arith.mulf %gather3A, %get3A_566 : vector<16xf32>
        %get3A_568 = arith.index_cast %scan3A_205 : i32 to index
        %get3A_569 = arith.constant 256 : index
        %get3A_570 = tpu.vector_load %arg18[%get3A_568, %get3A_569] {strides = array<i32>} : memref<16x384xf32, #tpu.memory_space<vmem>>, vector<16xf32>,
        %mul3A_571 = arith.mulf %gather3A_210, %get3A_570 : vector<16xf32>
        %add3A_572 = arith.addf %mul3A_567, %mul3A_571 : vector<16xf32>
        %get3A_573 = arith.index_cast %scan3A_205 : i32 to index
        %get3A_574 = arith.constant 256 : index
        %get3A_575 = tpu.vector_load %arg19[%get3A_573, %get3A_574] {strides = array<i32>} : memref<16x384xf32, #tpu.memory_space<vmem>>, vector<16xf32>,
        %mul3A_576 = arith.mulf %gather3A_211, %get3A_575 : vector<16xf32>
        %add3A_577 = arith.addf %add3A_572, %mul3A_576 : vector<16xf32>
        %get3A_578 = arith.index_cast %scan3A_205 : i32 to index
        %get3A_579 = arith.constant 256 : index
        %get3A_580 = tpu.vector_load %arg20[%get3A_578, %get3A_579] {strides = array<i32>} : memref<16x384xf32, #tpu.memory_space<vmem>>, vector<16xf32>,
        %mul3A_581 = arith.mulf %gather3A_212, %get3A_580 : vector<16xf32>
        %add3A_582 = arith.addf %add3A_577, %mul3A_581 : vector<16xf32>
        %swap3A_583 = arith.index_cast %scan3A_205 : i32 to index
        %swap3A_584 = arith.constant 256 : index
        %swap3A_585 = tpu.vector_load %arg25[%swap3A_583, %swap3A_584] {strides = array<i32>} : memref<16x400xf32, #tpu.memory_space<vmem>>, vector<16xf32>,
        tpu.vector_store %arg25[%swap3A_583, %swap3A_584], %add3A_582 {strides = array<i32>} : memref<16x400xf32, #tpu.memory_space<vmem>>, vector<16xf32>,
        %get3A_586 = arith.index_cast %scan3A_205 : i32 to index
        %get3A_587 = arith.constant 272 : index
        %get3A_588 = tpu.vector_load %arg17[%get3A_586, %get3A_587] {strides = array<i32>} : memref<16x384xf32, #tpu.memory_space<vmem>>, vector<16xf32>,
        %mul3A_589 = arith.mulf %gather3A, %get3A_588 : vector<16xf32>
        %get3A_590 = arith.index_cast %scan3A_205 : i32 to index
        %get3A_591 = arith.constant 272 : index
        %get3A_592 = tpu.vector_load %arg18[%get3A_590, %get3A_591] {strides = array<i32>} : memref<16x384xf32, #tpu.memory_space<vmem>>, vector<16xf32>,
        %mul3A_593 = arith.mulf %gather3A_210, %get3A_592 : vector<16xf32>
        %add3A_594 = arith.addf %mul3A_589, %mul3A_593 : vector<16xf32>
        %get3A_595 = arith.index_cast %scan3A_205 : i32 to index
        %get3A_596 = arith.constant 272 : index
        %get3A_597 = tpu.vector_load %arg19[%get3A_595, %get3A_596] {strides = array<i32>} : memref<16x384xf32, #tpu.memory_space<vmem>>, vector<16xf32>,
        %mul3A_598 = arith.mulf %gather3A_211, %get3A_597 : vector<16xf32>
        %add3A_599 = arith.addf %add3A_594, %mul3A_598 : vector<16xf32>
        %get3A_600 = arith.index_cast %scan3A_205 : i32 to index
        %get3A_601 = arith.constant 272 : index
        %get3A_602 = tpu.vector_load %arg20[%get3A_600, %get3A_601] {strides = array<i32>} : memref<16x384xf32, #tpu.memory_space<vmem>>, vector<16xf32>,
        %mul3A_603 = arith.mulf %gather3A_212, %get3A_602 : vector<16xf32>
        %add3A_604 = arith.addf %add3A_599, %mul3A_603 : vector<16xf32>
        %swap3A_605 = arith.index_cast %scan3A_205 : i32 to index
        %swap3A_606 = arith.constant 272 : index
        %swap3A_607 = tpu.vector_load %arg25[%swap3A_605, %swap3A_606] {strides = array<i32>} : memref<16x400xf32, #tpu.memory_space<vmem>>, vector<16xf32>,
        tpu.vector_store %arg25[%swap3A_605, %swap3A_606], %add3A_604 {strides = array<i32>} : memref<16x400xf32, #tpu.memory_space<vmem>>, vector<16xf32>,
        %get3A_608 = arith.index_cast %scan3A_205 : i32 to index
        %get3A_609 = arith.constant 288 : index
        %get3A_610 = tpu.vector_load %arg17[%get3A_608, %get3A_609] {strides = array<i32>} : memref<16x384xf32, #tpu.memory_space<vmem>>, vector<16xf32>,
        %mul3A_611 = arith.mulf %gather3A, %get3A_610 : vector<16xf32>
        %get3A_612 = arith.index_cast %scan3A_205 : i32 to index
        %get3A_613 = arith.constant 288 : index
        %get3A_614 = tpu.vector_load %arg18[%get3A_612, %get3A_613] {strides = array<i32>} : memref<16x384xf32, #tpu.memory_space<vmem>>, vector<16xf32>,
        %mul3A_615 = arith.mulf %gather3A_210, %get3A_614 : vector<16xf32>
        %add3A_616 = arith.addf %mul3A_611, %mul3A_615 : vector<16xf32>
        %get3A_617 = arith.index_cast %scan3A_205 : i32 to index
        %get3A_618 = arith.constant 288 : index
        %get3A_619 = tpu.vector_load %arg19[%get3A_617, %get3A_618] {strides = array<i32>} : memref<16x384xf32, #tpu.memory_space<vmem>>, vector<16xf32>,
        %mul3A_620 = arith.mulf %gather3A_211, %get3A_619 : vector<16xf32>
        %add3A_621 = arith.addf %add3A_616, %mul3A_620 : vector<16xf32>
        %get3A_622 = arith.index_cast %scan3A_205 : i32 to index
        %get3A_623 = arith.constant 288 : index
        %get3A_624 = tpu.vector_load %arg20[%get3A_622, %get3A_623] {strides = array<i32>} : memref<16x384xf32, #tpu.memory_space<vmem>>, vector<16xf32>,
        %mul3A_625 = arith.mulf %gather3A_212, %get3A_624 : vector<16xf32>
        %add3A_626 = arith.addf %add3A_621, %mul3A_625 : vector<16xf32>
        %swap3A_627 = arith.index_cast %scan3A_205 : i32 to index
        %swap3A_628 = arith.constant 288 : index
        %swap3A_629 = tpu.vector_load %arg25[%swap3A_627, %swap3A_628] {strides = array<i32>} : memref<16x400xf32, #tpu.memory_space<vmem>>, vector<16xf32>,
        tpu.vector_store %arg25[%swap3A_627, %swap3A_628], %add3A_626 {strides = array<i32>} : memref<16x400xf32, #tpu.memory_space<vmem>>, vector<16xf32>,
        %get3A_630 = arith.index_cast %scan3A_205 : i32 to index
        %get3A_631 = arith.constant 304 : index
        %get3A_632 = tpu.vector_load %arg17[%get3A_630, %get3A_631] {strides = array<i32>} : memref<16x384xf32, #tpu.memory_space<vmem>>, vector<16xf32>,
        %mul3A_633 = arith.mulf %gather3A, %get3A_632 : vector<16xf32>
        %get3A_634 = arith.index_cast %scan3A_205 : i32 to index
        %get3A_635 = arith.constant 304 : index
        %get3A_636 = tpu.vector_load %arg18[%get3A_634, %get3A_635] {strides = array<i32>} : memref<16x384xf32, #tpu.memory_space<vmem>>, vector<16xf32>,
        %mul3A_637 = arith.mulf %gather3A_210, %get3A_636 : vector<16xf32>
        %add3A_638 = arith.addf %mul3A_633, %mul3A_637 : vector<16xf32>
        %get3A_639 = arith.index_cast %scan3A_205 : i32 to index
        %get3A_640 = arith.constant 304 : index
        %get3A_641 = tpu.vector_load %arg19[%get3A_639, %get3A_640] {strides = array<i32>} : memref<16x384xf32, #tpu.memory_space<vmem>>, vector<16xf32>,
        %mul3A_642 = arith.mulf %gather3A_211, %get3A_641 : vector<16xf32>
        %add3A_643 = arith.addf %add3A_638, %mul3A_642 : vector<16xf32>
        %get3A_644 = arith.index_cast %scan3A_205 : i32 to index
        %get3A_645 = arith.constant 304 : index
        %get3A_646 = tpu.vector_load %arg20[%get3A_644, %get3A_645] {strides = array<i32>} : memref<16x384xf32, #tpu.memory_space<vmem>>, vector<16xf32>,
        %mul3A_647 = arith.mulf %gather3A_212, %get3A_646 : vector<16xf32>
        %add3A_648 = arith.addf %add3A_643, %mul3A_647 : vector<16xf32>
        %swap3A_649 = arith.index_cast %scan3A_205 : i32 to index
        %swap3A_650 = arith.constant 304 : index
        %swap3A_651 = tpu.vector_load %arg25[%swap3A_649, %swap3A_650] {strides = array<i32>} : memref<16x400xf32, #tpu.memory_space<vmem>>, vector<16xf32>,
        tpu.vector_store %arg25[%swap3A_649, %swap3A_650], %add3A_648 {strides = array<i32>} : memref<16x400xf32, #tpu.memory_space<vmem>>, vector<16xf32>,
        %get3A_652 = arith.index_cast %scan3A_205 : i32 to index
        %get3A_653 = arith.constant 320 : index
        %get3A_654 = tpu.vector_load %arg17[%get3A_652, %get3A_653] {strides = array<i32>} : memref<16x384xf32, #tpu.memory_space<vmem>>, vector<16xf32>,
        %mul3A_655 = arith.mulf %gather3A, %get3A_654 : vector<16xf32>
        %get3A_656 = arith.index_cast %scan3A_205 : i32 to index
        %get3A_657 = arith.constant 320 : index
        %get3A_658 = tpu.vector_load %arg18[%get3A_656, %get3A_657] {strides = array<i32>} : memref<16x384xf32, #tpu.memory_space<vmem>>, vector<16xf32>,
        %mul3A_659 = arith.mulf %gather3A_210, %get3A_658 : vector<16xf32>
        %add3A_660 = arith.addf %mul3A_655, %mul3A_659 : vector<16xf32>
        %get3A_661 = arith.index_cast %scan3A_205 : i32 to index
        %get3A_662 = arith.constant 320 : index
        %get3A_663 = tpu.vector_load %arg19[%get3A_661, %get3A_662] {strides = array<i32>} : memref<16x384xf32, #tpu.memory_space<vmem>>, vector<16xf32>,
        %mul3A_664 = arith.mulf %gather3A_211, %get3A_663 : vector<16xf32>
        %add3A_665 = arith.addf %add3A_660, %mul3A_664 : vector<16xf32>
        %get3A_666 = arith.index_cast %scan3A_205 : i32 to index
        %get3A_667 = arith.constant 320 : index
        %get3A_668 = tpu.vector_load %arg20[%get3A_666, %get3A_667] {strides = array<i32>} : memref<16x384xf32, #tpu.memory_space<vmem>>, vector<16xf32>,
        %mul3A_669 = arith.mulf %gather3A_212, %get3A_668 : vector<16xf32>
        %add3A_670 = arith.addf %add3A_665, %mul3A_669 : vector<16xf32>
        %swap3A_671 = arith.index_cast %scan3A_205 : i32 to index
        %swap3A_672 = arith.constant 320 : index
        %swap3A_673 = tpu.vector_load %arg25[%swap3A_671, %swap3A_672] {strides = array<i32>} : memref<16x400xf32, #tpu.memory_space<vmem>>, vector<16xf32>,
        tpu.vector_store %arg25[%swap3A_671, %swap3A_672], %add3A_670 {strides = array<i32>} : memref<16x400xf32, #tpu.memory_space<vmem>>, vector<16xf32>,
        %get3A_674 = arith.index_cast %scan3A_205 : i32 to index
        %get3A_675 = arith.constant 336 : index
        %get3A_676 = tpu.vector_load %arg17[%get3A_674, %get3A_675] {strides = array<i32>} : memref<16x384xf32, #tpu.memory_space<vmem>>, vector<16xf32>,
        %mul3A_677 = arith.mulf %gather3A, %get3A_676 : vector<16xf32>
        %get3A_678 = arith.index_cast %scan3A_205 : i32 to index
        %get3A_679 = arith.constant 336 : index
        %get3A_680 = tpu.vector_load %arg18[%get3A_678, %get3A_679] {strides = array<i32>} : memref<16x384xf32, #tpu.memory_space<vmem>>, vector<16xf32>,
        %mul3A_681 = arith.mulf %gather3A_210, %get3A_680 : vector<16xf32>
        %add3A_682 = arith.addf %mul3A_677, %mul3A_681 : vector<16xf32>
        %get3A_683 = arith.index_cast %scan3A_205 : i32 to index
        %get3A_684 = arith.constant 336 : index
        %get3A_685 = tpu.vector_load %arg19[%get3A_683, %get3A_684] {strides = array<i32>} : memref<16x384xf32, #tpu.memory_space<vmem>>, vector<16xf32>,
        %mul3A_686 = arith.mulf %gather3A_211, %get3A_685 : vector<16xf32>
        %add3A_687 = arith.addf %add3A_682, %mul3A_686 : vector<16xf32>
        %get3A_688 = arith.index_cast %scan3A_205 : i32 to index
        %get3A_689 = arith.constant 336 : index
        %get3A_690 = tpu.vector_load %arg20[%get3A_688, %get3A_689] {strides = array<i32>} : memref<16x384xf32, #tpu.memory_space<vmem>>, vector<16xf32>,
        %mul3A_691 = arith.mulf %gather3A_212, %get3A_690 : vector<16xf32>
        %add3A_692 = arith.addf %add3A_687, %mul3A_691 : vector<16xf32>
        %swap3A_693 = arith.index_cast %scan3A_205 : i32 to index
        %swap3A_694 = arith.constant 336 : index
        %swap3A_695 = tpu.vector_load %arg25[%swap3A_693, %swap3A_694] {strides = array<i32>} : memref<16x400xf32, #tpu.memory_space<vmem>>, vector<16xf32>,
        tpu.vector_store %arg25[%swap3A_693, %swap3A_694], %add3A_692 {strides = array<i32>} : memref<16x400xf32, #tpu.memory_space<vmem>>, vector<16xf32>,
        %get3A_696 = arith.index_cast %scan3A_205 : i32 to index
        %get3A_697 = arith.constant 352 : index
        %get3A_698 = tpu.vector_load %arg17[%get3A_696, %get3A_697] {strides = array<i32>} : memref<16x384xf32, #tpu.memory_space<vmem>>, vector<16xf32>,
        %mul3A_699 = arith.mulf %gather3A, %get3A_698 : vector<16xf32>
        %get3A_700 = arith.index_cast %scan3A_205 : i32 to index
        %get3A_701 = arith.constant 352 : index
        %get3A_702 = tpu.vector_load %arg18[%get3A_700, %get3A_701] {strides = array<i32>} : memref<16x384xf32, #tpu.memory_space<vmem>>, vector<16xf32>,
        %mul3A_703 = arith.mulf %gather3A_210, %get3A_702 : vector<16xf32>
        %add3A_704 = arith.addf %mul3A_699, %mul3A_703 : vector<16xf32>
        %get3A_705 = arith.index_cast %scan3A_205 : i32 to index
        %get3A_706 = arith.constant 352 : index
        %get3A_707 = tpu.vector_load %arg19[%get3A_705, %get3A_706] {strides = array<i32>} : memref<16x384xf32, #tpu.memory_space<vmem>>, vector<16xf32>,
        %mul3A_708 = arith.mulf %gather3A_211, %get3A_707 : vector<16xf32>
        %add3A_709 = arith.addf %add3A_704, %mul3A_708 : vector<16xf32>
        %get3A_710 = arith.index_cast %scan3A_205 : i32 to index
        %get3A_711 = arith.constant 352 : index
        %get3A_712 = tpu.vector_load %arg20[%get3A_710, %get3A_711] {strides = array<i32>} : memref<16x384xf32, #tpu.memory_space<vmem>>, vector<16xf32>,
        %mul3A_713 = arith.mulf %gather3A_212, %get3A_712 : vector<16xf32>
        %add3A_714 = arith.addf %add3A_709, %mul3A_713 : vector<16xf32>
        %swap3A_715 = arith.index_cast %scan3A_205 : i32 to index
        %swap3A_716 = arith.constant 352 : index
        %swap3A_717 = tpu.vector_load %arg25[%swap3A_715, %swap3A_716] {strides = array<i32>} : memref<16x400xf32, #tpu.memory_space<vmem>>, vector<16xf32>,
        tpu.vector_store %arg25[%swap3A_715, %swap3A_716], %add3A_714 {strides = array<i32>} : memref<16x400xf32, #tpu.memory_space<vmem>>, vector<16xf32>,
        %get3A_718 = arith.index_cast %scan3A_205 : i32 to index
        %get3A_719 = arith.constant 368 : index
        %get3A_720 = tpu.vector_load %arg17[%get3A_718, %get3A_719] {strides = array<i32>} : memref<16x384xf32, #tpu.memory_space<vmem>>, vector<16xf32>,
        %mul3A_721 = arith.mulf %gather3A, %get3A_720 : vector<16xf32>
        %get3A_722 = arith.index_cast %scan3A_205 : i32 to index
        %get3A_723 = arith.constant 368 : index
        %get3A_724 = tpu.vector_load %arg18[%get3A_722, %get3A_723] {strides = array<i32>} : memref<16x384xf32, #tpu.memory_space<vmem>>, vector<16xf32>,
        %mul3A_725 = arith.mulf %gather3A_210, %get3A_724 : vector<16xf32>
        %add3A_726 = arith.addf %mul3A_721, %mul3A_725 : vector<16xf32>
        %get3A_727 = arith.index_cast %scan3A_205 : i32 to index
        %get3A_728 = arith.constant 368 : index
        %get3A_729 = tpu.vector_load %arg19[%get3A_727, %get3A_728] {strides = array<i32>} : memref<16x384xf32, #tpu.memory_space<vmem>>, vector<16xf32>,
        %mul3A_730 = arith.mulf %gather3A_211, %get3A_729 : vector<16xf32>
        %add3A_731 = arith.addf %add3A_726, %mul3A_730 : vector<16xf32>
        %get3A_732 = arith.index_cast %scan3A_205 : i32 to index
        %get3A_733 = arith.constant 368 : index
        %get3A_734 = tpu.vector_load %arg20[%get3A_732, %get3A_733] {strides = array<i32>} : memref<16x384xf32, #tpu.memory_space<vmem>>, vector<16xf32>,
        %mul3A_735 = arith.mulf %gather3A_212, %get3A_734 : vector<16xf32>
        %add3A_736 = arith.addf %add3A_731, %mul3A_735 : vector<16xf32>
        %swap3A_737 = arith.index_cast %scan3A_205 : i32 to index
        %swap3A_738 = arith.constant 368 : index
        %swap3A_739 = tpu.vector_load %arg25[%swap3A_737, %swap3A_738] {strides = array<i32>} : memref<16x400xf32, #tpu.memory_space<vmem>>, vector<16xf32>,
        tpu.vector_store %arg25[%swap3A_737, %swap3A_738], %add3A_736 {strides = array<i32>} : memref<16x400xf32, #tpu.memory_space<vmem>>, vector<16xf32>,
        %gather3A_740 = tpu.vector_load_idx %arg16[%broadcast_in_dim3A] : memref<2048xf32, #tpu.memory_space<vmem>>[vector<16xi32>], vector<16xf32>,
        %iota3A = tpu.iota {dimensions = array<i32: 0>} : vector<16xi32>
        %eq3A_741 = arith.constant 0 : i32
        %eq3A_742 = vector.broadcast %eq3A_741 : i32 to vector<16xi32>
        %eq3A_743 = arith.cmpi eq, %iota3A, %eq3A_742 : vector<16xi32>
        %broadcast_in_dim3A_744 = arith.constant 1.000000e+00 : f32
        %broadcast_in_dim3A_745 = vector.broadcast %broadcast_in_dim3A_744 : f32 to vector<16xf32>
        %broadcast_in_dim3A_746 = arith.constant 0.000000e+00 : f32
        %broadcast_in_dim3A_747 = vector.broadcast %broadcast_in_dim3A_746 : f32 to vector<16xf32>
        %select_n3A_748 = arith.select %eq3A_743, %broadcast_in_dim3A_745, %broadcast_in_dim3A_747 : vector<16xi1>, vector<16xf32>
        %mul3A_749 = arith.mulf %gather3A_740, %select_n3A_748 : vector<16xf32>
        %swap3A_750 = arith.index_cast %scan3A_205 : i32 to index
        %swap3A_751 = arith.constant 384 : index
        %swap3A_752 = tpu.vector_load %arg25[%swap3A_750, %swap3A_751] {strides = array<i32>} : memref<16x400xf32, #tpu.memory_space<vmem>>, vector<16xf32>,
        tpu.vector_store %arg25[%swap3A_750, %swap3A_751], %mul3A_749 {strides = array<i32>} : memref<16x400xf32, #tpu.memory_space<vmem>>, vector<16xf32>,
        %scan3A_753 = arith.constant 0 : i32
        scf.yield %scan3A_753 : i32
      }
      %scan3A_137 = arith.constant 16 : i32
      %mul3A_138 = arith.constant 8192 : i32
      %mul3A_139 = arith.muli %select_n3A, %mul3A_138 : i32
      %mul3A_140 = arith.constant 2048 : i32
      %mul3A_141 = arith.muli %select_n3A_30, %mul3A_140 : i32
      %add3A_142 = arith.addi %mul3A_139, %mul3A_141 : i32
      %mul3A_143 = arith.constant 16 : i32
      %mul3A_144 = arith.muli %mul3A_80, %mul3A_143 : i32
      %add3A_145 = arith.addi %add3A_142, %mul3A_144 : i32
      %dma_start3A_146 = arith.constant 0 : i32
      %dma_start3A_147 = tpu.memref_slice %arg5[%add3A_145, %dma_start3A_146] : memref<65536x400xf32, #tpu.memory_space<hbm>> -> memref<16x400xf32, #tpu.memory_space<hbm>>
      %dma_start3A_148 = arith.constant 0 : i32
      %dma_start3A_149 = tpu.memref_slice %arg5[%add3A_145, %dma_start3A_148] : memref<65536x400xf32, #tpu.memory_space<hbm>> -> memref<16x400xf32, #tpu.memory_space<hbm>>
      tpu.enqueue_dma source(%arg25 : memref<16x400xf32, #tpu.memory_space<vmem>>) target(%dma_start3A_149 : memref<16x400xf32, #tpu.memory_space<hbm>>) target_semaphore(%arg29 : memref<!tpu.dma_semaphore, #tpu.memory_space<semaphore_mem>>)
      %add3A_150 = arith.constant 2 : i32
      %add3A_151 = arith.addi %mul3A_80, %add3A_150 : i32
      %lt3A_152 = arith.constant 128 : i32
      %lt3A_153 = arith.cmpi slt, %add3A_151, %lt3A_152 : i32
      %convert_element_type3A_154 = arith.extui %lt3A_153 : i1 to i32
      %cond3A_155 = arith.constant 0 : i32
      %cond3A_156 = arith.cmpi ne, %convert_element_type3A_154, %cond3A_155 : i32
      scf.if %cond3A_156 {
        %add3A_205 = arith.constant 2 : i32
        %add3A_206 = arith.addi %mul3A_80, %add3A_205 : i32
        %mul3A_207 = arith.constant 16 : i32
        %mul3A_208 = arith.muli %add3A_206, %mul3A_207 : i32
        %get3A_209 = arith.index_cast %mul3A_208 : i32 to index
        %get3A_210 = tpu.vector_load %arg8[%get3A_209] {strides = array<i32>} : memref<2048xi32, #tpu.memory_space<vmem>>, vector<16xi32>,
        %dma_start3A_211 = arith.constant 0 : i32
        %dma_start3A_212 = arith.constant 0 : i32
        %dma_start3A_213 = tpu.memref_slice %arg2[%dma_start3A_211, %dma_start3A_212] : memref<131072x384xf32, #tpu.memory_space<hbm>> -> memref<131072x384xf32, #tpu.memory_space<hbm>>
        tpu.enqueue_indirect_dma source(%dma_start3A_213 : memref<131072x384xf32, #tpu.memory_space<hbm>>) target(%arg17 : memref<16x384xf32, #tpu.memory_space<vmem>>) offsets(%get3A_210 : vector<16xi32>) semaphore(%arg27 : memref<!tpu.dma_semaphore, #tpu.memory_space<semaphore_mem>>)
        %get3A_214 = arith.index_cast %mul3A_208 : i32 to index
        %get3A_215 = tpu.vector_load %arg9[%get3A_214] {strides = array<i32>} : memref<2048xi32, #tpu.memory_space<vmem>>, vector<16xi32>,
        %dma_start3A_216 = arith.constant 0 : i32
        %dma_start3A_217 = arith.constant 0 : i32
        %dma_start3A_218 = tpu.memref_slice %arg2[%dma_start3A_216, %dma_start3A_217] : memref<131072x384xf32, #tpu.memory_space<hbm>> -> memref<131072x384xf32, #tpu.memory_space<hbm>>
        tpu.enqueue_indirect_dma source(%dma_start3A_218 : memref<131072x384xf32, #tpu.memory_space<hbm>>) target(%arg18 : memref<16x384xf32, #tpu.memory_space<vmem>>) offsets(%get3A_215 : vector<16xi32>) semaphore(%arg27 : memref<!tpu.dma_semaphore, #tpu.memory_space<semaphore_mem>>)
        %get3A_219 = arith.index_cast %mul3A_208 : i32 to index
        %get3A_220 = tpu.vector_load %arg10[%get3A_219] {strides = array<i32>} : memref<2048xi32, #tpu.memory_space<vmem>>, vector<16xi32>,
        %dma_start3A_221 = arith.constant 0 : i32
        %dma_start3A_222 = arith.constant 0 : i32
        %dma_start3A_223 = tpu.memref_slice %arg2[%dma_start3A_221, %dma_start3A_222] : memref<131072x384xf32, #tpu.memory_space<hbm>> -> memref<131072x384xf32, #tpu.memory_space<hbm>>
        tpu.enqueue_indirect_dma source(%dma_start3A_223 : memref<131072x384xf32, #tpu.memory_space<hbm>>) target(%arg19 : memref<16x384xf32, #tpu.memory_space<vmem>>) offsets(%get3A_220 : vector<16xi32>) semaphore(%arg27 : memref<!tpu.dma_semaphore, #tpu.memory_space<semaphore_mem>>)
        %get3A_224 = arith.index_cast %mul3A_208 : i32 to index
        %get3A_225 = tpu.vector_load %arg11[%get3A_224] {strides = array<i32>} : memref<2048xi32, #tpu.memory_space<vmem>>, vector<16xi32>,
        %dma_start3A_226 = arith.constant 0 : i32
        %dma_start3A_227 = arith.constant 0 : i32
        %dma_start3A_228 = tpu.memref_slice %arg2[%dma_start3A_226, %dma_start3A_227] : memref<131072x384xf32, #tpu.memory_space<hbm>> -> memref<131072x384xf32, #tpu.memory_space<hbm>>
        tpu.enqueue_indirect_dma source(%dma_start3A_228 : memref<131072x384xf32, #tpu.memory_space<hbm>>) target(%arg20 : memref<16x384xf32, #tpu.memory_space<vmem>>) offsets(%get3A_225 : vector<16xi32>) semaphore(%arg27 : memref<!tpu.dma_semaphore, #tpu.memory_space<semaphore_mem>>)
      } else {
      }
      %dma_wait3A_157 = arith.constant 0 : i32
      %dma_wait3A_158 = arith.constant 0 : i32
      %dma_wait3A_159 = tpu.memref_slice %arg2[%dma_wait3A_157, %dma_wait3A_158] : memref<131072x384xf32, #tpu.memory_space<hbm>> -> memref<16x384xf32, #tpu.memory_space<hbm>>
      %dma_wait3A_160 = arith.constant 0 : i32
      %dma_wait3A_161 = arith.constant 0 : i32
      %dma_wait3A_162 = tpu.memref_slice %arg2[%dma_wait3A_160, %dma_wait3A_161] : memref<131072x384xf32, #tpu.memory_space<hbm>> -> memref<16x384xf32, #tpu.memory_space<hbm>>
      tpu.wait_dma2 semaphore(%arg28 : memref<!tpu.dma_semaphore, #tpu.memory_space<semaphore_mem>>) src(%dma_wait3A_162 : memref<16x384xf32, #tpu.memory_space<hbm>>) dst(%arg21 : memref<16x384xf32, #tpu.memory_space<vmem>>)
      %dma_wait3A_163 = arith.constant 0 : i32
      %dma_wait3A_164 = arith.constant 0 : i32
      %dma_wait3A_165 = tpu.memref_slice %arg2[%dma_wait3A_163, %dma_wait3A_164] : memref<131072x384xf32, #tpu.memory_space<hbm>> -> memref<16x384xf32, #tpu.memory_space<hbm>>
      %dma_wait3A_166 = arith.constant 0 : i32
      %dma_wait3A_167 = arith.constant 0 : i32
      %dma_wait3A_168 = tpu.memref_slice %arg2[%dma_wait3A_166, %dma_wait3A_167] : memref<131072x384xf32, #tpu.memory_space<hbm>> -> memref<16x384xf32, #tpu.memory_space<hbm>>
      tpu.wait_dma2 semaphore(%arg28 : memref<!tpu.dma_semaphore, #tpu.memory_space<semaphore_mem>>) src(%dma_wait3A_168 : memref<16x384xf32, #tpu.memory_space<hbm>>) dst(%arg22 : memref<16x384xf32, #tpu.memory_space<vmem>>)
      %dma_wait3A_169 = arith.constant 0 : i32
      %dma_wait3A_170 = arith.constant 0 : i32
      %dma_wait3A_171 = tpu.memref_slice %arg2[%dma_wait3A_169, %dma_wait3A_170] : memref<131072x384xf32, #tpu.memory_space<hbm>> -> memref<16x384xf32, #tpu.memory_space<hbm>>
      %dma_wait3A_172 = arith.constant 0 : i32
      %dma_wait3A_173 = arith.constant 0 : i32
      %dma_wait3A_174 = tpu.memref_slice %arg2[%dma_wait3A_172, %dma_wait3A_173] : memref<131072x384xf32, #tpu.memory_space<hbm>> -> memref<16x384xf32, #tpu.memory_space<hbm>>
      tpu.wait_dma2 semaphore(%arg28 : memref<!tpu.dma_semaphore, #tpu.memory_space<semaphore_mem>>) src(%dma_wait3A_174 : memref<16x384xf32, #tpu.memory_space<hbm>>) dst(%arg23 : memref<16x384xf32, #tpu.memory_space<vmem>>)
      %dma_wait3A_175 = arith.constant 0 : i32
      %dma_wait3A_176 = arith.constant 0 : i32
      %dma_wait3A_177 = tpu.memref_slice %arg2[%dma_wait3A_175, %dma_wait3A_176] : memref<131072x384xf32, #tpu.memory_space<hbm>> -> memref<16x384xf32, #tpu.memory_space<hbm>>
      %dma_wait3A_178 = arith.constant 0 : i32
      %dma_wait3A_179 = arith.constant 0 : i32
      %dma_wait3A_180 = tpu.memref_slice %arg2[%dma_wait3A_178, %dma_wait3A_179] : memref<131072x384xf32, #tpu.memory_space<hbm>> -> memref<16x384xf32, #tpu.memory_space<hbm>>
      tpu.wait_dma2 semaphore(%arg28 : memref<!tpu.dma_semaphore, #tpu.memory_space<semaphore_mem>>) src(%dma_wait3A_180 : memref<16x384xf32, #tpu.memory_space<hbm>>) dst(%arg24 : memref<16x384xf32, #tpu.memory_space<vmem>>)
      %add3A_181 = arith.constant 1 : i32
      %add3A_182 = arith.addi %mul3A_80, %add3A_181 : i32
      %scan3A_183 = arith.constant 0 : i32
      %scan3A_184 = arith.constant 0 : i32
      %scan3A_185 = arith.constant 16 : i32
      %scan3A_186 = arith.addi %scan3A_184, %scan3A_185 : i32
      %scan3A_187 = arith.constant 1 : i32
      %scan3A_188 = scf.for %scan3A_205 = %scan3A_184 to %scan3A_186 step %scan3A_187 iter_args(%scan3A_206 = %scan3A_183) -> (i32)  : i32 {
        %mul3A_207 = arith.constant 16 : i32
        %mul3A_208 = arith.muli %add3A_182, %mul3A_207 : i32
        %add3A_209 = arith.addi %mul3A_208, %scan3A_205 : i32
        %broadcast_in_dim3A = vector.broadcast %add3A_209 : i32 to vector<16xi32>
        %gather3A = tpu.vector_load_idx %arg12[%broadcast_in_dim3A] : memref<2048xf32, #tpu.memory_space<vmem>>[vector<16xi32>], vector<16xf32>,
        %gather3A_210 = tpu.vector_load_idx %arg13[%broadcast_in_dim3A] : memref<2048xf32, #tpu.memory_space<vmem>>[vector<16xi32>], vector<16xf32>,
        %gather3A_211 = tpu.vector_load_idx %arg14[%broadcast_in_dim3A] : memref<2048xf32, #tpu.memory_space<vmem>>[vector<16xi32>], vector<16xf32>,
        %gather3A_212 = tpu.vector_load_idx %arg15[%broadcast_in_dim3A] : memref<2048xf32, #tpu.memory_space<vmem>>[vector<16xi32>], vector<16xf32>,
        %get3A_213 = arith.index_cast %scan3A_205 : i32 to index
        %get3A_214 = arith.constant 0 : index
        %get3A_215 = tpu.vector_load %arg21[%get3A_213, %get3A_214] {strides = array<i32>} : memref<16x384xf32, #tpu.memory_space<vmem>>, vector<16xf32>,
        %mul3A_216 = arith.mulf %gather3A, %get3A_215 : vector<16xf32>
        %get3A_217 = arith.index_cast %scan3A_205 : i32 to index
        %get3A_218 = arith.constant 0 : index
        %get3A_219 = tpu.vector_load %arg22[%get3A_217, %get3A_218] {strides = array<i32>} : memref<16x384xf32, #tpu.memory_space<vmem>>, vector<16xf32>,
        %mul3A_220 = arith.mulf %gather3A_210, %get3A_219 : vector<16xf32>
        %add3A_221 = arith.addf %mul3A_216, %mul3A_220 : vector<16xf32>
        %get3A_222 = arith.index_cast %scan3A_205 : i32 to index
        %get3A_223 = arith.constant 0 : index
        %get3A_224 = tpu.vector_load %arg23[%get3A_222, %get3A_223] {strides = array<i32>} : memref<16x384xf32, #tpu.memory_space<vmem>>, vector<16xf32>,
        %mul3A_225 = arith.mulf %gather3A_211, %get3A_224 : vector<16xf32>
        %add3A_226 = arith.addf %add3A_221, %mul3A_225 : vector<16xf32>
        %get3A_227 = arith.index_cast %scan3A_205 : i32 to index
        %get3A_228 = arith.constant 0 : index
        %get3A_229 = tpu.vector_load %arg24[%get3A_227, %get3A_228] {strides = array<i32>} : memref<16x384xf32, #tpu.memory_space<vmem>>, vector<16xf32>,
        %mul3A_230 = arith.mulf %gather3A_212, %get3A_229 : vector<16xf32>
        %add3A_231 = arith.addf %add3A_226, %mul3A_230 : vector<16xf32>
        %swap3A = arith.index_cast %scan3A_205 : i32 to index
        %swap3A_232 = arith.constant 0 : index
        %swap3A_233 = tpu.vector_load %arg26[%swap3A, %swap3A_232] {strides = array<i32>} : memref<16x400xf32, #tpu.memory_space<vmem>>, vector<16xf32>,
        tpu.vector_store %arg26[%swap3A, %swap3A_232], %add3A_231 {strides = array<i32>} : memref<16x400xf32, #tpu.memory_space<vmem>>, vector<16xf32>,
        %get3A_234 = arith.index_cast %scan3A_205 : i32 to index
        %get3A_235 = arith.constant 16 : index
        %get3A_236 = tpu.vector_load %arg21[%get3A_234, %get3A_235] {strides = array<i32>} : memref<16x384xf32, #tpu.memory_space<vmem>>, vector<16xf32>,
        %mul3A_237 = arith.mulf %gather3A, %get3A_236 : vector<16xf32>
        %get3A_238 = arith.index_cast %scan3A_205 : i32 to index
        %get3A_239 = arith.constant 16 : index
        %get3A_240 = tpu.vector_load %arg22[%get3A_238, %get3A_239] {strides = array<i32>} : memref<16x384xf32, #tpu.memory_space<vmem>>, vector<16xf32>,
        %mul3A_241 = arith.mulf %gather3A_210, %get3A_240 : vector<16xf32>
        %add3A_242 = arith.addf %mul3A_237, %mul3A_241 : vector<16xf32>
        %get3A_243 = arith.index_cast %scan3A_205 : i32 to index
        %get3A_244 = arith.constant 16 : index
        %get3A_245 = tpu.vector_load %arg23[%get3A_243, %get3A_244] {strides = array<i32>} : memref<16x384xf32, #tpu.memory_space<vmem>>, vector<16xf32>,
        %mul3A_246 = arith.mulf %gather3A_211, %get3A_245 : vector<16xf32>
        %add3A_247 = arith.addf %add3A_242, %mul3A_246 : vector<16xf32>
        %get3A_248 = arith.index_cast %scan3A_205 : i32 to index
        %get3A_249 = arith.constant 16 : index
        %get3A_250 = tpu.vector_load %arg24[%get3A_248, %get3A_249] {strides = array<i32>} : memref<16x384xf32, #tpu.memory_space<vmem>>, vector<16xf32>,
        %mul3A_251 = arith.mulf %gather3A_212, %get3A_250 : vector<16xf32>
        %add3A_252 = arith.addf %add3A_247, %mul3A_251 : vector<16xf32>
        %swap3A_253 = arith.index_cast %scan3A_205 : i32 to index
        %swap3A_254 = arith.constant 16 : index
        %swap3A_255 = tpu.vector_load %arg26[%swap3A_253, %swap3A_254] {strides = array<i32>} : memref<16x400xf32, #tpu.memory_space<vmem>>, vector<16xf32>,
        tpu.vector_store %arg26[%swap3A_253, %swap3A_254], %add3A_252 {strides = array<i32>} : memref<16x400xf32, #tpu.memory_space<vmem>>, vector<16xf32>,
        %get3A_256 = arith.index_cast %scan3A_205 : i32 to index
        %get3A_257 = arith.constant 32 : index
        %get3A_258 = tpu.vector_load %arg21[%get3A_256, %get3A_257] {strides = array<i32>} : memref<16x384xf32, #tpu.memory_space<vmem>>, vector<16xf32>,
        %mul3A_259 = arith.mulf %gather3A, %get3A_258 : vector<16xf32>
        %get3A_260 = arith.index_cast %scan3A_205 : i32 to index
        %get3A_261 = arith.constant 32 : index
        %get3A_262 = tpu.vector_load %arg22[%get3A_260, %get3A_261] {strides = array<i32>} : memref<16x384xf32, #tpu.memory_space<vmem>>, vector<16xf32>,
        %mul3A_263 = arith.mulf %gather3A_210, %get3A_262 : vector<16xf32>
        %add3A_264 = arith.addf %mul3A_259, %mul3A_263 : vector<16xf32>
        %get3A_265 = arith.index_cast %scan3A_205 : i32 to index
        %get3A_266 = arith.constant 32 : index
        %get3A_267 = tpu.vector_load %arg23[%get3A_265, %get3A_266] {strides = array<i32>} : memref<16x384xf32, #tpu.memory_space<vmem>>, vector<16xf32>,
        %mul3A_268 = arith.mulf %gather3A_211, %get3A_267 : vector<16xf32>
        %add3A_269 = arith.addf %add3A_264, %mul3A_268 : vector<16xf32>
        %get3A_270 = arith.index_cast %scan3A_205 : i32 to index
        %get3A_271 = arith.constant 32 : index
        %get3A_272 = tpu.vector_load %arg24[%get3A_270, %get3A_271] {strides = array<i32>} : memref<16x384xf32, #tpu.memory_space<vmem>>, vector<16xf32>,
        %mul3A_273 = arith.mulf %gather3A_212, %get3A_272 : vector<16xf32>
        %add3A_274 = arith.addf %add3A_269, %mul3A_273 : vector<16xf32>
        %swap3A_275 = arith.index_cast %scan3A_205 : i32 to index
        %swap3A_276 = arith.constant 32 : index
        %swap3A_277 = tpu.vector_load %arg26[%swap3A_275, %swap3A_276] {strides = array<i32>} : memref<16x400xf32, #tpu.memory_space<vmem>>, vector<16xf32>,
        tpu.vector_store %arg26[%swap3A_275, %swap3A_276], %add3A_274 {strides = array<i32>} : memref<16x400xf32, #tpu.memory_space<vmem>>, vector<16xf32>,
        %get3A_278 = arith.index_cast %scan3A_205 : i32 to index
        %get3A_279 = arith.constant 48 : index
        %get3A_280 = tpu.vector_load %arg21[%get3A_278, %get3A_279] {strides = array<i32>} : memref<16x384xf32, #tpu.memory_space<vmem>>, vector<16xf32>,
        %mul3A_281 = arith.mulf %gather3A, %get3A_280 : vector<16xf32>
        %get3A_282 = arith.index_cast %scan3A_205 : i32 to index
        %get3A_283 = arith.constant 48 : index
        %get3A_284 = tpu.vector_load %arg22[%get3A_282, %get3A_283] {strides = array<i32>} : memref<16x384xf32, #tpu.memory_space<vmem>>, vector<16xf32>,
        %mul3A_285 = arith.mulf %gather3A_210, %get3A_284 : vector<16xf32>
        %add3A_286 = arith.addf %mul3A_281, %mul3A_285 : vector<16xf32>
        %get3A_287 = arith.index_cast %scan3A_205 : i32 to index
        %get3A_288 = arith.constant 48 : index
        %get3A_289 = tpu.vector_load %arg23[%get3A_287, %get3A_288] {strides = array<i32>} : memref<16x384xf32, #tpu.memory_space<vmem>>, vector<16xf32>,
        %mul3A_290 = arith.mulf %gather3A_211, %get3A_289 : vector<16xf32>
        %add3A_291 = arith.addf %add3A_286, %mul3A_290 : vector<16xf32>
        %get3A_292 = arith.index_cast %scan3A_205 : i32 to index
        %get3A_293 = arith.constant 48 : index
        %get3A_294 = tpu.vector_load %arg24[%get3A_292, %get3A_293] {strides = array<i32>} : memref<16x384xf32, #tpu.memory_space<vmem>>, vector<16xf32>,
        %mul3A_295 = arith.mulf %gather3A_212, %get3A_294 : vector<16xf32>
        %add3A_296 = arith.addf %add3A_291, %mul3A_295 : vector<16xf32>
        %swap3A_297 = arith.index_cast %scan3A_205 : i32 to index
        %swap3A_298 = arith.constant 48 : index
        %swap3A_299 = tpu.vector_load %arg26[%swap3A_297, %swap3A_298] {strides = array<i32>} : memref<16x400xf32, #tpu.memory_space<vmem>>, vector<16xf32>,
        tpu.vector_store %arg26[%swap3A_297, %swap3A_298], %add3A_296 {strides = array<i32>} : memref<16x400xf32, #tpu.memory_space<vmem>>, vector<16xf32>,
        %get3A_300 = arith.index_cast %scan3A_205 : i32 to index
        %get3A_301 = arith.constant 64 : index
        %get3A_302 = tpu.vector_load %arg21[%get3A_300, %get3A_301] {strides = array<i32>} : memref<16x384xf32, #tpu.memory_space<vmem>>, vector<16xf32>,
        %mul3A_303 = arith.mulf %gather3A, %get3A_302 : vector<16xf32>
        %get3A_304 = arith.index_cast %scan3A_205 : i32 to index
        %get3A_305 = arith.constant 64 : index
        %get3A_306 = tpu.vector_load %arg22[%get3A_304, %get3A_305] {strides = array<i32>} : memref<16x384xf32, #tpu.memory_space<vmem>>, vector<16xf32>,
        %mul3A_307 = arith.mulf %gather3A_210, %get3A_306 : vector<16xf32>
        %add3A_308 = arith.addf %mul3A_303, %mul3A_307 : vector<16xf32>
        %get3A_309 = arith.index_cast %scan3A_205 : i32 to index
        %get3A_310 = arith.constant 64 : index
        %get3A_311 = tpu.vector_load %arg23[%get3A_309, %get3A_310] {strides = array<i32>} : memref<16x384xf32, #tpu.memory_space<vmem>>, vector<16xf32>,
        %mul3A_312 = arith.mulf %gather3A_211, %get3A_311 : vector<16xf32>
        %add3A_313 = arith.addf %add3A_308, %mul3A_312 : vector<16xf32>
        %get3A_314 = arith.index_cast %scan3A_205 : i32 to index
        %get3A_315 = arith.constant 64 : index
        %get3A_316 = tpu.vector_load %arg24[%get3A_314, %get3A_315] {strides = array<i32>} : memref<16x384xf32, #tpu.memory_space<vmem>>, vector<16xf32>,
        %mul3A_317 = arith.mulf %gather3A_212, %get3A_316 : vector<16xf32>
        %add3A_318 = arith.addf %add3A_313, %mul3A_317 : vector<16xf32>
        %swap3A_319 = arith.index_cast %scan3A_205 : i32 to index
        %swap3A_320 = arith.constant 64 : index
        %swap3A_321 = tpu.vector_load %arg26[%swap3A_319, %swap3A_320] {strides = array<i32>} : memref<16x400xf32, #tpu.memory_space<vmem>>, vector<16xf32>,
        tpu.vector_store %arg26[%swap3A_319, %swap3A_320], %add3A_318 {strides = array<i32>} : memref<16x400xf32, #tpu.memory_space<vmem>>, vector<16xf32>,
        %get3A_322 = arith.index_cast %scan3A_205 : i32 to index
        %get3A_323 = arith.constant 80 : index
        %get3A_324 = tpu.vector_load %arg21[%get3A_322, %get3A_323] {strides = array<i32>} : memref<16x384xf32, #tpu.memory_space<vmem>>, vector<16xf32>,
        %mul3A_325 = arith.mulf %gather3A, %get3A_324 : vector<16xf32>
        %get3A_326 = arith.index_cast %scan3A_205 : i32 to index
        %get3A_327 = arith.constant 80 : index
        %get3A_328 = tpu.vector_load %arg22[%get3A_326, %get3A_327] {strides = array<i32>} : memref<16x384xf32, #tpu.memory_space<vmem>>, vector<16xf32>,
        %mul3A_329 = arith.mulf %gather3A_210, %get3A_328 : vector<16xf32>
        %add3A_330 = arith.addf %mul3A_325, %mul3A_329 : vector<16xf32>
        %get3A_331 = arith.index_cast %scan3A_205 : i32 to index
        %get3A_332 = arith.constant 80 : index
        %get3A_333 = tpu.vector_load %arg23[%get3A_331, %get3A_332] {strides = array<i32>} : memref<16x384xf32, #tpu.memory_space<vmem>>, vector<16xf32>,
        %mul3A_334 = arith.mulf %gather3A_211, %get3A_333 : vector<16xf32>
        %add3A_335 = arith.addf %add3A_330, %mul3A_334 : vector<16xf32>
        %get3A_336 = arith.index_cast %scan3A_205 : i32 to index
        %get3A_337 = arith.constant 80 : index
        %get3A_338 = tpu.vector_load %arg24[%get3A_336, %get3A_337] {strides = array<i32>} : memref<16x384xf32, #tpu.memory_space<vmem>>, vector<16xf32>,
        %mul3A_339 = arith.mulf %gather3A_212, %get3A_338 : vector<16xf32>
        %add3A_340 = arith.addf %add3A_335, %mul3A_339 : vector<16xf32>
        %swap3A_341 = arith.index_cast %scan3A_205 : i32 to index
        %swap3A_342 = arith.constant 80 : index
        %swap3A_343 = tpu.vector_load %arg26[%swap3A_341, %swap3A_342] {strides = array<i32>} : memref<16x400xf32, #tpu.memory_space<vmem>>, vector<16xf32>,
        tpu.vector_store %arg26[%swap3A_341, %swap3A_342], %add3A_340 {strides = array<i32>} : memref<16x400xf32, #tpu.memory_space<vmem>>, vector<16xf32>,
        %get3A_344 = arith.index_cast %scan3A_205 : i32 to index
        %get3A_345 = arith.constant 96 : index
        %get3A_346 = tpu.vector_load %arg21[%get3A_344, %get3A_345] {strides = array<i32>} : memref<16x384xf32, #tpu.memory_space<vmem>>, vector<16xf32>,
        %mul3A_347 = arith.mulf %gather3A, %get3A_346 : vector<16xf32>
        %get3A_348 = arith.index_cast %scan3A_205 : i32 to index
        %get3A_349 = arith.constant 96 : index
        %get3A_350 = tpu.vector_load %arg22[%get3A_348, %get3A_349] {strides = array<i32>} : memref<16x384xf32, #tpu.memory_space<vmem>>, vector<16xf32>,
        %mul3A_351 = arith.mulf %gather3A_210, %get3A_350 : vector<16xf32>
        %add3A_352 = arith.addf %mul3A_347, %mul3A_351 : vector<16xf32>
        %get3A_353 = arith.index_cast %scan3A_205 : i32 to index
        %get3A_354 = arith.constant 96 : index
        %get3A_355 = tpu.vector_load %arg23[%get3A_353, %get3A_354] {strides = array<i32>} : memref<16x384xf32, #tpu.memory_space<vmem>>, vector<16xf32>,
        %mul3A_356 = arith.mulf %gather3A_211, %get3A_355 : vector<16xf32>
        %add3A_357 = arith.addf %add3A_352, %mul3A_356 : vector<16xf32>
        %get3A_358 = arith.index_cast %scan3A_205 : i32 to index
        %get3A_359 = arith.constant 96 : index
        %get3A_360 = tpu.vector_load %arg24[%get3A_358, %get3A_359] {strides = array<i32>} : memref<16x384xf32, #tpu.memory_space<vmem>>, vector<16xf32>,
        %mul3A_361 = arith.mulf %gather3A_212, %get3A_360 : vector<16xf32>
        %add3A_362 = arith.addf %add3A_357, %mul3A_361 : vector<16xf32>
        %swap3A_363 = arith.index_cast %scan3A_205 : i32 to index
        %swap3A_364 = arith.constant 96 : index
        %swap3A_365 = tpu.vector_load %arg26[%swap3A_363, %swap3A_364] {strides = array<i32>} : memref<16x400xf32, #tpu.memory_space<vmem>>, vector<16xf32>,
        tpu.vector_store %arg26[%swap3A_363, %swap3A_364], %add3A_362 {strides = array<i32>} : memref<16x400xf32, #tpu.memory_space<vmem>>, vector<16xf32>,
        %get3A_366 = arith.index_cast %scan3A_205 : i32 to index
        %get3A_367 = arith.constant 112 : index
        %get3A_368 = tpu.vector_load %arg21[%get3A_366, %get3A_367] {strides = array<i32>} : memref<16x384xf32, #tpu.memory_space<vmem>>, vector<16xf32>,
        %mul3A_369 = arith.mulf %gather3A, %get3A_368 : vector<16xf32>
        %get3A_370 = arith.index_cast %scan3A_205 : i32 to index
        %get3A_371 = arith.constant 112 : index
        %get3A_372 = tpu.vector_load %arg22[%get3A_370, %get3A_371] {strides = array<i32>} : memref<16x384xf32, #tpu.memory_space<vmem>>, vector<16xf32>,
        %mul3A_373 = arith.mulf %gather3A_210, %get3A_372 : vector<16xf32>
        %add3A_374 = arith.addf %mul3A_369, %mul3A_373 : vector<16xf32>
        %get3A_375 = arith.index_cast %scan3A_205 : i32 to index
        %get3A_376 = arith.constant 112 : index
        %get3A_377 = tpu.vector_load %arg23[%get3A_375, %get3A_376] {strides = array<i32>} : memref<16x384xf32, #tpu.memory_space<vmem>>, vector<16xf32>,
        %mul3A_378 = arith.mulf %gather3A_211, %get3A_377 : vector<16xf32>
        %add3A_379 = arith.addf %add3A_374, %mul3A_378 : vector<16xf32>
        %get3A_380 = arith.index_cast %scan3A_205 : i32 to index
        %get3A_381 = arith.constant 112 : index
        %get3A_382 = tpu.vector_load %arg24[%get3A_380, %get3A_381] {strides = array<i32>} : memref<16x384xf32, #tpu.memory_space<vmem>>, vector<16xf32>,
        %mul3A_383 = arith.mulf %gather3A_212, %get3A_382 : vector<16xf32>
        %add3A_384 = arith.addf %add3A_379, %mul3A_383 : vector<16xf32>
        %swap3A_385 = arith.index_cast %scan3A_205 : i32 to index
        %swap3A_386 = arith.constant 112 : index
        %swap3A_387 = tpu.vector_load %arg26[%swap3A_385, %swap3A_386] {strides = array<i32>} : memref<16x400xf32, #tpu.memory_space<vmem>>, vector<16xf32>,
        tpu.vector_store %arg26[%swap3A_385, %swap3A_386], %add3A_384 {strides = array<i32>} : memref<16x400xf32, #tpu.memory_space<vmem>>, vector<16xf32>,
        %get3A_388 = arith.index_cast %scan3A_205 : i32 to index
        %get3A_389 = arith.constant 128 : index
        %get3A_390 = tpu.vector_load %arg21[%get3A_388, %get3A_389] {strides = array<i32>} : memref<16x384xf32, #tpu.memory_space<vmem>>, vector<16xf32>,
        %mul3A_391 = arith.mulf %gather3A, %get3A_390 : vector<16xf32>
        %get3A_392 = arith.index_cast %scan3A_205 : i32 to index
        %get3A_393 = arith.constant 128 : index
        %get3A_394 = tpu.vector_load %arg22[%get3A_392, %get3A_393] {strides = array<i32>} : memref<16x384xf32, #tpu.memory_space<vmem>>, vector<16xf32>,
        %mul3A_395 = arith.mulf %gather3A_210, %get3A_394 : vector<16xf32>
        %add3A_396 = arith.addf %mul3A_391, %mul3A_395 : vector<16xf32>
        %get3A_397 = arith.index_cast %scan3A_205 : i32 to index
        %get3A_398 = arith.constant 128 : index
        %get3A_399 = tpu.vector_load %arg23[%get3A_397, %get3A_398] {strides = array<i32>} : memref<16x384xf32, #tpu.memory_space<vmem>>, vector<16xf32>,
        %mul3A_400 = arith.mulf %gather3A_211, %get3A_399 : vector<16xf32>
        %add3A_401 = arith.addf %add3A_396, %mul3A_400 : vector<16xf32>
        %get3A_402 = arith.index_cast %scan3A_205 : i32 to index
        %get3A_403 = arith.constant 128 : index
        %get3A_404 = tpu.vector_load %arg24[%get3A_402, %get3A_403] {strides = array<i32>} : memref<16x384xf32, #tpu.memory_space<vmem>>, vector<16xf32>,
        %mul3A_405 = arith.mulf %gather3A_212, %get3A_404 : vector<16xf32>
        %add3A_406 = arith.addf %add3A_401, %mul3A_405 : vector<16xf32>
        %swap3A_407 = arith.index_cast %scan3A_205 : i32 to index
        %swap3A_408 = arith.constant 128 : index
        %swap3A_409 = tpu.vector_load %arg26[%swap3A_407, %swap3A_408] {strides = array<i32>} : memref<16x400xf32, #tpu.memory_space<vmem>>, vector<16xf32>,
        tpu.vector_store %arg26[%swap3A_407, %swap3A_408], %add3A_406 {strides = array<i32>} : memref<16x400xf32, #tpu.memory_space<vmem>>, vector<16xf32>,
        %get3A_410 = arith.index_cast %scan3A_205 : i32 to index
        %get3A_411 = arith.constant 144 : index
        %get3A_412 = tpu.vector_load %arg21[%get3A_410, %get3A_411] {strides = array<i32>} : memref<16x384xf32, #tpu.memory_space<vmem>>, vector<16xf32>,
        %mul3A_413 = arith.mulf %gather3A, %get3A_412 : vector<16xf32>
        %get3A_414 = arith.index_cast %scan3A_205 : i32 to index
        %get3A_415 = arith.constant 144 : index
        %get3A_416 = tpu.vector_load %arg22[%get3A_414, %get3A_415] {strides = array<i32>} : memref<16x384xf32, #tpu.memory_space<vmem>>, vector<16xf32>,
        %mul3A_417 = arith.mulf %gather3A_210, %get3A_416 : vector<16xf32>
        %add3A_418 = arith.addf %mul3A_413, %mul3A_417 : vector<16xf32>
        %get3A_419 = arith.index_cast %scan3A_205 : i32 to index
        %get3A_420 = arith.constant 144 : index
        %get3A_421 = tpu.vector_load %arg23[%get3A_419, %get3A_420] {strides = array<i32>} : memref<16x384xf32, #tpu.memory_space<vmem>>, vector<16xf32>,
        %mul3A_422 = arith.mulf %gather3A_211, %get3A_421 : vector<16xf32>
        %add3A_423 = arith.addf %add3A_418, %mul3A_422 : vector<16xf32>
        %get3A_424 = arith.index_cast %scan3A_205 : i32 to index
        %get3A_425 = arith.constant 144 : index
        %get3A_426 = tpu.vector_load %arg24[%get3A_424, %get3A_425] {strides = array<i32>} : memref<16x384xf32, #tpu.memory_space<vmem>>, vector<16xf32>,
        %mul3A_427 = arith.mulf %gather3A_212, %get3A_426 : vector<16xf32>
        %add3A_428 = arith.addf %add3A_423, %mul3A_427 : vector<16xf32>
        %swap3A_429 = arith.index_cast %scan3A_205 : i32 to index
        %swap3A_430 = arith.constant 144 : index
        %swap3A_431 = tpu.vector_load %arg26[%swap3A_429, %swap3A_430] {strides = array<i32>} : memref<16x400xf32, #tpu.memory_space<vmem>>, vector<16xf32>,
        tpu.vector_store %arg26[%swap3A_429, %swap3A_430], %add3A_428 {strides = array<i32>} : memref<16x400xf32, #tpu.memory_space<vmem>>, vector<16xf32>,
        %get3A_432 = arith.index_cast %scan3A_205 : i32 to index
        %get3A_433 = arith.constant 160 : index
        %get3A_434 = tpu.vector_load %arg21[%get3A_432, %get3A_433] {strides = array<i32>} : memref<16x384xf32, #tpu.memory_space<vmem>>, vector<16xf32>,
        %mul3A_435 = arith.mulf %gather3A, %get3A_434 : vector<16xf32>
        %get3A_436 = arith.index_cast %scan3A_205 : i32 to index
        %get3A_437 = arith.constant 160 : index
        %get3A_438 = tpu.vector_load %arg22[%get3A_436, %get3A_437] {strides = array<i32>} : memref<16x384xf32, #tpu.memory_space<vmem>>, vector<16xf32>,
        %mul3A_439 = arith.mulf %gather3A_210, %get3A_438 : vector<16xf32>
        %add3A_440 = arith.addf %mul3A_435, %mul3A_439 : vector<16xf32>
        %get3A_441 = arith.index_cast %scan3A_205 : i32 to index
        %get3A_442 = arith.constant 160 : index
        %get3A_443 = tpu.vector_load %arg23[%get3A_441, %get3A_442] {strides = array<i32>} : memref<16x384xf32, #tpu.memory_space<vmem>>, vector<16xf32>,
        %mul3A_444 = arith.mulf %gather3A_211, %get3A_443 : vector<16xf32>
        %add3A_445 = arith.addf %add3A_440, %mul3A_444 : vector<16xf32>
        %get3A_446 = arith.index_cast %scan3A_205 : i32 to index
        %get3A_447 = arith.constant 160 : index
        %get3A_448 = tpu.vector_load %arg24[%get3A_446, %get3A_447] {strides = array<i32>} : memref<16x384xf32, #tpu.memory_space<vmem>>, vector<16xf32>,
        %mul3A_449 = arith.mulf %gather3A_212, %get3A_448 : vector<16xf32>
        %add3A_450 = arith.addf %add3A_445, %mul3A_449 : vector<16xf32>
        %swap3A_451 = arith.index_cast %scan3A_205 : i32 to index
        %swap3A_452 = arith.constant 160 : index
        %swap3A_453 = tpu.vector_load %arg26[%swap3A_451, %swap3A_452] {strides = array<i32>} : memref<16x400xf32, #tpu.memory_space<vmem>>, vector<16xf32>,
        tpu.vector_store %arg26[%swap3A_451, %swap3A_452], %add3A_450 {strides = array<i32>} : memref<16x400xf32, #tpu.memory_space<vmem>>, vector<16xf32>,
        %get3A_454 = arith.index_cast %scan3A_205 : i32 to index
        %get3A_455 = arith.constant 176 : index
        %get3A_456 = tpu.vector_load %arg21[%get3A_454, %get3A_455] {strides = array<i32>} : memref<16x384xf32, #tpu.memory_space<vmem>>, vector<16xf32>,
        %mul3A_457 = arith.mulf %gather3A, %get3A_456 : vector<16xf32>
        %get3A_458 = arith.index_cast %scan3A_205 : i32 to index
        %get3A_459 = arith.constant 176 : index
        %get3A_460 = tpu.vector_load %arg22[%get3A_458, %get3A_459] {strides = array<i32>} : memref<16x384xf32, #tpu.memory_space<vmem>>, vector<16xf32>,
        %mul3A_461 = arith.mulf %gather3A_210, %get3A_460 : vector<16xf32>
        %add3A_462 = arith.addf %mul3A_457, %mul3A_461 : vector<16xf32>
        %get3A_463 = arith.index_cast %scan3A_205 : i32 to index
        %get3A_464 = arith.constant 176 : index
        %get3A_465 = tpu.vector_load %arg23[%get3A_463, %get3A_464] {strides = array<i32>} : memref<16x384xf32, #tpu.memory_space<vmem>>, vector<16xf32>,
        %mul3A_466 = arith.mulf %gather3A_211, %get3A_465 : vector<16xf32>
        %add3A_467 = arith.addf %add3A_462, %mul3A_466 : vector<16xf32>
        %get3A_468 = arith.index_cast %scan3A_205 : i32 to index
        %get3A_469 = arith.constant 176 : index
        %get3A_470 = tpu.vector_load %arg24[%get3A_468, %get3A_469] {strides = array<i32>} : memref<16x384xf32, #tpu.memory_space<vmem>>, vector<16xf32>,
        %mul3A_471 = arith.mulf %gather3A_212, %get3A_470 : vector<16xf32>
        %add3A_472 = arith.addf %add3A_467, %mul3A_471 : vector<16xf32>
        %swap3A_473 = arith.index_cast %scan3A_205 : i32 to index
        %swap3A_474 = arith.constant 176 : index
        %swap3A_475 = tpu.vector_load %arg26[%swap3A_473, %swap3A_474] {strides = array<i32>} : memref<16x400xf32, #tpu.memory_space<vmem>>, vector<16xf32>,
        tpu.vector_store %arg26[%swap3A_473, %swap3A_474], %add3A_472 {strides = array<i32>} : memref<16x400xf32, #tpu.memory_space<vmem>>, vector<16xf32>,
        %get3A_476 = arith.index_cast %scan3A_205 : i32 to index
        %get3A_477 = arith.constant 192 : index
        %get3A_478 = tpu.vector_load %arg21[%get3A_476, %get3A_477] {strides = array<i32>} : memref<16x384xf32, #tpu.memory_space<vmem>>, vector<16xf32>,
        %mul3A_479 = arith.mulf %gather3A, %get3A_478 : vector<16xf32>
        %get3A_480 = arith.index_cast %scan3A_205 : i32 to index
        %get3A_481 = arith.constant 192 : index
        %get3A_482 = tpu.vector_load %arg22[%get3A_480, %get3A_481] {strides = array<i32>} : memref<16x384xf32, #tpu.memory_space<vmem>>, vector<16xf32>,
        %mul3A_483 = arith.mulf %gather3A_210, %get3A_482 : vector<16xf32>
        %add3A_484 = arith.addf %mul3A_479, %mul3A_483 : vector<16xf32>
        %get3A_485 = arith.index_cast %scan3A_205 : i32 to index
        %get3A_486 = arith.constant 192 : index
        %get3A_487 = tpu.vector_load %arg23[%get3A_485, %get3A_486] {strides = array<i32>} : memref<16x384xf32, #tpu.memory_space<vmem>>, vector<16xf32>,
        %mul3A_488 = arith.mulf %gather3A_211, %get3A_487 : vector<16xf32>
        %add3A_489 = arith.addf %add3A_484, %mul3A_488 : vector<16xf32>
        %get3A_490 = arith.index_cast %scan3A_205 : i32 to index
        %get3A_491 = arith.constant 192 : index
        %get3A_492 = tpu.vector_load %arg24[%get3A_490, %get3A_491] {strides = array<i32>} : memref<16x384xf32, #tpu.memory_space<vmem>>, vector<16xf32>,
        %mul3A_493 = arith.mulf %gather3A_212, %get3A_492 : vector<16xf32>
        %add3A_494 = arith.addf %add3A_489, %mul3A_493 : vector<16xf32>
        %swap3A_495 = arith.index_cast %scan3A_205 : i32 to index
        %swap3A_496 = arith.constant 192 : index
        %swap3A_497 = tpu.vector_load %arg26[%swap3A_495, %swap3A_496] {strides = array<i32>} : memref<16x400xf32, #tpu.memory_space<vmem>>, vector<16xf32>,
        tpu.vector_store %arg26[%swap3A_495, %swap3A_496], %add3A_494 {strides = array<i32>} : memref<16x400xf32, #tpu.memory_space<vmem>>, vector<16xf32>,
        %get3A_498 = arith.index_cast %scan3A_205 : i32 to index
        %get3A_499 = arith.constant 208 : index
        %get3A_500 = tpu.vector_load %arg21[%get3A_498, %get3A_499] {strides = array<i32>} : memref<16x384xf32, #tpu.memory_space<vmem>>, vector<16xf32>,
        %mul3A_501 = arith.mulf %gather3A, %get3A_500 : vector<16xf32>
        %get3A_502 = arith.index_cast %scan3A_205 : i32 to index
        %get3A_503 = arith.constant 208 : index
        %get3A_504 = tpu.vector_load %arg22[%get3A_502, %get3A_503] {strides = array<i32>} : memref<16x384xf32, #tpu.memory_space<vmem>>, vector<16xf32>,
        %mul3A_505 = arith.mulf %gather3A_210, %get3A_504 : vector<16xf32>
        %add3A_506 = arith.addf %mul3A_501, %mul3A_505 : vector<16xf32>
        %get3A_507 = arith.index_cast %scan3A_205 : i32 to index
        %get3A_508 = arith.constant 208 : index
        %get3A_509 = tpu.vector_load %arg23[%get3A_507, %get3A_508] {strides = array<i32>} : memref<16x384xf32, #tpu.memory_space<vmem>>, vector<16xf32>,
        %mul3A_510 = arith.mulf %gather3A_211, %get3A_509 : vector<16xf32>
        %add3A_511 = arith.addf %add3A_506, %mul3A_510 : vector<16xf32>
        %get3A_512 = arith.index_cast %scan3A_205 : i32 to index
        %get3A_513 = arith.constant 208 : index
        %get3A_514 = tpu.vector_load %arg24[%get3A_512, %get3A_513] {strides = array<i32>} : memref<16x384xf32, #tpu.memory_space<vmem>>, vector<16xf32>,
        %mul3A_515 = arith.mulf %gather3A_212, %get3A_514 : vector<16xf32>
        %add3A_516 = arith.addf %add3A_511, %mul3A_515 : vector<16xf32>
        %swap3A_517 = arith.index_cast %scan3A_205 : i32 to index
        %swap3A_518 = arith.constant 208 : index
        %swap3A_519 = tpu.vector_load %arg26[%swap3A_517, %swap3A_518] {strides = array<i32>} : memref<16x400xf32, #tpu.memory_space<vmem>>, vector<16xf32>,
        tpu.vector_store %arg26[%swap3A_517, %swap3A_518], %add3A_516 {strides = array<i32>} : memref<16x400xf32, #tpu.memory_space<vmem>>, vector<16xf32>,
        %get3A_520 = arith.index_cast %scan3A_205 : i32 to index
        %get3A_521 = arith.constant 224 : index
        %get3A_522 = tpu.vector_load %arg21[%get3A_520, %get3A_521] {strides = array<i32>} : memref<16x384xf32, #tpu.memory_space<vmem>>, vector<16xf32>,
        %mul3A_523 = arith.mulf %gather3A, %get3A_522 : vector<16xf32>
        %get3A_524 = arith.index_cast %scan3A_205 : i32 to index
        %get3A_525 = arith.constant 224 : index
        %get3A_526 = tpu.vector_load %arg22[%get3A_524, %get3A_525] {strides = array<i32>} : memref<16x384xf32, #tpu.memory_space<vmem>>, vector<16xf32>,
        %mul3A_527 = arith.mulf %gather3A_210, %get3A_526 : vector<16xf32>
        %add3A_528 = arith.addf %mul3A_523, %mul3A_527 : vector<16xf32>
        %get3A_529 = arith.index_cast %scan3A_205 : i32 to index
        %get3A_530 = arith.constant 224 : index
        %get3A_531 = tpu.vector_load %arg23[%get3A_529, %get3A_530] {strides = array<i32>} : memref<16x384xf32, #tpu.memory_space<vmem>>, vector<16xf32>,
        %mul3A_532 = arith.mulf %gather3A_211, %get3A_531 : vector<16xf32>
        %add3A_533 = arith.addf %add3A_528, %mul3A_532 : vector<16xf32>
        %get3A_534 = arith.index_cast %scan3A_205 : i32 to index
        %get3A_535 = arith.constant 224 : index
        %get3A_536 = tpu.vector_load %arg24[%get3A_534, %get3A_535] {strides = array<i32>} : memref<16x384xf32, #tpu.memory_space<vmem>>, vector<16xf32>,
        %mul3A_537 = arith.mulf %gather3A_212, %get3A_536 : vector<16xf32>
        %add3A_538 = arith.addf %add3A_533, %mul3A_537 : vector<16xf32>
        %swap3A_539 = arith.index_cast %scan3A_205 : i32 to index
        %swap3A_540 = arith.constant 224 : index
        %swap3A_541 = tpu.vector_load %arg26[%swap3A_539, %swap3A_540] {strides = array<i32>} : memref<16x400xf32, #tpu.memory_space<vmem>>, vector<16xf32>,
        tpu.vector_store %arg26[%swap3A_539, %swap3A_540], %add3A_538 {strides = array<i32>} : memref<16x400xf32, #tpu.memory_space<vmem>>, vector<16xf32>,
        %get3A_542 = arith.index_cast %scan3A_205 : i32 to index
        %get3A_543 = arith.constant 240 : index
        %get3A_544 = tpu.vector_load %arg21[%get3A_542, %get3A_543] {strides = array<i32>} : memref<16x384xf32, #tpu.memory_space<vmem>>, vector<16xf32>,
        %mul3A_545 = arith.mulf %gather3A, %get3A_544 : vector<16xf32>
        %get3A_546 = arith.index_cast %scan3A_205 : i32 to index
        %get3A_547 = arith.constant 240 : index
        %get3A_548 = tpu.vector_load %arg22[%get3A_546, %get3A_547] {strides = array<i32>} : memref<16x384xf32, #tpu.memory_space<vmem>>, vector<16xf32>,
        %mul3A_549 = arith.mulf %gather3A_210, %get3A_548 : vector<16xf32>
        %add3A_550 = arith.addf %mul3A_545, %mul3A_549 : vector<16xf32>
        %get3A_551 = arith.index_cast %scan3A_205 : i32 to index
        %get3A_552 = arith.constant 240 : index
        %get3A_553 = tpu.vector_load %arg23[%get3A_551, %get3A_552] {strides = array<i32>} : memref<16x384xf32, #tpu.memory_space<vmem>>, vector<16xf32>,
        %mul3A_554 = arith.mulf %gather3A_211, %get3A_553 : vector<16xf32>
        %add3A_555 = arith.addf %add3A_550, %mul3A_554 : vector<16xf32>
        %get3A_556 = arith.index_cast %scan3A_205 : i32 to index
        %get3A_557 = arith.constant 240 : index
        %get3A_558 = tpu.vector_load %arg24[%get3A_556, %get3A_557] {strides = array<i32>} : memref<16x384xf32, #tpu.memory_space<vmem>>, vector<16xf32>,
        %mul3A_559 = arith.mulf %gather3A_212, %get3A_558 : vector<16xf32>
        %add3A_560 = arith.addf %add3A_555, %mul3A_559 : vector<16xf32>
        %swap3A_561 = arith.index_cast %scan3A_205 : i32 to index
        %swap3A_562 = arith.constant 240 : index
        %swap3A_563 = tpu.vector_load %arg26[%swap3A_561, %swap3A_562] {strides = array<i32>} : memref<16x400xf32, #tpu.memory_space<vmem>>, vector<16xf32>,
        tpu.vector_store %arg26[%swap3A_561, %swap3A_562], %add3A_560 {strides = array<i32>} : memref<16x400xf32, #tpu.memory_space<vmem>>, vector<16xf32>,
        %get3A_564 = arith.index_cast %scan3A_205 : i32 to index
        %get3A_565 = arith.constant 256 : index
        %get3A_566 = tpu.vector_load %arg21[%get3A_564, %get3A_565] {strides = array<i32>} : memref<16x384xf32, #tpu.memory_space<vmem>>, vector<16xf32>,
        %mul3A_567 = arith.mulf %gather3A, %get3A_566 : vector<16xf32>
        %get3A_568 = arith.index_cast %scan3A_205 : i32 to index
        %get3A_569 = arith.constant 256 : index
        %get3A_570 = tpu.vector_load %arg22[%get3A_568, %get3A_569] {strides = array<i32>} : memref<16x384xf32, #tpu.memory_space<vmem>>, vector<16xf32>,
        %mul3A_571 = arith.mulf %gather3A_210, %get3A_570 : vector<16xf32>
        %add3A_572 = arith.addf %mul3A_567, %mul3A_571 : vector<16xf32>
        %get3A_573 = arith.index_cast %scan3A_205 : i32 to index
        %get3A_574 = arith.constant 256 : index
        %get3A_575 = tpu.vector_load %arg23[%get3A_573, %get3A_574] {strides = array<i32>} : memref<16x384xf32, #tpu.memory_space<vmem>>, vector<16xf32>,
        %mul3A_576 = arith.mulf %gather3A_211, %get3A_575 : vector<16xf32>
        %add3A_577 = arith.addf %add3A_572, %mul3A_576 : vector<16xf32>
        %get3A_578 = arith.index_cast %scan3A_205 : i32 to index
        %get3A_579 = arith.constant 256 : index
        %get3A_580 = tpu.vector_load %arg24[%get3A_578, %get3A_579] {strides = array<i32>} : memref<16x384xf32, #tpu.memory_space<vmem>>, vector<16xf32>,
        %mul3A_581 = arith.mulf %gather3A_212, %get3A_580 : vector<16xf32>
        %add3A_582 = arith.addf %add3A_577, %mul3A_581 : vector<16xf32>
        %swap3A_583 = arith.index_cast %scan3A_205 : i32 to index
        %swap3A_584 = arith.constant 256 : index
        %swap3A_585 = tpu.vector_load %arg26[%swap3A_583, %swap3A_584] {strides = array<i32>} : memref<16x400xf32, #tpu.memory_space<vmem>>, vector<16xf32>,
        tpu.vector_store %arg26[%swap3A_583, %swap3A_584], %add3A_582 {strides = array<i32>} : memref<16x400xf32, #tpu.memory_space<vmem>>, vector<16xf32>,
        %get3A_586 = arith.index_cast %scan3A_205 : i32 to index
        %get3A_587 = arith.constant 272 : index
        %get3A_588 = tpu.vector_load %arg21[%get3A_586, %get3A_587] {strides = array<i32>} : memref<16x384xf32, #tpu.memory_space<vmem>>, vector<16xf32>,
        %mul3A_589 = arith.mulf %gather3A, %get3A_588 : vector<16xf32>
        %get3A_590 = arith.index_cast %scan3A_205 : i32 to index
        %get3A_591 = arith.constant 272 : index
        %get3A_592 = tpu.vector_load %arg22[%get3A_590, %get3A_591] {strides = array<i32>} : memref<16x384xf32, #tpu.memory_space<vmem>>, vector<16xf32>,
        %mul3A_593 = arith.mulf %gather3A_210, %get3A_592 : vector<16xf32>
        %add3A_594 = arith.addf %mul3A_589, %mul3A_593 : vector<16xf32>
        %get3A_595 = arith.index_cast %scan3A_205 : i32 to index
        %get3A_596 = arith.constant 272 : index
        %get3A_597 = tpu.vector_load %arg23[%get3A_595, %get3A_596] {strides = array<i32>} : memref<16x384xf32, #tpu.memory_space<vmem>>, vector<16xf32>,
        %mul3A_598 = arith.mulf %gather3A_211, %get3A_597 : vector<16xf32>
        %add3A_599 = arith.addf %add3A_594, %mul3A_598 : vector<16xf32>
        %get3A_600 = arith.index_cast %scan3A_205 : i32 to index
        %get3A_601 = arith.constant 272 : index
        %get3A_602 = tpu.vector_load %arg24[%get3A_600, %get3A_601] {strides = array<i32>} : memref<16x384xf32, #tpu.memory_space<vmem>>, vector<16xf32>,
        %mul3A_603 = arith.mulf %gather3A_212, %get3A_602 : vector<16xf32>
        %add3A_604 = arith.addf %add3A_599, %mul3A_603 : vector<16xf32>
        %swap3A_605 = arith.index_cast %scan3A_205 : i32 to index
        %swap3A_606 = arith.constant 272 : index
        %swap3A_607 = tpu.vector_load %arg26[%swap3A_605, %swap3A_606] {strides = array<i32>} : memref<16x400xf32, #tpu.memory_space<vmem>>, vector<16xf32>,
        tpu.vector_store %arg26[%swap3A_605, %swap3A_606], %add3A_604 {strides = array<i32>} : memref<16x400xf32, #tpu.memory_space<vmem>>, vector<16xf32>,
        %get3A_608 = arith.index_cast %scan3A_205 : i32 to index
        %get3A_609 = arith.constant 288 : index
        %get3A_610 = tpu.vector_load %arg21[%get3A_608, %get3A_609] {strides = array<i32>} : memref<16x384xf32, #tpu.memory_space<vmem>>, vector<16xf32>,
        %mul3A_611 = arith.mulf %gather3A, %get3A_610 : vector<16xf32>
        %get3A_612 = arith.index_cast %scan3A_205 : i32 to index
        %get3A_613 = arith.constant 288 : index
        %get3A_614 = tpu.vector_load %arg22[%get3A_612, %get3A_613] {strides = array<i32>} : memref<16x384xf32, #tpu.memory_space<vmem>>, vector<16xf32>,
        %mul3A_615 = arith.mulf %gather3A_210, %get3A_614 : vector<16xf32>
        %add3A_616 = arith.addf %mul3A_611, %mul3A_615 : vector<16xf32>
        %get3A_617 = arith.index_cast %scan3A_205 : i32 to index
        %get3A_618 = arith.constant 288 : index
        %get3A_619 = tpu.vector_load %arg23[%get3A_617, %get3A_618] {strides = array<i32>} : memref<16x384xf32, #tpu.memory_space<vmem>>, vector<16xf32>,
        %mul3A_620 = arith.mulf %gather3A_211, %get3A_619 : vector<16xf32>
        %add3A_621 = arith.addf %add3A_616, %mul3A_620 : vector<16xf32>
        %get3A_622 = arith.index_cast %scan3A_205 : i32 to index
        %get3A_623 = arith.constant 288 : index
        %get3A_624 = tpu.vector_load %arg24[%get3A_622, %get3A_623] {strides = array<i32>} : memref<16x384xf32, #tpu.memory_space<vmem>>, vector<16xf32>,
        %mul3A_625 = arith.mulf %gather3A_212, %get3A_624 : vector<16xf32>
        %add3A_626 = arith.addf %add3A_621, %mul3A_625 : vector<16xf32>
        %swap3A_627 = arith.index_cast %scan3A_205 : i32 to index
        %swap3A_628 = arith.constant 288 : index
        %swap3A_629 = tpu.vector_load %arg26[%swap3A_627, %swap3A_628] {strides = array<i32>} : memref<16x400xf32, #tpu.memory_space<vmem>>, vector<16xf32>,
        tpu.vector_store %arg26[%swap3A_627, %swap3A_628], %add3A_626 {strides = array<i32>} : memref<16x400xf32, #tpu.memory_space<vmem>>, vector<16xf32>,
        %get3A_630 = arith.index_cast %scan3A_205 : i32 to index
        %get3A_631 = arith.constant 304 : index
        %get3A_632 = tpu.vector_load %arg21[%get3A_630, %get3A_631] {strides = array<i32>} : memref<16x384xf32, #tpu.memory_space<vmem>>, vector<16xf32>,
        %mul3A_633 = arith.mulf %gather3A, %get3A_632 : vector<16xf32>
        %get3A_634 = arith.index_cast %scan3A_205 : i32 to index
        %get3A_635 = arith.constant 304 : index
        %get3A_636 = tpu.vector_load %arg22[%get3A_634, %get3A_635] {strides = array<i32>} : memref<16x384xf32, #tpu.memory_space<vmem>>, vector<16xf32>,
        %mul3A_637 = arith.mulf %gather3A_210, %get3A_636 : vector<16xf32>
        %add3A_638 = arith.addf %mul3A_633, %mul3A_637 : vector<16xf32>
        %get3A_639 = arith.index_cast %scan3A_205 : i32 to index
        %get3A_640 = arith.constant 304 : index
        %get3A_641 = tpu.vector_load %arg23[%get3A_639, %get3A_640] {strides = array<i32>} : memref<16x384xf32, #tpu.memory_space<vmem>>, vector<16xf32>,
        %mul3A_642 = arith.mulf %gather3A_211, %get3A_641 : vector<16xf32>
        %add3A_643 = arith.addf %add3A_638, %mul3A_642 : vector<16xf32>
        %get3A_644 = arith.index_cast %scan3A_205 : i32 to index
        %get3A_645 = arith.constant 304 : index
        %get3A_646 = tpu.vector_load %arg24[%get3A_644, %get3A_645] {strides = array<i32>} : memref<16x384xf32, #tpu.memory_space<vmem>>, vector<16xf32>,
        %mul3A_647 = arith.mulf %gather3A_212, %get3A_646 : vector<16xf32>
        %add3A_648 = arith.addf %add3A_643, %mul3A_647 : vector<16xf32>
        %swap3A_649 = arith.index_cast %scan3A_205 : i32 to index
        %swap3A_650 = arith.constant 304 : index
        %swap3A_651 = tpu.vector_load %arg26[%swap3A_649, %swap3A_650] {strides = array<i32>} : memref<16x400xf32, #tpu.memory_space<vmem>>, vector<16xf32>,
        tpu.vector_store %arg26[%swap3A_649, %swap3A_650], %add3A_648 {strides = array<i32>} : memref<16x400xf32, #tpu.memory_space<vmem>>, vector<16xf32>,
        %get3A_652 = arith.index_cast %scan3A_205 : i32 to index
        %get3A_653 = arith.constant 320 : index
        %get3A_654 = tpu.vector_load %arg21[%get3A_652, %get3A_653] {strides = array<i32>} : memref<16x384xf32, #tpu.memory_space<vmem>>, vector<16xf32>,
        %mul3A_655 = arith.mulf %gather3A, %get3A_654 : vector<16xf32>
        %get3A_656 = arith.index_cast %scan3A_205 : i32 to index
        %get3A_657 = arith.constant 320 : index
        %get3A_658 = tpu.vector_load %arg22[%get3A_656, %get3A_657] {strides = array<i32>} : memref<16x384xf32, #tpu.memory_space<vmem>>, vector<16xf32>,
        %mul3A_659 = arith.mulf %gather3A_210, %get3A_658 : vector<16xf32>
        %add3A_660 = arith.addf %mul3A_655, %mul3A_659 : vector<16xf32>
        %get3A_661 = arith.index_cast %scan3A_205 : i32 to index
        %get3A_662 = arith.constant 320 : index
        %get3A_663 = tpu.vector_load %arg23[%get3A_661, %get3A_662] {strides = array<i32>} : memref<16x384xf32, #tpu.memory_space<vmem>>, vector<16xf32>,
        %mul3A_664 = arith.mulf %gather3A_211, %get3A_663 : vector<16xf32>
        %add3A_665 = arith.addf %add3A_660, %mul3A_664 : vector<16xf32>
        %get3A_666 = arith.index_cast %scan3A_205 : i32 to index
        %get3A_667 = arith.constant 320 : index
        %get3A_668 = tpu.vector_load %arg24[%get3A_666, %get3A_667] {strides = array<i32>} : memref<16x384xf32, #tpu.memory_space<vmem>>, vector<16xf32>,
        %mul3A_669 = arith.mulf %gather3A_212, %get3A_668 : vector<16xf32>
        %add3A_670 = arith.addf %add3A_665, %mul3A_669 : vector<16xf32>
        %swap3A_671 = arith.index_cast %scan3A_205 : i32 to index
        %swap3A_672 = arith.constant 320 : index
        %swap3A_673 = tpu.vector_load %arg26[%swap3A_671, %swap3A_672] {strides = array<i32>} : memref<16x400xf32, #tpu.memory_space<vmem>>, vector<16xf32>,
        tpu.vector_store %arg26[%swap3A_671, %swap3A_672], %add3A_670 {strides = array<i32>} : memref<16x400xf32, #tpu.memory_space<vmem>>, vector<16xf32>,
        %get3A_674 = arith.index_cast %scan3A_205 : i32 to index
        %get3A_675 = arith.constant 336 : index
        %get3A_676 = tpu.vector_load %arg21[%get3A_674, %get3A_675] {strides = array<i32>} : memref<16x384xf32, #tpu.memory_space<vmem>>, vector<16xf32>,
        %mul3A_677 = arith.mulf %gather3A, %get3A_676 : vector<16xf32>
        %get3A_678 = arith.index_cast %scan3A_205 : i32 to index
        %get3A_679 = arith.constant 336 : index
        %get3A_680 = tpu.vector_load %arg22[%get3A_678, %get3A_679] {strides = array<i32>} : memref<16x384xf32, #tpu.memory_space<vmem>>, vector<16xf32>,
        %mul3A_681 = arith.mulf %gather3A_210, %get3A_680 : vector<16xf32>
        %add3A_682 = arith.addf %mul3A_677, %mul3A_681 : vector<16xf32>
        %get3A_683 = arith.index_cast %scan3A_205 : i32 to index
        %get3A_684 = arith.constant 336 : index
        %get3A_685 = tpu.vector_load %arg23[%get3A_683, %get3A_684] {strides = array<i32>} : memref<16x384xf32, #tpu.memory_space<vmem>>, vector<16xf32>,
        %mul3A_686 = arith.mulf %gather3A_211, %get3A_685 : vector<16xf32>
        %add3A_687 = arith.addf %add3A_682, %mul3A_686 : vector<16xf32>
        %get3A_688 = arith.index_cast %scan3A_205 : i32 to index
        %get3A_689 = arith.constant 336 : index
        %get3A_690 = tpu.vector_load %arg24[%get3A_688, %get3A_689] {strides = array<i32>} : memref<16x384xf32, #tpu.memory_space<vmem>>, vector<16xf32>,
        %mul3A_691 = arith.mulf %gather3A_212, %get3A_690 : vector<16xf32>
        %add3A_692 = arith.addf %add3A_687, %mul3A_691 : vector<16xf32>
        %swap3A_693 = arith.index_cast %scan3A_205 : i32 to index
        %swap3A_694 = arith.constant 336 : index
        %swap3A_695 = tpu.vector_load %arg26[%swap3A_693, %swap3A_694] {strides = array<i32>} : memref<16x400xf32, #tpu.memory_space<vmem>>, vector<16xf32>,
        tpu.vector_store %arg26[%swap3A_693, %swap3A_694], %add3A_692 {strides = array<i32>} : memref<16x400xf32, #tpu.memory_space<vmem>>, vector<16xf32>,
        %get3A_696 = arith.index_cast %scan3A_205 : i32 to index
        %get3A_697 = arith.constant 352 : index
        %get3A_698 = tpu.vector_load %arg21[%get3A_696, %get3A_697] {strides = array<i32>} : memref<16x384xf32, #tpu.memory_space<vmem>>, vector<16xf32>,
        %mul3A_699 = arith.mulf %gather3A, %get3A_698 : vector<16xf32>
        %get3A_700 = arith.index_cast %scan3A_205 : i32 to index
        %get3A_701 = arith.constant 352 : index
        %get3A_702 = tpu.vector_load %arg22[%get3A_700, %get3A_701] {strides = array<i32>} : memref<16x384xf32, #tpu.memory_space<vmem>>, vector<16xf32>,
        %mul3A_703 = arith.mulf %gather3A_210, %get3A_702 : vector<16xf32>
        %add3A_704 = arith.addf %mul3A_699, %mul3A_703 : vector<16xf32>
        %get3A_705 = arith.index_cast %scan3A_205 : i32 to index
        %get3A_706 = arith.constant 352 : index
        %get3A_707 = tpu.vector_load %arg23[%get3A_705, %get3A_706] {strides = array<i32>} : memref<16x384xf32, #tpu.memory_space<vmem>>, vector<16xf32>,
        %mul3A_708 = arith.mulf %gather3A_211, %get3A_707 : vector<16xf32>
        %add3A_709 = arith.addf %add3A_704, %mul3A_708 : vector<16xf32>
        %get3A_710 = arith.index_cast %scan3A_205 : i32 to index
        %get3A_711 = arith.constant 352 : index
        %get3A_712 = tpu.vector_load %arg24[%get3A_710, %get3A_711] {strides = array<i32>} : memref<16x384xf32, #tpu.memory_space<vmem>>, vector<16xf32>,
        %mul3A_713 = arith.mulf %gather3A_212, %get3A_712 : vector<16xf32>
        %add3A_714 = arith.addf %add3A_709, %mul3A_713 : vector<16xf32>
        %swap3A_715 = arith.index_cast %scan3A_205 : i32 to index
        %swap3A_716 = arith.constant 352 : index
        %swap3A_717 = tpu.vector_load %arg26[%swap3A_715, %swap3A_716] {strides = array<i32>} : memref<16x400xf32, #tpu.memory_space<vmem>>, vector<16xf32>,
        tpu.vector_store %arg26[%swap3A_715, %swap3A_716], %add3A_714 {strides = array<i32>} : memref<16x400xf32, #tpu.memory_space<vmem>>, vector<16xf32>,
        %get3A_718 = arith.index_cast %scan3A_205 : i32 to index
        %get3A_719 = arith.constant 368 : index
        %get3A_720 = tpu.vector_load %arg21[%get3A_718, %get3A_719] {strides = array<i32>} : memref<16x384xf32, #tpu.memory_space<vmem>>, vector<16xf32>,
        %mul3A_721 = arith.mulf %gather3A, %get3A_720 : vector<16xf32>
        %get3A_722 = arith.index_cast %scan3A_205 : i32 to index
        %get3A_723 = arith.constant 368 : index
        %get3A_724 = tpu.vector_load %arg22[%get3A_722, %get3A_723] {strides = array<i32>} : memref<16x384xf32, #tpu.memory_space<vmem>>, vector<16xf32>,
        %mul3A_725 = arith.mulf %gather3A_210, %get3A_724 : vector<16xf32>
        %add3A_726 = arith.addf %mul3A_721, %mul3A_725 : vector<16xf32>
        %get3A_727 = arith.index_cast %scan3A_205 : i32 to index
        %get3A_728 = arith.constant 368 : index
        %get3A_729 = tpu.vector_load %arg23[%get3A_727, %get3A_728] {strides = array<i32>} : memref<16x384xf32, #tpu.memory_space<vmem>>, vector<16xf32>,
        %mul3A_730 = arith.mulf %gather3A_211, %get3A_729 : vector<16xf32>
        %add3A_731 = arith.addf %add3A_726, %mul3A_730 : vector<16xf32>
        %get3A_732 = arith.index_cast %scan3A_205 : i32 to index
        %get3A_733 = arith.constant 368 : index
        %get3A_734 = tpu.vector_load %arg24[%get3A_732, %get3A_733] {strides = array<i32>} : memref<16x384xf32, #tpu.memory_space<vmem>>, vector<16xf32>,
        %mul3A_735 = arith.mulf %gather3A_212, %get3A_734 : vector<16xf32>
        %add3A_736 = arith.addf %add3A_731, %mul3A_735 : vector<16xf32>
        %swap3A_737 = arith.index_cast %scan3A_205 : i32 to index
        %swap3A_738 = arith.constant 368 : index
        %swap3A_739 = tpu.vector_load %arg26[%swap3A_737, %swap3A_738] {strides = array<i32>} : memref<16x400xf32, #tpu.memory_space<vmem>>, vector<16xf32>,
        tpu.vector_store %arg26[%swap3A_737, %swap3A_738], %add3A_736 {strides = array<i32>} : memref<16x400xf32, #tpu.memory_space<vmem>>, vector<16xf32>,
        %gather3A_740 = tpu.vector_load_idx %arg16[%broadcast_in_dim3A] : memref<2048xf32, #tpu.memory_space<vmem>>[vector<16xi32>], vector<16xf32>,
        %iota3A = tpu.iota {dimensions = array<i32: 0>} : vector<16xi32>
        %eq3A_741 = arith.constant 0 : i32
        %eq3A_742 = vector.broadcast %eq3A_741 : i32 to vector<16xi32>
        %eq3A_743 = arith.cmpi eq, %iota3A, %eq3A_742 : vector<16xi32>
        %broadcast_in_dim3A_744 = arith.constant 1.000000e+00 : f32
        %broadcast_in_dim3A_745 = vector.broadcast %broadcast_in_dim3A_744 : f32 to vector<16xf32>
        %broadcast_in_dim3A_746 = arith.constant 0.000000e+00 : f32
        %broadcast_in_dim3A_747 = vector.broadcast %broadcast_in_dim3A_746 : f32 to vector<16xf32>
        %select_n3A_748 = arith.select %eq3A_743, %broadcast_in_dim3A_745, %broadcast_in_dim3A_747 : vector<16xi1>, vector<16xf32>
        %mul3A_749 = arith.mulf %gather3A_740, %select_n3A_748 : vector<16xf32>
        %swap3A_750 = arith.index_cast %scan3A_205 : i32 to index
        %swap3A_751 = arith.constant 384 : index
        %swap3A_752 = tpu.vector_load %arg26[%swap3A_750, %swap3A_751] {strides = array<i32>} : memref<16x400xf32, #tpu.memory_space<vmem>>, vector<16xf32>,
        tpu.vector_store %arg26[%swap3A_750, %swap3A_751], %mul3A_749 {strides = array<i32>} : memref<16x400xf32, #tpu.memory_space<vmem>>, vector<16xf32>,
        %scan3A_753 = arith.constant 0 : i32
        scf.yield %scan3A_753 : i32
      }
      %scan3A_189 = arith.constant 16 : i32
      %add3A_190 = arith.constant 1 : i32
      %add3A_191 = arith.addi %mul3A_80, %add3A_190 : i32
      %mul3A_192 = arith.constant 8192 : i32
      %mul3A_193 = arith.muli %select_n3A, %mul3A_192 : i32
      %mul3A_194 = arith.constant 2048 : i32
      %mul3A_195 = arith.muli %select_n3A_30, %mul3A_194 : i32
      %add3A_196 = arith.addi %mul3A_193, %mul3A_195 : i32
      %mul3A_197 = arith.constant 16 : i32
      %mul3A_198 = arith.muli %add3A_191, %mul3A_197 : i32
      %add3A_199 = arith.addi %add3A_196, %mul3A_198 : i32
      %dma_start3A_200 = arith.constant 0 : i32
      %dma_start3A_201 = tpu.memref_slice %arg5[%add3A_199, %dma_start3A_200] : memref<65536x400xf32, #tpu.memory_space<hbm>> -> memref<16x400xf32, #tpu.memory_space<hbm>>
      %dma_start3A_202 = arith.constant 0 : i32
      %dma_start3A_203 = tpu.memref_slice %arg5[%add3A_199, %dma_start3A_202] : memref<65536x400xf32, #tpu.memory_space<hbm>> -> memref<16x400xf32, #tpu.memory_space<hbm>>
      tpu.enqueue_dma source(%arg26 : memref<16x400xf32, #tpu.memory_space<vmem>>) target(%dma_start3A_203 : memref<16x400xf32, #tpu.memory_space<hbm>>) target_semaphore(%arg29 : memref<!tpu.dma_semaphore, #tpu.memory_space<semaphore_mem>>)
      %scan3A_204 = arith.constant 0 : i32
      scf.yield %scan3A_204 : i32
    }
    %scan3A_65 = arith.constant 64 : i32
    %dma_wait3A = arith.constant 0 : i32
    %dma_wait3A_66 = arith.constant 0 : i32
    %dma_wait3A_67 = tpu.memref_slice %arg5[%dma_wait3A, %dma_wait3A_66] : memref<65536x400xf32, #tpu.memory_space<hbm>> -> memref<16x400xf32, #tpu.memory_space<hbm>>
    %dma_wait3A_68 = arith.constant 0 : i32
    %dma_wait3A_69 = arith.constant 0 : i32
    %dma_wait3A_70 = tpu.memref_slice %arg5[%dma_wait3A_68, %dma_wait3A_69] : memref<65536x400xf32, #tpu.memory_space<hbm>> -> memref<16x400xf32, #tpu.memory_space<hbm>>
    tpu.wait_dma2 semaphore(%arg29 : memref<!tpu.dma_semaphore, #tpu.memory_space<semaphore_mem>>) src(%dma_wait3A_70 : memref<16x400xf32, #tpu.memory_space<hbm>>) dst(%arg25 : memref<16x400xf32, #tpu.memory_space<vmem>>)
    %dma_wait3A_71 = arith.constant 0 : i32
    %dma_wait3A_72 = arith.constant 0 : i32
    %dma_wait3A_73 = tpu.memref_slice %arg5[%dma_wait3A_71, %dma_wait3A_72] : memref<65536x400xf32, #tpu.memory_space<hbm>> -> memref<16x400xf32, #tpu.memory_space<hbm>>
    %dma_wait3A_74 = arith.constant 0 : i32
    %dma_wait3A_75 = arith.constant 0 : i32
    %dma_wait3A_76 = tpu.memref_slice %arg5[%dma_wait3A_74, %dma_wait3A_75] : memref<65536x400xf32, #tpu.memory_space<hbm>> -> memref<16x400xf32, #tpu.memory_space<hbm>>
    tpu.wait_dma2 semaphore(%arg29 : memref<!tpu.dma_semaphore, #tpu.memory_space<semaphore_mem>>) src(%dma_wait3A_76 : memref<16x400xf32, #tpu.memory_space<hbm>>) dst(%arg26 : memref<16x400xf32, #tpu.memory_space<vmem>>)
    return
  }
}

module attributes {stable_mosaic.version = 14 : i64} {
  func.func @_mlp_body(%arg0: i32, %arg1: memref<2048x400xf32, #tpu.memory_space<vmem>>, %arg2: memref<400x256xf32, #tpu.memory_space<vmem>>, %arg3: memref<1x256xf32, #tpu.memory_space<vmem>>, %arg4: memref<256x256xf32, #tpu.memory_space<vmem>>, %arg5: memref<1x256xf32, #tpu.memory_space<vmem>>, %arg6: memref<256x256xf32, #tpu.memory_space<vmem>>, %arg7: memref<1x256xf32, #tpu.memory_space<vmem>>, %arg8: memref<256x1xf32, #tpu.memory_space<vmem>>, %arg9: memref<1x1xf32, #tpu.memory_space<vmem>>, %arg10: memref<2048x1xf32, #tpu.memory_space<vmem>>) attributes {dimension_semantics = [#tpu.dimension_semantics<arbitrary>], iteration_bounds = array<i64: 32>, scalar_prefetch = 0 : i64, scratch_operands = 0 : i64, tpu.core_type = #tpu.core_type<tc>, window_params = [{transform_indices = @transform_0, window_bounds = array<i64: 2048, 400>}, {pipeline_mode = #tpu.pipeline_mode<synchronous>, transform_indices = @transform_1, window_bounds = array<i64: 400, 256>}, {pipeline_mode = #tpu.pipeline_mode<synchronous>, transform_indices = @transform_2, window_bounds = array<i64: 1, 256>}, {pipeline_mode = #tpu.pipeline_mode<synchronous>, transform_indices = @transform_3, window_bounds = array<i64: 256, 256>}, {pipeline_mode = #tpu.pipeline_mode<synchronous>, transform_indices = @transform_4, window_bounds = array<i64: 1, 256>}, {pipeline_mode = #tpu.pipeline_mode<synchronous>, transform_indices = @transform_5, window_bounds = array<i64: 256, 256>}, {pipeline_mode = #tpu.pipeline_mode<synchronous>, transform_indices = @transform_6, window_bounds = array<i64: 1, 256>}, {pipeline_mode = #tpu.pipeline_mode<synchronous>, transform_indices = @transform_7, window_bounds = array<i64: 256, 1>}, {pipeline_mode = #tpu.pipeline_mode<synchronous>, transform_indices = @transform_8, window_bounds = array<i64: 1, 1>}, {transform_indices = @transform_9, window_bounds = array<i64: 2048, 1>}]} {
    %get3A = arith.constant 0 : index
    %get3A_0 = arith.constant 0 : index
    %get3A_1 = vector.load %arg1[%get3A, %get3A_0] : memref<2048x400xf32, #tpu.memory_space<vmem>>, vector<2048x400xf32>
    %get3A_2 = arith.constant 0 : index
    %get3A_3 = arith.constant 0 : index
    %get3A_4 = vector.load %arg2[%get3A_2, %get3A_3] : memref<400x256xf32, #tpu.memory_space<vmem>>, vector<400x256xf32>
    %dot_general3A = arith.constant dense<0.000000e+00> : vector<2048x256xf32>
    %dot_general3A_5 = tpu.matmul %get3A_1, %get3A_4, %dot_general3A {dimension_numbers = #tpu.dot_dimension_numbers<[1], [0], [0], [1], [0, 0, 1, 1], [], []>, transpose_lhs_hint = false} : vector<2048x400xf32>, vector<400x256xf32>, vector<2048x256xf32> -> vector<2048x256xf32>
    %get3A_6 = arith.constant 0 : index
    %get3A_7 = arith.constant 0 : index
    %get3A_8 = vector.load %arg3[%get3A_6, %get3A_7] : memref<1x256xf32, #tpu.memory_space<vmem>>, vector<1x256xf32>
    %add3A = vector.broadcast %get3A_8 : vector<1x256xf32> to vector<2048x256xf32>
    %add3A_9 = arith.addf %dot_general3A_5, %add3A : vector<2048x256xf32>
    %max3A = arith.constant 0.000000e+00 : f32
    %max3A_10 = vector.broadcast %max3A : f32 to vector<2048x256xf32>
    %max3A_11 = arith.maximumf %add3A_9, %max3A_10 : vector<2048x256xf32>
    %get3A_12 = arith.constant 0 : index
    %get3A_13 = arith.constant 0 : index
    %get3A_14 = vector.load %arg4[%get3A_12, %get3A_13] : memref<256x256xf32, #tpu.memory_space<vmem>>, vector<256x256xf32>
    %dot_general3A_15 = arith.constant dense<0.000000e+00> : vector<2048x256xf32>
    %dot_general3A_16 = tpu.matmul %max3A_11, %get3A_14, %dot_general3A_15 {dimension_numbers = #tpu.dot_dimension_numbers<[1], [0], [0], [1], [0, 0, 1, 1], [], []>, transpose_lhs_hint = false} : vector<2048x256xf32>, vector<256x256xf32>, vector<2048x256xf32> -> vector<2048x256xf32>
    %get3A_17 = arith.constant 0 : index
    %get3A_18 = arith.constant 0 : index
    %get3A_19 = vector.load %arg5[%get3A_17, %get3A_18] : memref<1x256xf32, #tpu.memory_space<vmem>>, vector<1x256xf32>
    %add3A_20 = vector.broadcast %get3A_19 : vector<1x256xf32> to vector<2048x256xf32>
    %add3A_21 = arith.addf %dot_general3A_16, %add3A_20 : vector<2048x256xf32>
    %max3A_22 = arith.constant 0.000000e+00 : f32
    %max3A_23 = vector.broadcast %max3A_22 : f32 to vector<2048x256xf32>
    %max3A_24 = arith.maximumf %add3A_21, %max3A_23 : vector<2048x256xf32>
    %get3A_25 = arith.constant 0 : index
    %get3A_26 = arith.constant 0 : index
    %get3A_27 = vector.load %arg6[%get3A_25, %get3A_26] : memref<256x256xf32, #tpu.memory_space<vmem>>, vector<256x256xf32>
    %dot_general3A_28 = arith.constant dense<0.000000e+00> : vector<2048x256xf32>
    %dot_general3A_29 = tpu.matmul %max3A_24, %get3A_27, %dot_general3A_28 {dimension_numbers = #tpu.dot_dimension_numbers<[1], [0], [0], [1], [0, 0, 1, 1], [], []>, transpose_lhs_hint = false} : vector<2048x256xf32>, vector<256x256xf32>, vector<2048x256xf32> -> vector<2048x256xf32>
    %get3A_30 = arith.constant 0 : index
    %get3A_31 = arith.constant 0 : index
    %get3A_32 = vector.load %arg7[%get3A_30, %get3A_31] : memref<1x256xf32, #tpu.memory_space<vmem>>, vector<1x256xf32>
    %add3A_33 = vector.broadcast %get3A_32 : vector<1x256xf32> to vector<2048x256xf32>
    %add3A_34 = arith.addf %dot_general3A_29, %add3A_33 : vector<2048x256xf32>
    %max3A_35 = arith.constant 0.000000e+00 : f32
    %max3A_36 = vector.broadcast %max3A_35 : f32 to vector<2048x256xf32>
    %max3A_37 = arith.maximumf %add3A_34, %max3A_36 : vector<2048x256xf32>
    %get3A_38 = arith.constant 0 : index
    %get3A_39 = arith.constant 0 : index
    %get3A_40 = vector.load %arg8[%get3A_38, %get3A_39] : memref<256x1xf32, #tpu.memory_space<vmem>>, vector<256x1xf32>
    %dot_general3A_41 = arith.constant dense<0.000000e+00> : vector<2048x1xf32>
    %dot_general3A_42 = tpu.matmul %max3A_37, %get3A_40, %dot_general3A_41 {dimension_numbers = #tpu.dot_dimension_numbers<[1], [0], [0], [1], [0, 0, 1, 1], [], []>, transpose_lhs_hint = false} : vector<2048x256xf32>, vector<256x1xf32>, vector<2048x1xf32> -> vector<2048x1xf32>
    %get3A_43 = arith.constant 0 : index
    %get3A_44 = arith.constant 0 : index
    %get3A_45 = vector.load %arg9[%get3A_43, %get3A_44] : memref<1x1xf32, #tpu.memory_space<vmem>>, vector<1x1xf32>
    %add3A_46 = vector.broadcast %get3A_45 : vector<1x1xf32> to vector<2048x1xf32>
    %add3A_47 = arith.addf %dot_general3A_42, %add3A_46 : vector<2048x1xf32>
    %swap3A = arith.constant 0 : index
    %swap3A_48 = arith.constant 0 : index
    %swap3A_49 = vector.load %arg10[%swap3A, %swap3A_48] : memref<2048x1xf32, #tpu.memory_space<vmem>>, vector<2048x1xf32>
    tpu.vector_store %arg10[%swap3A, %swap3A_48], %add3A_47 {strides = array<i32>} : memref<2048x1xf32, #tpu.memory_space<vmem>>, vector<2048x1xf32>,
    return
  }
  func.func @transform_0(%arg0: i32) -> (i32, i32) {
    %c0_i32 = arith.constant 0 : i32
    %c0_i32_0 = arith.constant 0 : i32
    return %arg0, %c0_i32 : i32, i32
  }
  func.func @transform_1(%arg0: i32) -> (i32, i32) {
    %c0_i32 = arith.constant 0 : i32
    %c0_i32_0 = arith.constant 0 : i32
    %c0_i32_1 = arith.constant 0 : i32
    return %c0_i32, %c0_i32_0 : i32, i32
  }
  func.func @transform_2(%arg0: i32) -> (i32, i32) {
    %c0_i32 = arith.constant 0 : i32
    %c0_i32_0 = arith.constant 0 : i32
    %c0_i32_1 = arith.constant 0 : i32
    return %c0_i32, %c0_i32_0 : i32, i32
  }
  func.func @transform_3(%arg0: i32) -> (i32, i32) {
    %c0_i32 = arith.constant 0 : i32
    %c0_i32_0 = arith.constant 0 : i32
    %c0_i32_1 = arith.constant 0 : i32
    return %c0_i32, %c0_i32_0 : i32, i32
  }
  func.func @transform_4(%arg0: i32) -> (i32, i32) {
    %c0_i32 = arith.constant 0 : i32
    %c0_i32_0 = arith.constant 0 : i32
    %c0_i32_1 = arith.constant 0 : i32
    return %c0_i32, %c0_i32_0 : i32, i32
  }
  func.func @transform_5(%arg0: i32) -> (i32, i32) {
    %c0_i32 = arith.constant 0 : i32
    %c0_i32_0 = arith.constant 0 : i32
    %c0_i32_1 = arith.constant 0 : i32
    return %c0_i32, %c0_i32_0 : i32, i32
  }
  func.func @transform_6(%arg0: i32) -> (i32, i32) {
    %c0_i32 = arith.constant 0 : i32
    %c0_i32_0 = arith.constant 0 : i32
    %c0_i32_1 = arith.constant 0 : i32
    return %c0_i32, %c0_i32_0 : i32, i32
  }
  func.func @transform_7(%arg0: i32) -> (i32, i32) {
    %c0_i32 = arith.constant 0 : i32
    %c0_i32_0 = arith.constant 0 : i32
    %c0_i32_1 = arith.constant 0 : i32
    return %c0_i32, %c0_i32_0 : i32, i32
  }
  func.func @transform_8(%arg0: i32) -> (i32, i32) {
    %c0_i32 = arith.constant 0 : i32
    %c0_i32_0 = arith.constant 0 : i32
    %c0_i32_1 = arith.constant 0 : i32
    return %c0_i32, %c0_i32_0 : i32, i32
  }
  func.func @transform_9(%arg0: i32) -> (i32, i32) {
    %c0_i32 = arith.constant 0 : i32
    %c0_i32_0 = arith.constant 0 : i32
    return %arg0, %c0_i32 : i32, i32
  }
}

</mosaic_0001>

<sc_bundles>
// kernel: kernel.4.cloned.1.call-start
scs
__scs_entry_jumppad:
0x0: {  	(pc) =	sbr.rel $0x88, $3  }
0x1: {  	(tag) =	ssettag $0x0;
	lr =	simm.s32 $0x1  }
0x2: {  	[smem:$0x3F96] =	sst lr;
	_ =	strace $0xD0000000  }
0x3: {  	_ = 	snop  }
0x4: {  	_ = 	snop  }
0x5: {  	_ = 	snop  }
0x6: {  	_ = 	snop  }
0x7: {  	_ = 	snop  }
__scs_overlays_trampoline_lowered:
0x8: {  	[smem:$0x3FA5] =	sst s0  }
0x9: {  	[smem:$0x3FA6] =	sst s1  }
0xa: {  	[smem:$0x3FA7] =	sst s2  }
0xb: {  	[smem:$0x3FA8] =	sst s3  }
0xc: {  	[smem:$0x3FA9] =	sst s4  }
0xd: {  	[smem:$0x3FAA] =	sst s5  }
0xe: {  	[smem:$0x3FAB] =	sst s6  }
0xf: {  	[smem:$0x3FAC] =	sst s7  }
0x10: {  	[smem:$0x3FAD] =	sst s8  }
0x11: {  	[smem:$0x3FAE] =	sst s9;
	s0 =	simm.s32 @!p0 $0x0  }
0x12: {  	s1 =	sld [smem:$0x3F94];
	s0 =	simm.s32 @p0 $0x1  }
0x13: {  	[smem:$0x3FAF] =	sst s0;
	s0 =	simm.s32 @!p1 $0x0  }
0x14: {  	s2 =	sld [smem:$0x3F93];
	s0 =	simm.s32 @p1 $0x1  }
0x15: {  	[smem:$0x3FB0] =	sst s0;
	s0 =	simm.s32 @!p2 $0x0  }
0x16: {  	s3 =	sld [smem:$0x3FDB];
	s0 =	simm.s32 @p2 $0x1  }
0x17: {  	s4 =	simm.s32 $0x1BF5;
	[smem:$0x3FB2] =	sst s0  }
0x18: {  	s0 =	sld [smem:$0x3F95];
	_ =	swait.ge [sflag:s4], $0x0  }
0x19: {  	s7 =	sld [smem:$0x3F96]  }
0x1a: {  	s8 =	sadd.s32 $0xFFFFE003, lr  }
0x1b: {  	s9 =	sadd.s32 $0xFFFFFEF7, lr;
	s5 =	simm.s32 $0xFFFFFFFF;
	p2 =	slt.u32 s8, $0xFFFFF086  }
0x1c: {  	p1 =	slt.u32 s9, $0xF7A;
	s5 =	simm.s32 @!p2 $0x0  }
0x1d: {  	s5 =	simm.s32 @p1 $0x1;
	p0 =	seq.s32 s7, s2  }
0x1e: {  	s7 =	smul.u32 @!p0 $0xF7A, s2;
	p2 =	seq.s32 @!p0 s5, $0x0  }
0x1f: {  	s9 =	smul.u32 $0xF7A, s1;
	s8 =	simm.s32 @!p0 $0x1BF5;
	p2 =	por !p2, p0  }
0x20: {  	[sflag:s8] =	ssyncset.s32 @!p0 $0xFFFFF086;
	s6 =	sadd.s32 @!p0 s3, s7;
	s7 =	simm.s32 @!p0 $0x108  }
0x21: {  	s3 =	sadd.s32 s3, s9;
	s6 =	sadd.s32 @!p0 $0x88, s6;
	s7 =	simm.s32 @p2 $0x1082  }
0x22: {  	[simem:s7], [sflag:s8] =	dma.local @!p0 [hbm:s6], $0xF7A  }
0x23: {  	s9 =	sor.u32 $0xD0000000, s2;
	s6 =	simm.s32 $0x108;
	_ =	swait.ge @!p0 [sflag:s8], $0x0  }
0x24: {  	s3 =	sadd.s32 $0x88, s3;
	s6 =	simm.s32 @!p1 $0x1082;
	[sflag:s4] =	ssyncset.s32 $0xFFFFF086  }
0x25: {  	[simem:s6], [sflag:s4] =	dma.local [hbm:s3], $0xF7A  }
0x26: {  	[smem:$0x3F96] =	sst s1;
	(tag) =	ssettag s2;
	_ =	strace s9  }
0x27: {  	s1 =	sld [smem:$0x3FA6]  }
0x28: {  	s2 =	sld [smem:$0x3FA7]  }
0x29: {  	s4 =	sld [smem:$0x3FA9]  }
0x2a: {  	p0 =	seq.s32 s5, $0x0;
	s5 =	sld [smem:$0x3FAA]  }
0x2b: {  	s6 =	sld [smem:$0x3FAB]  }
0x2c: {  	s7 =	sld [smem:$0x3FAC]  }
0x2d: {  	s3 =	simm.s32 $0x108;
	s8 =	sld [smem:$0x3FAD]  }
0x2e: {  	s3 =	simm.s32 @!p0 $0x1082;
	s9 =	sld [smem:$0x3FAE]  }
0x2f: {  	lr =	sadd.s32 s0, s3;
	s0 =	sld [smem:$0x3FA5]  }
0x30: {  	s3 =	sld [smem:$0x3FA8]  }
0x31: {  	[smem:$0x3FB1] =	sst s10  }
0x32: {  	s10 =	sld [smem:$0x3FAF];
	_ =	sdelay $0x3  }
0x33: {  	p0 =	seq.s32 s10, $0x1;
	s10 =	sld [smem:$0x3FB1];
	_ =	sdelay $0x3  }
0x34: {  	[smem:$0x3FB1] =	sst s10  }
0x35: {  	s10 =	sld [smem:$0x3FB0];
	_ =	sdelay $0x3  }
0x36: {  	p1 =	seq.s32 s10, $0x1;
	s10 =	sld [smem:$0x3FB1];
	_ =	sdelay $0x3  }
0x37: {  	[smem:$0x3FB1] =	sst s10  }
0x38: {  	s10 =	sld [smem:$0x3FB2]  }
0x39: {  	_ = 	snop;
	(pc) =	sbr.ind lr, $3  }
0x3a: {  	_ = 	snop  }
0x3b: {  	_ = 	snop  }
0x3c: {  	p2 =	seq.s32 s10, $0x1;
	s10 =	sld [smem:$0x3FB1]  }
0x3d: {  	_ =	shalt  }
0x3e: {  	_ =	shalt  }
0x3f: {  	_ =	shalt  }
0x40: {  	_ =	shalt  }
0x41: {  	_ =	shalt  }
0x42: {  	_ =	shalt  }
0x43: {  	_ =	shalt  }
0x44: {  	_ =	shalt  }
0x45: {  	_ =	shalt  }
0x46: {  	_ =	shalt  }
0x47: {  	_ =	shalt  }
0x48: {  	_ =	shalt  }
0x49: {  	_ =	shalt  }
0x4a: {  	_ =	shalt  }
0x4b: {  	_ =	shalt  }
0x4c: {  	_ =	shalt  }
0x4d: {  	_ =	shalt  }
0x4e: {  	_ =	shalt  }
0x4f: {  	_ =	shalt  }
0x50: {  	_ =	shalt  }
0x51: {  	_ =	shalt  }
0x52: {  	_ =	shalt  }
0x53: {  	_ =	shalt  }
0x54: {  	_ =	shalt  }
0x55: {  	_ =	shalt  }
0x56: {  	_ =	shalt  }
0x57: {  	_ =	shalt  }
0x58: {  	_ =	shalt  }
0x59: {  	_ =	shalt  }
0x5a: {  	_ =	shalt  }
0x5b: {  	_ =	shalt  }
0x5c: {  	_ =	shalt  }
0x5d: {  	_ =	shalt  }
0x5e: {  	_ =	shalt  }
0x5f: {  	_ =	shalt  }
0x60: {  	_ =	shalt  }
0x61: {  	_ =	shalt  }
0x62: {  	_ =	shalt  }
0x63: {  	_ =	shalt  }
0x64: {  	_ =	shalt  }
0x65: {  	_ =	shalt  }
0x66: {  	_ =	shalt  }
0x67: {  	_ =	shalt  }
0x68: {  	_ =	shalt  }
0x69: {  	_ =	shalt  }
0x6a: {  	_ =	shalt  }
0x6b: {  	_ =	shalt  }
0x6c: {  	_ =	shalt  }
0x6d: {  	_ =	shalt  }
0x6e: {  	_ =	shalt  }
0x6f: {  	_ =	shalt  }
0x70: {  	_ =	shalt  }
0x71: {  	_ =	shalt  }
0x72: {  	_ =	shalt  }
0x73: {  	_ =	shalt  }
0x74: {  	_ =	shalt  }
0x75: {  	_ =	shalt  }
0x76: {  	_ =	shalt  }
0x77: {  	_ =	shalt  }
0x78: {  	_ =	shalt  }
0x79: {  	_ =	shalt  }
0x7a: {  	_ =	shalt  }
0x7b: {  	_ =	shalt  }
0x7c: {  	_ =	shalt  }
0x7d: {  	_ =	shalt  }
0x7e: {  	_ =	shalt  }
0x7f: {  	_ =	shalt  }
0x80: {  	_ =	shalt  }
0x81: {  	_ =	shalt  }
0x82: {  	_ =	shalt  }
0x83: {  	_ =	shalt  }
0x84: {  	_ =	shalt  }
0x85: {  	_ =	shalt  }
0x86: {  	_ =	shalt  }
0x87: {  	_ =	shalt  }
.Lfunc_end0:
.L_simem_size_0:
called_computation.1_lowered:
.L_overlay_start_0:
0x88: {  	s2 =	sld [smem:$0x3FD9]  }
0x89: {  	s3 =	sld [smem:$0x3FFE];
	_ =	sdelay $0x1  }
0x8a: {  	s1 =	srdreg.scid  }
0x8b: {  	s0 =	sand.u32 $0x1, s1  }
0x8c: {  	s17 =	sshll.u32 s0, $0xA;
	s2 =	sadd.s32 s3, s2  }
0x8d: {  	s2 =	sadd.s32 s2, s17  }
0x8e: {  	[smem:$0x3FBD] =	sst s2  }
0x8f: {  	_ = 	snop  }
0x90: {  	s2 =	sld [smem:$0x3FD0];
	(tm) =	ssettm $0x1  }
0x91: {  	s18 =	sld [smem:$0x3FFB];
	_ =	sdelay $0x3  }
0x92: {  	_ =	strace s18  }
0x93: {  	s3 =	sld [smem:$0x3FFC];
	_ =	sdelay $0x3  }
0x94: {  	_ =	strace s3  }
0x95: {  	s3 =	sld [smem:$0x3FFD];
	_ =	sdelay $0x3  }
0x96: {  	_ =	strace s3  }
0x97: {  	_ =	strace $0x8FFFFFFF  }
0x98: {  	s19 =	sld [smem:$0x3FDB];
	_ =	sdelay $0x1  }
0x99: {  	s4 =	simm.s32 $_scs_section_size  }
0x9a: {  	s5 =	simm.s32 $_size__tile_overlayer_lowered;
	s6 =	simm.s32 $_tile_overlayer_lowered  }
0x9b: {  	s22 =	simm.s32 $0x1BFF;
	s21 =	sshll.u32 s6, $0x1;
	s3 =	sadd.s32 s4, s19  }
0x9c: {  	s7 =	simm.s32 $0x0;
	s20 =	sshll.u32 s5, $0x1;
	s5 =	sadd.s32 s21, s3  }
0x9d: {  	[timem:s7], [sflag:s22] =	dma.local [hbm:s5], s20  }
0x9e: {  	_ =	swait.ge [sflag:s22], s20  }
0x9f: {  	s4 =	ssub.s32 $0x0, s20;
	[sflag:s22] =	ssyncset.done $0x0  }
0xa0: {  	[sflag:s22] =	ssyncadd.s32 s4;
	_ =	sdelay $0x1  }
0xa1: {  	s23 =	simm.s32 $0x1B8B  }
0xa2: {  	_ =	swait.ge [sflag:s23], $0x1  }
0xa3: {  	[sflag:s23] =	ssyncset.done $0x0  }
0xa4: {  	s25 =	simm.s32 $0x1B8E;
	s24 =	sld [smem:$0x3FFE];
	[sflag:s23] =	ssyncadd.s32 $0xFFFFFFFF  }
0xa5: {  	s26 =	simm.s32 $execute0_lowered;
	[smem:$0x3FD2] =	sst s25  }
0xa6: {  	s5 =	sshll.u32 s26, $0x1;
	_ =	strace $0x80000049;
	[dreg:$0x1] =	wrdreg $0xFFFFFFFF  }
0xa7: {  	s28 =	simm.s32 $_size_execute0_lowered;
	s3 =	sadd.s32 s3, s5;
	[dreg:$0x0] =	wrdreg $0x0  }
0xa8: {  	s5 =	sshll.u32 s28, $0x1;
	[dreg:$0x2] =	wrdreg s3  }
0xa9: {  	[dreg:$0x3] =	wrdreg s5  }
0xaa: {  	[dreg:$0x4] =	wrdreg $0xC0  }
0xab: {  	_ =	task [dreg:s7], $0x5FFFF  }
0xac: {  	[dreg:$0x1] =	wrdreg $0xFFFFFFFF  }
0xad: {  	[dreg:$0x0] =	wrdreg $0x60  }
0xae: {  	[dreg:$0x2] =	wrdreg s24  }
0xaf: {  	[dreg:$0x3] =	wrdreg s2  }
0xb0: {  	[dreg:$0x4] =	wrdreg $0x9  }
0xb1: {  	_ =	task.clear_ibuf [dreg:s7], $0x5FFFF;
	_ =	strace $0x90000049  }
0xb2: {  	s29 =	simm.s32 $0x9;
	_ =	strace $0x8000004B  }
0xb3: {  	_ =	swait.ge [sflag:s29], $0x1  }
0xb4: {  	[sflag:s29] =	ssyncadd.s32 $0xFFFFFFFF  }
0xb5: {  	_ =	strace $0x9000004B  }
0xb6: {  	_ =	sfence  }
0xb7: {  	s30 =	sld [smem:$0x0];
	_ =	sdelay $0x2  }
0xb8: {  	s31 =	sshll.u32 s1, $0xD;
	s1 =	sshrl.u32 s1, $0x2  }
0xb9: {  	s3 =	sand.u32 $0x4000, s31;
	s1 =	sadd.s32 s1, s30  }
0xba: {  	s0 =	sor.u32 s3, s0;
	s1 =	sshll.u32 s1, $0x11  }
0xbb: {  	s0 =	sor.u32 s1, s0  }
0xbc: {  	s0 =	sadd.s32 $0x8F2B, s0  }
0xbd: {  	[sflag:s0] =	ssyncadd.remote.s32 $0x1  }
0xbe: {  	_ =	sfence.sel $0xFFFF  }
0xbf: {  	[dreg:$0x0] =	wrdreg $0xFFFFFFFF;
	(pc) =	sbr.abs _section_cstart, $3  }
0xc0: {  	[dreg:$0x1] =	wrdreg $0xFFFFFFFF  }
0xc1: {  	_ =	task.clear_ibuf [dreg:s7], $0x2FFFF;
	_ =	strace $0x9FFFFFFF  }
0xc2: {  	(tm) =	ssettm $0x7FFFFFFF  }
0xc3: {  	_ =	shalt  }
tec
execute0_lowered:
.L_overlay_start_1:
0x0: {  	(tag) =	ssettag $0x1  }
0x1: {  	s0 =	rddreg [dreg:$0x0]  }
0x2: {  	s1 =	rddreg [dreg:$0x1]  }
0x3: {  	s2 =	simm.s32 $0x0;
	s8 =	stileid.u32;
	s4 =	srdreg.scid  }
0x4: {  	s13 =	simm.s32 $0x1000;
	s18 =	simm.s32 $0x10C00;
	s19 =	simm.s32 $0x11000  }
0x5: {  	s20 =	simm.s32 $0x11800;
	s21 =	simm.s32 $0x11C00;
	s28 =	simm.s32 $0x5800  }
0x6: {  	s29 =	simm.s32 $0x6000;
	s30 =	simm.s32 $0x12800;
	s31 =	simm.s32 $0x2  }
0x7: {  	[smem:$0x7FF] =	sst s2;
	s3 =	sadd.s32 $0x1600, s0;
	s6 =	sshrl.u32 s8, $0x1  }
0x8: {  	s5 =	sand.u32 $0x1, s4;
	s22 =	sshll.u32 s8, $0x1;
	s4 =	sadd.s32 $0x605600, s0  }
0x9: {  	_ =	strace $0x8000004A;
	s7 =	sshll.u32 s6, $0x4;
	s9 =	ssub.s32 $0x2, s5  }
0xa: {  	s10 =	sand.u32 $0x2, s22;
	s12 =	sshll.u32 s6, $0xD;
	s6 =	sshll.u32 s6, $0xE  }
0xb: {  	s22 =	simm.s32 $0x12400;
	s23 =	sadd.s32 s7, s0;
	s11 =	sshrl.u32 s9, $0x1  }
0xc: {  	s5 =	sor.u32 s5, s10;
	s1 =	sadd.s32 s1, s7;
	s7 =	simm.s32 $0x0  }
0xd: {  	s10 =	sshll.u32 s5, $0xC;
	s5 =	sshll.u32 s5, $0xB;
	s11 =	ssub.s32 s9, s11  }
0xe: {  	v5 =	vlaneseq.u32;
	[dreg:$0x3] =	wrdreg s1;
	s8 =	sadd.s32 s10, s23;
	s5 =	sor.u32 s12, s5  }
0xf: {  	vm0 =	vmmov $0xffff;
	v6 =	vimm.f32 $0.0e+00;
	vm2 =	vcmask $0x300;
	s26 =	smax.u32 s11, $0x1;
	s23 =	simm.s32 $0x1;
	s24 =	sadd.s32 $0x601600, s8  }
0x10: {  	vm1 =	vmmov $0xff;
	v0 =	vmul.u32 $0x2, v5;
	v4 =	vshrl.u32 v5, $0x3;
	s25 =	sshll.u32 s5, $0x6;
	s8 =	sadd.s32 $0x1700, s0;
	[dreg:$0x5] =	wrdreg s26  }
0x11: {  	v3 =	vand.u32 $0x7, v5;
	v5 =	vor.u32 $0x8, v5;
	v6 =	vsel vm2, $0x3F800000, v6;
	s26 =	simm.s32 $0x5000;
	s0 =	simm.s32 $0x14800;
	[dreg:$0x4] =	wrdreg s24  }
0x12: {  	v4 =	vmul.u32 $0x8, v4;
	v1 =	vmov s6;
	v2 =	vor.u32 $0x1, v0;
	s9 =	sadd.s32 s4, s25;
	s24 =	simm.s32 $0x4000;
	s25 =	simm.s32 $0x4800  }
.LBB2_1:
0x13: {  	[dreg:$0x6] =	wrdreg s7  }
0x14: {  	s1 =	rddreg [dreg:$0x3]  }
0x15: {  	s6 =	simm.s32 $0x80;
	s16 =	simm.s32 $0x400;
	s10 =	simm.s32 $0x4  }
0x16: {  	[tilespmem:s13], [sflag:$0x4] =	stream.strided.gather [hbm4b:s1+s6], $0x1000, s16, s6, $0x38;
	[tilespmem:$0x16800] =	vst v63  }
0x17: {  	_ =	swait.ge [sflag:s10], $0x1000  }
0x18: {  	[sflag:s10] =	ssyncset.done $0x0  }
0x19: {  	v7 =	vor.u32 s2, v0;
	s17 =	rddreg [dreg:$0x4];
	[sflag:s10] =	ssyncadd.s32 $0xFFFFF000  }
0x1a: {  	v8 =	vor.u32 s2, v2;
	[tilespmem:s2], [sflag:$0x4] =	stream.strided.gather [hbm4b:s17+s6], $0x1000, s16, s6, $0x38;
	[tilespmem:$0x16800] =	vst v63  }
0x1b: {  	_ =	swait.ge [sflag:s10], $0x1000  }
0x1c: {  	[sflag:s10] =	ssyncset.done $0x0  }
0x1d: {  	[sflag:s10] =	ssyncadd.s32 $0xFFFFF000  }
0x1e: {  	v7 =	vld.idx.msk [tilespmem:v7+s2+$0x0], $0xffff  }
0x1f: {  	v8 =	vld.idx.msk [tilespmem:v8+s2+$0x0], $0xffff;
	_ =	sdelay $0x3  }
0x20: {  	v9 =	vmul.f32 $1.280000000e+02, v7;
	v7 =	vmul.f32 $6.400000000e+01, v7  }
0x21: {  	v10 =	vmul.f32 $1.280000000e+02, v8  }
0x22: {  	v8 =	vmul.f32 $6.400000000e+01, v8;
	v9 =	vadd.f32 $-5.000000000e-01, v9;
	v11 =	vadd.f32 $-5.000000000e-01, v7  }
0x23: {  	v7 =	vadd.f32 $-5.000000000e-01, v10  }
0x24: {  	v10 =	vadd.f32 $-5.000000000e-01, v8;
	v8 =	vtrunc.f32 v9;
	v12 =	vtrunc.f32 v11  }
0x25: {  	v13 =	vtrunc.f32 v7;
	vm3 =	vlt.f32 v11, $0.0e+00;
	v8 =	vcvt.f32.s32 v8  }
0x26: {  	vm2 =	vlt.f32 v9, $0.0e+00;
	vm4 =	vlt.f32 v7, $0.0e+00;
	v13 =	vcvt.f32.s32 v13  }
0x27: {  	vm5 =	vlt.f32 v10, $0.0e+00;
	v14 =	vsel vm2, $0xFFFFFFFF, v8;
	v8 =	vcvt.f32.s32 v12  }
0x28: {  	v12 =	vtrunc.f32 v10;
	v13 =	vsel vm4, $0xFFFFFFFF, v13;
	v15 =	vcvt.s32.f32 v14  }
0x29: {  	vm2 =	vgt.s32 v14, $0xFFFFFFFF;
	v16 =	vcvt.s32.f32 v13;
	vm4 =	vgt.s32 v13, $0x0  }
0x2a: {  	vm6 =	vgt.s32 v13, $0xFFFFFFFF;
	vm9 =	vgt.s32 v14, $0x0;
	v12 =	vcvt.f32.s32 v12  }
0x2b: {  	v20 =	vadd.s32 $0x1, v13;
	v17 =	vnsel vm4, $0x0, v13;
	v21 =	vnsel vm9, $0x0, v14  }
0x2c: {  	vm12 =	vlt.s32 v20, $0x80;
	v9 =	vsub.f32 v9, v15;
	v15 =	vadd.s32 $0x1, v14  }
0x2d: {  	v7 =	vsub.f32 v7, v16;
	v16 =	vshll.u32 v17, $0x7;
	v21 =	vadd.s32 v1, v21  }
0x2e: {  	vm2 =	vmand vm2, vm12;
	vm15 =	vlt.s32 v15, $0x7F;
	vm7 =	vlt.s32 v15, $0x80  }
0x2f: {  	v17 =	vsub.f32 $1.000000000e+00, v9;
	v18 =	vnsel vm15, $0x7F, v15;
	v19 =	vsub.f32 $1.000000000e+00, v7  }
0x30: {  	v22 =	vmul.f32 v7, v9;
	vm11 =	vmand vm7, vm6;
	v18 =	vadd.s32 v1, v18  }
0x31: {  	v15 =	vmul.f32 v7, v17;
	v17 =	vmul.f32 v19, v17;
	v7 =	vsel vm3, $0xFFFFFFFF, v8  }
0x32: {  	vm3 =	vlt.s32 v20, $0x7F;
	v8 =	vsel vm5, $0xFFFFFFFF, v12;
	v12 =	vor.u32 v14, v13  }
0x33: {  	v13 =	vmul.f32 v19, v9;
	vm10 =	vgt.s32 v7, $0x0;
	v9 =	vcvt.s32.f32 v8  }
0x34: {  	v14 =	vnsel vm3, $0x7F, v20;
	vm3 =	vmand vm7, vm12;
	v19 =	vadd.s32 $0x1, v7  }
0x35: {  	vm13 =	vgt.s32 v8, $0x0;
	v25 =	vcvt.s32.f32 v7;
	vm15 =	vgt.s32 v12, $0xFFFFFFFF  }
0x36: {  	v23 =	vnsel vm10, $0x0, v7;
	v14 =	vshll.u32 v14, $0x7;
	vm14 =	vlt.s32 v19, $0x3F  }
0x37: {  	v15 =	vnsel vm2, $0x0, v15;
	v13 =	vnsel vm11, $0x0, v13;
	v22 =	vnsel vm3, $0x0, v22  }
0x38: {  	s7 =	simm.s32 $0x0;
	v17 =	vnsel vm15, $0x0, v17;
	v20 =	vadd.s32 v14, v21;
	v24 =	vnsel vm14, $0x3F, v19  }
0x39: {  	v10 =	vsub.f32 v10, v9;
	v9 =	vadd.s32 $0x1, v8;
	[tilespmem:s7+$0x5000] =	vst v15;
	v11 =	vsub.f32 v11, v25  }
0x3a: {  	v15 =	vnsel vm13, $0x0, v8;
	[tilespmem:s7+$0x4800] =	vst v13;
	v13 =	vadd.s32 v14, v18;
	vm2 =	vlt.s32 v9, $0x3F  }
0x3b: {  	v18 =	vadd.s32 v16, v18;
	[tilespmem:s7+$0x3000] =	vst v20;
	v20 =	vsub.f32 $1.000000000e+00, v10;
	v12 =	vnsel vm2, $0x3F, v9  }
0x3c: {  	[tilespmem:s7+$0x4000] =	vst v17;
	vm2 =	vlt.s32 v19, $0x40;
	v19 =	vshll.u32 v15, $0x6;
	v14 =	vsub.f32 $1.000000000e+00, v11  }
0x3d: {  	[tilespmem:s7+$0x5800] =	vst v22;
	v15 =	vadd.s32 v23, v19;
	v63 =	vshll.u32 v12, $0x6;
	v17 =	vadd.s32 v24, v19  }
0x3e: {  	[tilespmem:s7+$0x3800] =	vst v13;
	v19 =	vadd.s32 v16, v21;
	v12 =	vmul.f32 v20, v11;
	v11 =	vmul.f32 v10, v11  }
0x3f: {  	s1 =	simm.s32 $0x40;
	s6 =	simm.s32 $0x0;
	[tilespmem:s7+$0x2800] =	vst v18;
	v13 =	vmul.f32 v20, v14;
	v18 =	vadd.s32 v23, v63;
	v16 =	vadd.s32 v24, v63  }
.LBB2_2:
0x40: {  	p0 =	sne.s32 s1, $0x1FC0  }
0x41: {  	[tilespmem:s7+$0x2000] =	vst v19;
	v19 =	vor.u32 v7, v8;
	v10 =	vmul.f32 v10, v14;
	s6 =	sadd.s32 $0x20, s6;
	s10 =	smov.u32 s1;
	s1 =	sadd.s32 $0x40, s1  }
0x42: {  	v14 =	vld.idx.msk [tilespmem:v15+s13+$0x0], $0xffff;
	_ =	sdelay $0x1  }
0x43: {  	v15 =	vld.idx.msk [tilespmem:v17+s13+$0x0], $0xffff  }
0x44: {  	v17 =	vld.idx.msk [tilespmem:v18+s13+$0x0], $0xffff  }
0x45: {  	vm3 =	vgt.s32 v8, $0xFFFFFFFF;
	v8 =	vld.idx.msk [tilespmem:v16+s13+$0x0], $0xffff  }
0x46: {  	vm4 =	vgt.s32 v7, $0xFFFFFFFF;
	vm5 =	vgt.s32 v19, $0xFFFFFFFF;
	vm3 =	vmand vm2, vm3  }
0x47: {  	vm6 =	vlt.s32 v9, $0x40;
	v7 =	vnsel vm5, $0x0, v13;
	v9 =	vnsel vm3, $0x0, v12  }
0x48: {  	vm3 =	vmand vm4, vm6;
	v7 =	vmul.f32 v14, v7  }
0x49: {  	v10 =	vnsel vm3, $0x0, v10;
	v9 =	vmul.f32 v15, v9  }
0x4a: {  	vm2 =	vmand vm2, vm6;
	v10 =	vmul.f32 v17, v10  }
0x4b: {  	v11 =	vnsel vm2, $0x0, v11;
	v7 =	vadd.f32 v9, v7  }
0x4c: {  	v8 =	vmul.f32 v8, v11  }
0x4d: {  	v9 =	vor.u32 s6, v0;
	v11 =	vor.u32 s6, v2;
	v7 =	vadd.f32 v10, v7;
	_ =	sdelay $0x1  }
0x4e: {  	v7 =	vadd.f32 v8, v7;
	_ =	sdelay $0x1  }
0x4f: {  	[tilespmem:s7+$0x6000] =	vst v7  }
0x50: {  	v7 =	vld.idx.msk [tilespmem:v9+s2+$0x0], $0xffff  }
0x51: {  	v8 =	vld.idx.msk [tilespmem:v11+s2+$0x0], $0xffff;
	_ =	sdelay $0x4  }
0x52: {  	v9 =	vmul.f32 $1.280000000e+02, v7;
	v7 =	vmul.f32 $6.400000000e+01, v7  }
0x53: {  	v10 =	vmul.f32 $1.280000000e+02, v8;
	v8 =	vmul.f32 $6.400000000e+01, v8  }
0x54: {  	v9 =	vadd.f32 $-5.000000000e-01, v9;
	v11 =	vadd.f32 $-5.000000000e-01, v7  }
0x55: {  	v7 =	vadd.f32 $-5.000000000e-01, v10;
	v10 =	vadd.f32 $-5.000000000e-01, v8  }
0x56: {  	v8 =	vtrunc.f32 v9;
	v12 =	vtrunc.f32 v11  }
0x57: {  	vm3 =	vlt.f32 v11, $0.0e+00;
	v8 =	vcvt.f32.s32 v8;
	v13 =	vtrunc.f32 v7  }
0x58: {  	vm2 =	vlt.f32 v9, $0.0e+00;
	vm4 =	vlt.f32 v7, $0.0e+00;
	v13 =	vcvt.f32.s32 v13  }
0x59: {  	v14 =	vsel vm2, $0xFFFFFFFF, v8;
	v8 =	vcvt.f32.s32 v12;
	v12 =	vtrunc.f32 v10  }
0x5a: {  	v13 =	vsel vm4, $0xFFFFFFFF, v13;
	v15 =	vcvt.s32.f32 v14;
	vm2 =	vgt.s32 v14, $0xFFFFFFFF  }
0x5b: {  	vm5 =	vlt.f32 v10, $0.0e+00;
	v16 =	vcvt.s32.f32 v13;
	vm4 =	vgt.s32 v13, $0x0  }
0x5c: {  	v9 =	vsub.f32 v9, v15;
	v15 =	vadd.s32 $0x1, v14;
	v17 =	vnsel vm4, $0x0, v13  }
0x5d: {  	v7 =	vsub.f32 v7, v16;
	vm4 =	vlt.s32 v15, $0x7F;
	v16 =	vshll.u32 v17, $0x7  }
0x5e: {  	vm6 =	vgt.s32 v13, $0xFFFFFFFF;
	v17 =	vsub.f32 $1.000000000e+00, v9;
	v18 =	vnsel vm4, $0x7F, v15  }
0x5f: {  	vm4 =	vgt.s32 v14, $0x0;
	v19 =	vsub.f32 $1.000000000e+00, v7;
	v18 =	vadd.s32 v1, v18  }
0x60: {  	v12 =	vcvt.f32.s32 v12;
	vm7 =	vlt.s32 v15, $0x80;
	v15 =	vmul.f32 v7, v17  }
0x61: {  	v20 =	vadd.s32 $0x1, v13;
	v21 =	vnsel vm4, $0x0, v14;
	v17 =	vmul.f32 v19, v17  }
0x62: {  	v22 =	vmul.f32 v7, v9;
	v21 =	vadd.s32 v1, v21;
	v7 =	vsel vm3, $0xFFFFFFFF, v8  }
0x63: {  	vm3 =	vlt.s32 v20, $0x7F;
	v8 =	vsel vm5, $0xFFFFFFFF, v12;
	vm4 =	vgt.s32 v7, $0x0  }
0x64: {  	v12 =	vor.u32 v14, v13;
	vm5 =	vmand vm7, vm6;
	v13 =	vmul.f32 v19, v9  }
0x65: {  	vm6 =	vlt.s32 v20, $0x80;
	v9 =	vcvt.s32.f32 v8;
	v23 =	vnsel vm4, $0x0, v7  }
0x66: {  	v14 =	vnsel vm3, $0x7F, v20;
	vm3 =	vmand vm7, vm6;
	v19 =	vadd.s32 $0x1, v7  }
0x67: {  	v14 =	vshll.u32 v14, $0x7;
	vm4 =	vgt.s32 v8, $0x0;
	vm7 =	vlt.s32 v19, $0x3F  }
0x68: {  	s7 =	sshra.s32 s10, $0x2;
	vm2 =	vmand vm2, vm6;
	v20 =	vadd.s32 v14, v21;
	v24 =	vnsel vm7, $0x3F, v19  }
0x69: {  	v15 =	vnsel vm2, $0x0, v15;
	v10 =	vsub.f32 v10, v9;
	v9 =	vadd.s32 $0x1, v8;
	[tilespmem:s7+$0x3000] =	vst v20  }
0x6a: {  	v13 =	vnsel vm5, $0x0, v13;
	vm2 =	vlt.s32 v9, $0x3F;
	[tilespmem:s7+$0x5000] =	vst v15;
	v15 =	vcvt.s32.f32 v7  }
0x6b: {  	vm5 =	vgt.s32 v12, $0xFFFFFFFF;
	v12 =	vnsel vm2, $0x3F, v9;
	[tilespmem:s7+$0x4800] =	vst v13;
	v13 =	vsub.f32 $1.000000000e+00, v10  }
0x6c: {  	v20 =	vnsel vm3, $0x0, v22;
	v11 =	vsub.f32 v11, v15;
	v15 =	vnsel vm4, $0x0, v8  }
.Ltmp0:
0x6d: {  	v14 =	vadd.s32 v14, v18;
	vm2 =	vlt.s32 v19, $0x40;
	v19 =	vshll.u32 v15, $0x6;
	(pc) =	sbr.rel @p0 .LBB2_2-.Ltmp0, $4  }
0x6e: {  	v17 =	vnsel vm5, $0x0, v17;
	[tilespmem:s7+$0x3800] =	vst v14;
	v14 =	vsub.f32 $1.000000000e+00, v11;
	v15 =	vadd.s32 v23, v19  }
0x6f: {  	v22 =	vshll.u32 v12, $0x6;
	v12 =	vmul.f32 v13, v11;
	v11 =	vmul.f32 v10, v11;
	[tilespmem:s7+$0x4000] =	vst v17  }
0x70: {  	v18 =	vadd.s32 v16, v18;
	v17 =	vadd.s32 v24, v19;
	[tilespmem:s7+$0x5800] =	vst v20;
	v13 =	vmul.f32 v13, v14  }
0x71: {  	v19 =	vadd.s32 v16, v21;
	v16 =	vadd.s32 v24, v22;
	[tilespmem:s7+$0x2800] =	vst v18;
	v18 =	vadd.s32 v23, v22  }
0x72: {  	_ =	sdelay $0x2  }
0x73: {  	[tilespmem:s7+$0x2000] =	vst v19  }
0x74: {  	v15 =	vld.idx.msk [tilespmem:v15+s13+$0x0], $0xffff  }
0x75: {  	v17 =	vld.idx.msk [tilespmem:v17+s13+$0x0], $0xffff;
	_ =	sdelay $0x1  }
0x76: {  	v60 =	vor.u32 v7, v8;
	v10 =	vmul.f32 v10, v14;
	vm3 =	vgt.s32 v8, $0xFFFFFFFF;
	v61 =	vld.idx.msk [tilespmem:v18+s13+$0x0], $0xffff  }
0x77: {  	vm4 =	vgt.s32 v7, $0xFFFFFFFF;
	vm5 =	vgt.s32 v60, $0xFFFFFFFF;
	vm3 =	vmand vm2, vm3  }
0x78: {  	vm6 =	vlt.s32 v9, $0x40;
	v7 =	vld.idx.msk [tilespmem:v16+s13+$0x0], $0xffff;
	v8 =	vnsel vm5, $0x0, v13;
	v62 =	vnsel vm3, $0x0, v12  }
0x79: {  	vm3 =	vmand vm4, vm6;
	v8 =	vmul.f32 v15, v8;
	v9 =	vmul.f32 v17, v62  }
0x7a: {  	v10 =	vnsel vm3, $0x0, v10  }
0x7b: {  	vm2 =	vmand vm2, vm6;
	v10 =	vmul.f32 v61, v10;
	v8 =	vadd.f32 v9, v8  }
0x7c: {  	v63 =	vnsel vm2, $0x0, v11  }
0x7d: {  	v7 =	vmul.f32 v7, v63;
	v8 =	vadd.f32 v10, v8;
	_ =	sdelay $0x1  }
0x7e: {  	v7 =	vadd.f32 v7, v8;
	_ =	sdelay $0x1  }
0x7f: {  	[tilespmem:s7+$0x6000] =	vst v7  }
0x80: {  	v7 =	vld [tilespmem:$0x2000];
	_ =	sdelay $0x4  }
0x81: {  	v8 =	vshrl.u32 v7, $0x3  }
0x82: {  	v8 =	vmul.u32 $0x18, v8  }
0x83: {  	v7 =	vand.u32 $0x7, v7  }
0x84: {  	v7 =	vor.u32 v7, v8  }
0x85: {  	v8 =	vperm.xlane v7, v3;
	_ =	sdelay $0x1  }
0x86: {  	v8 =	vadd.s32 v4, v8;
	_ =	sdelay $0x1  }
0x87: {  	v7 =	vperm.xlane v7, v5;
	_ =	sdelay $0x1  }
0x88: {  	s1 =	simm.s32 $0x0;
	s6 =	simm.s32 $0x6800;
	v7 =	vadd.s32 v4, v7  }
0x89: {  	[tilespmem:s6], [sflag:$0x1] =	stream.indirect_vreg.gather [hbm4b:s3+s1], $0x80, v8, vm0, $0xb8;
	[tilespmem:$0x16800] =	vst v63  }
0x8a: {  	s10 =	simm.s32 $0x7000  }
0x8b: {  	[tilespmem:s10], [sflag:$0x1] =	stream.indirect_vreg.gather [hbm4b:s8+s1], $0x80, v8, vm1, $0xb8;
	[tilespmem:$0x16800] =	vst v63  }
0x8c: {  	s11 =	simm.s32 $0x7400  }
0x8d: {  	[tilespmem:s11], [sflag:$0x1] =	stream.indirect_vreg.gather [hbm4b:s3+s1], $0x80, v7, vm0, $0xb8;
	[tilespmem:$0x16800] =	vst v63  }
0x8e: {  	s12 =	simm.s32 $0x7C00  }
0x8f: {  	[tilespmem:s12], [sflag:$0x1] =	stream.indirect_vreg.gather [hbm4b:s8+s1], $0x80, v7, vm1, $0xb8;
	[tilespmem:$0x16800] =	vst v63  }
0x90: {  	v7 =	vld [tilespmem:$0x2800];
	_ =	sdelay $0x4  }
0x91: {  	v8 =	vshrl.u32 v7, $0x3  }
0x92: {  	v8 =	vmul.u32 $0x18, v8  }
0x93: {  	v7 =	vand.u32 $0x7, v7  }
0x94: {  	v7 =	vor.u32 v7, v8  }
0x95: {  	v8 =	vperm.xlane v7, v3;
	_ =	sdelay $0x1  }
0x96: {  	v8 =	vadd.s32 v4, v8;
	_ =	sdelay $0x1  }
0x97: {  	v7 =	vperm.xlane v7, v5;
	_ =	sdelay $0x1  }
0x98: {  	s14 =	simm.s32 $0x8000;
	v7 =	vadd.s32 v4, v7  }
0x99: {  	[tilespmem:s14], [sflag:$0x1] =	stream.indirect_vreg.gather [hbm4b:s3+s1], $0x80, v8, vm0, $0xb8;
	[tilespmem:$0x16800] =	vst v63  }
0x9a: {  	s15 =	simm.s32 $0x8800  }
0x9b: {  	[tilespmem:s15], [sflag:$0x1] =	stream.indirect_vreg.gather [hbm4b:s8+s1], $0x80, v8, vm1, $0xb8;
	[tilespmem:$0x16800] =	vst v63  }
0x9c: {  	s16 =	simm.s32 $0x8C00  }
0x9d: {  	[tilespmem:s16], [sflag:$0x1] =	stream.indirect_vreg.gather [hbm4b:s3+s1], $0x80, v7, vm0, $0xb8;
	[tilespmem:$0x16800] =	vst v63  }
0x9e: {  	s17 =	simm.s32 $0x9400  }
0x9f: {  	[tilespmem:s17], [sflag:$0x1] =	stream.indirect_vreg.gather [hbm4b:s8+s1], $0x80, v7, vm1, $0xb8;
	[tilespmem:$0x16800] =	vst v63  }
0xa0: {  	v7 =	vld [tilespmem:$0x3000];
	_ =	sdelay $0x4  }
0xa1: {  	v8 =	vshrl.u32 v7, $0x3  }
0xa2: {  	v8 =	vmul.u32 $0x18, v8  }
0xa3: {  	v7 =	vand.u32 $0x7, v7  }
0xa4: {  	v7 =	vor.u32 v7, v8  }
0xa5: {  	v8 =	vperm.xlane v7, v3;
	_ =	sdelay $0x1  }
0xa6: {  	v8 =	vadd.s32 v4, v8;
	_ =	sdelay $0x1  }
0xa7: {  	v7 =	vperm.xlane v7, v5;
	_ =	sdelay $0x1  }
0xa8: {  	s7 =	simm.s32 $0x9800;
	v7 =	vadd.s32 v4, v7  }
0xa9: {  	[tilespmem:s7], [sflag:$0x1] =	stream.indirect_vreg.gather [hbm4b:s3+s1], $0x80, v8, vm0, $0xb8;
	[tilespmem:$0x16800] =	vst v63  }
0xaa: {  	s10 =	simm.s32 $0xA000  }
0xab: {  	[tilespmem:s10], [sflag:$0x1] =	stream.indirect_vreg.gather [hbm4b:s8+s1], $0x80, v8, vm1, $0xb8;
	[tilespmem:$0x16800] =	vst v63  }
0xac: {  	s11 =	simm.s32 $0xA400  }
0xad: {  	[tilespmem:s11], [sflag:$0x1] =	stream.indirect_vreg.gather [hbm4b:s3+s1], $0x80, v7, vm0, $0xb8;
	[tilespmem:$0x16800] =	vst v63  }
0xae: {  	s12 =	simm.s32 $0xAC00  }
0xaf: {  	[tilespmem:s12], [sflag:$0x1] =	stream.indirect_vreg.gather [hbm4b:s8+s1], $0x80, v7, vm1, $0xb8;
	[tilespmem:$0x16800] =	vst v63  }
0xb0: {  	v7 =	vld [tilespmem:$0x3800];
	_ =	sdelay $0x4  }
0xb1: {  	v8 =	vshrl.u32 v7, $0x3  }
0xb2: {  	v8 =	vmul.u32 $0x18, v8  }
0xb3: {  	v7 =	vand.u32 $0x7, v7  }
0xb4: {  	v7 =	vor.u32 v7, v8  }
0xb5: {  	v8 =	vperm.xlane v7, v3;
	_ =	sdelay $0x1  }
0xb6: {  	v8 =	vadd.s32 v4, v8;
	_ =	sdelay $0x1  }
0xb7: {  	v7 =	vperm.xlane v7, v5;
	_ =	sdelay $0x1  }
0xb8: {  	s14 =	simm.s32 $0xB000;
	v7 =	vadd.s32 v4, v7  }
0xb9: {  	[tilespmem:s14], [sflag:$0x1] =	stream.indirect_vreg.gather [hbm4b:s3+s1], $0x80, v8, vm0, $0xb8;
	[tilespmem:$0x16800] =	vst v63  }
0xba: {  	s15 =	simm.s32 $0xB800  }
0xbb: {  	[tilespmem:s15], [sflag:$0x1] =	stream.indirect_vreg.gather [hbm4b:s8+s1], $0x80, v8, vm1, $0xb8;
	[tilespmem:$0x16800] =	vst v63  }
0xbc: {  	s16 =	simm.s32 $0xBC00  }
0xbd: {  	[tilespmem:s16], [sflag:$0x1] =	stream.indirect_vreg.gather [hbm4b:s3+s1], $0x80, v7, vm0, $0xb8;
	[tilespmem:$0x16800] =	vst v63  }
0xbe: {  	s17 =	simm.s32 $0xC400;
	s11 =	simm.s32 $0x10;
	s12 =	simm.s32 $0x0  }
0xbf: {  	[tilespmem:s17], [sflag:$0x1] =	stream.indirect_vreg.gather [hbm4b:s8+s1], $0x80, v7, vm1, $0xb8;
	[tilespmem:$0x16800] =	vst v63  }
.LBB2_4:
0xc0: {  	s7 =	sshll.u32 s12, $0x5  }
0xc1: {  	v7 =	vld [tilespmem:s7+$0x2010];
	_ =	sdelay $0x4  }
0xc2: {  	v8 =	vshrl.u32 v7, $0x3  }
0xc3: {  	v8 =	vmul.u32 $0x18, v8  }
0xc4: {  	v7 =	vand.u32 $0x7, v7  }
0xc5: {  	v7 =	vor.u32 v7, v8  }
0xc6: {  	v8 =	vperm.xlane v7, v3;
	_ =	sdelay $0x1  }
0xc7: {  	v8 =	vadd.s32 v4, v8;
	_ =	sdelay $0x1  }
0xc8: {  	v7 =	vperm.xlane v7, v5;
	_ =	sdelay $0x1  }
0xc9: {  	s6 =	simm.s32 $0xC800;
	v7 =	vadd.s32 v4, v7  }
0xca: {  	[tilespmem:s6], [sflag:$0x2] =	stream.indirect_vreg.gather [hbm4b:s3+s2], $0x80, v8, vm0, $0xb8;
	[tilespmem:$0x16800] =	vst v63  }
0xcb: {  	s10 =	simm.s32 $0xD000  }
0xcc: {  	[tilespmem:s10], [sflag:$0x2] =	stream.indirect_vreg.gather [hbm4b:s8+s2], $0x80, v8, vm1, $0xb8;
	[tilespmem:$0x16800] =	vst v63  }
0xcd: {  	s14 =	simm.s32 $0xD400  }
0xce: {  	[tilespmem:s14], [sflag:$0x2] =	stream.indirect_vreg.gather [hbm4b:s3+s2], $0x80, v7, vm0, $0xb8;
	[tilespmem:$0x16800] =	vst v63  }
0xcf: {  	s15 =	simm.s32 $0xDC00  }
0xd0: {  	[tilespmem:s15], [sflag:$0x2] =	stream.indirect_vreg.gather [hbm4b:s8+s2], $0x80, v7, vm1, $0xb8;
	[tilespmem:$0x16800] =	vst v63  }
0xd1: {  	v7 =	vld [tilespmem:s7+$0x2810];
	_ =	sdelay $0x4  }
0xd2: {  	v8 =	vshrl.u32 v7, $0x3  }
0xd3: {  	v8 =	vmul.u32 $0x18, v8  }
0xd4: {  	v7 =	vand.u32 $0x7, v7  }
0xd5: {  	v7 =	vor.u32 v7, v8  }
0xd6: {  	v8 =	vperm.xlane v7, v3;
	_ =	sdelay $0x1  }
0xd7: {  	v8 =	vadd.s32 v4, v8;
	_ =	sdelay $0x1  }
0xd8: {  	v7 =	vperm.xlane v7, v5;
	_ =	sdelay $0x1  }
0xd9: {  	s16 =	simm.s32 $0xE000;
	v7 =	vadd.s32 v4, v7  }
0xda: {  	[tilespmem:s16], [sflag:$0x2] =	stream.indirect_vreg.gather [hbm4b:s3+s2], $0x80, v8, vm0, $0xb8;
	[tilespmem:$0x16800] =	vst v63  }
0xdb: {  	s17 =	simm.s32 $0xE800  }
0xdc: {  	[tilespmem:s17], [sflag:$0x2] =	stream.indirect_vreg.gather [hbm4b:s8+s2], $0x80, v8, vm1, $0xb8;
	[tilespmem:$0x16800] =	vst v63  }
0xdd: {  	s10 =	simm.s32 $0xEC00  }
0xde: {  	[tilespmem:s10], [sflag:$0x2] =	stream.indirect_vreg.gather [hbm4b:s3+s2], $0x80, v7, vm0, $0xb8;
	[tilespmem:$0x16800] =	vst v63  }
0xdf: {  	s14 =	simm.s32 $0xF400  }
0xe0: {  	[tilespmem:s14], [sflag:$0x2] =	stream.indirect_vreg.gather [hbm4b:s8+s2], $0x80, v7, vm1, $0xb8;
	[tilespmem:$0x16800] =	vst v63  }
0xe1: {  	v7 =	vld [tilespmem:s7+$0x3010];
	_ =	sdelay $0x4  }
0xe2: {  	v8 =	vshrl.u32 v7, $0x3  }
0xe3: {  	v8 =	vmul.u32 $0x18, v8  }
0xe4: {  	v7 =	vand.u32 $0x7, v7  }
0xe5: {  	v7 =	vor.u32 v7, v8  }
0xe6: {  	v8 =	vperm.xlane v7, v3;
	_ =	sdelay $0x1  }
0xe7: {  	v8 =	vadd.s32 v4, v8;
	_ =	sdelay $0x1  }
0xe8: {  	v7 =	vperm.xlane v7, v5;
	_ =	sdelay $0x1  }
0xe9: {  	s15 =	simm.s32 $0xF800;
	v7 =	vadd.s32 v4, v7  }
0xea: {  	[tilespmem:s15], [sflag:$0x2] =	stream.indirect_vreg.gather [hbm4b:s3+s2], $0x80, v8, vm0, $0xb8;
	[tilespmem:$0x16800] =	vst v63  }
0xeb: {  	s16 =	simm.s32 $0x10000  }
0xec: {  	[tilespmem:s16], [sflag:$0x2] =	stream.indirect_vreg.gather [hbm4b:s8+s2], $0x80, v8, vm1, $0xb8;
	[tilespmem:$0x16800] =	vst v63  }
0xed: {  	s17 =	simm.s32 $0x10400  }
0xee: {  	[tilespmem:s17], [sflag:$0x2] =	stream.indirect_vreg.gather [hbm4b:s3+s2], $0x80, v7, vm0, $0xb8;
	[tilespmem:$0x16800] =	vst v63  }
0xef: {  	_ = 	snop  }
0xf0: {  	[tilespmem:s18], [sflag:$0x2] =	stream.indirect_vreg.gather [hbm4b:s8+s2], $0x80, v7, vm1, $0xb8;
	[tilespmem:$0x16800] =	vst v63  }
0xf1: {  	v7 =	vld [tilespmem:s7+$0x3810];
	_ =	sdelay $0x4  }
0xf2: {  	v8 =	vshrl.u32 v7, $0x3  }
0xf3: {  	v8 =	vmul.u32 $0x18, v8  }
0xf4: {  	v7 =	vand.u32 $0x7, v7  }
0xf5: {  	v7 =	vor.u32 v7, v8  }
0xf6: {  	v8 =	vperm.xlane v7, v3;
	_ =	sdelay $0x1  }
0xf7: {  	v8 =	vadd.s32 v4, v8;
	_ =	sdelay $0x1  }
0xf8: {  	v7 =	vperm.xlane v7, v5;
	_ =	sdelay $0x1  }
0xf9: {  	v7 =	vadd.s32 v4, v7  }
0xfa: {  	[tilespmem:s19], [sflag:$0x2] =	stream.indirect_vreg.gather [hbm4b:s3+s2], $0x80, v8, vm0, $0xb8;
	[tilespmem:$0x16800] =	vst v63  }
0xfb: {  	_ = 	snop  }
0xfc: {  	[tilespmem:s20], [sflag:$0x2] =	stream.indirect_vreg.gather [hbm4b:s8+s2], $0x80, v8, vm1, $0xb8;
	[tilespmem:$0x16800] =	vst v63  }
0xfd: {  	p0 =	seq.s32 s12, $0x0  }
0xfe: {  	[tilespmem:s21], [sflag:$0x2] =	stream.indirect_vreg.gather [hbm4b:s3+s2], $0x80, v7, vm0, $0xb8;
	[tilespmem:$0x16800] =	vst v63  }
0xff: {  	s6 =	simm.s32 @!p0 $0x3  }
0x100: {  	[tilespmem:s22], [sflag:$0x2] =	stream.indirect_vreg.gather [hbm4b:s8+s2], $0x80, v7, vm1, $0xb8;
	[tilespmem:$0x16800] =	vst v63  }
0x101: {  	_ =	swait.ge @!p0 [sflag:s6], $0x2000  }
0x102: {  	[sflag:s6] =	ssyncset.done @!p0 $0x0  }
0x103: {  	[sflag:s6] =	ssyncadd.s32 @!p0 $0xFFFFE000  }
0x104: {  	_ =	swait.ge @!p0 [sflag:s6], $0x2000  }
0x105: {  	[sflag:s6] =	ssyncset.done @!p0 $0x0  }
0x106: {  	[sflag:s6] =	ssyncadd.s32 @!p0 $0xFFFFE000  }
0x107: {  	_ =	swait.ge [sflag:s23], $0x1800  }
0x108: {  	[sflag:s23] =	ssyncset.done $0x0  }
0x109: {  	[sflag:s23] =	ssyncadd.s32 $0xFFFFE800  }
0x10a: {  	_ =	swait.ge [sflag:s23], $0x1800  }
0x10b: {  	[sflag:s23] =	ssyncset.done $0x0  }
0x10c: {  	[sflag:s23] =	ssyncadd.s32 $0xFFFFE800  }
0x10d: {  	_ =	swait.ge [sflag:s23], $0x1800  }
0x10e: {  	[sflag:s23] =	ssyncset.done $0x0  }
0x10f: {  	[sflag:s23] =	ssyncadd.s32 $0xFFFFE800  }
0x110: {  	_ =	swait.ge [sflag:s23], $0x1800  }
0x111: {  	s10 =	simm.s32 $0x0;
	[sflag:s23] =	ssyncset.done $0x0  }
0x112: {  	s14 =	simm.s32 $0x0;
	s6 =	sor.u32 $0x10, s7;
	[sflag:s23] =	ssyncadd.s32 $0xFFFFE800  }
.LBB2_5:
0x113: {  	s15 =	sadd.s32 s14, s1;
	s16 =	sshrl.u32 s14, $0x3  }
0x114: {  	v7 =	vmov s15;
	s15 =	smul.u32 $0xC00, s16  }
0x115: {  	s17 =	sand.u32 $0x380, s10  }
0x116: {  	s15 =	sor.u32 s17, s15  }
0x117: {  	v12 =	vld [tilespmem:s15+$0x6800]  }
0x118: {  	v13 =	vld [tilespmem:s15+$0x8000]  }
0x119: {  	v8 =	vld.idx.msk [tilespmem:v7+s24+$0x0], $0xffff  }
0x11a: {  	v9 =	vld.idx.msk [tilespmem:v7+s25+$0x0], $0xffff  }
0x11b: {  	v14 =	vld [tilespmem:s15+$0x9800]  }
0x11c: {  	v10 =	vld.idx.msk [tilespmem:v7+s26+$0x0], $0xffff  }
0x11d: {  	v15 =	vld [tilespmem:s15+$0xB000]  }
0x11e: {  	v11 =	vld.idx.msk [tilespmem:v7+s28+$0x0], $0xffff  }
0x11f: {  	v12 =	vmul.f32 v12, v8;
	v13 =	vmul.f32 v13, v9;
	_ =	sdelay $0x1  }
0x120: {  	v40 =	vmul.f32 v14, v10;
	v12 =	vadd.f32 v13, v12;
	_ =	sdelay $0x1  }
0x121: {  	v41 =	vmul.f32 v15, v11;
	v12 =	vadd.f32 v40, v12  }
0x122: {  	s16 =	sshll.u32 s16, $0xE  }
0x123: {  	s16 =	sshra.s32 s16, $0x2;
	v12 =	vadd.f32 v41, v12  }
0x124: {  	s16 =	sor.u32 s17, s16  }
0x125: {  	[tilespmem:s16+$0x12800] =	vst v12  }
0x126: {  	v12 =	vld [tilespmem:s15+$0x6810]  }
0x127: {  	v42 =	vld [tilespmem:s15+$0x8010];
	_ =	sdelay $0x1  }
0x128: {  	v43 =	vld [tilespmem:s15+$0x9810];
	_ =	sdelay $0x1  }
0x129: {  	v44 =	vld [tilespmem:s15+$0xB010]  }
0x12a: {  	v12 =	vmul.f32 v12, v8;
	v13 =	vmul.f32 v42, v9;
	_ =	sdelay $0x1  }
0x12b: {  	v45 =	vmul.f32 v43, v10;
	v12 =	vadd.f32 v13, v12;
	_ =	sdelay $0x1  }
0x12c: {  	v46 =	vmul.f32 v44, v11;
	v12 =	vadd.f32 v45, v12;
	_ =	sdelay $0x1  }
0x12d: {  	v12 =	vadd.f32 v46, v12  }
0x12e: {  	s16 =	sadd.s32 $0x12800, s16  }
0x12f: {  	[tilespmem:s16+$0x10] =	vst v12  }
0x130: {  	v12 =	vld [tilespmem:s15+$0x6820]  }
0x131: {  	v47 =	vld [tilespmem:s15+$0x8020];
	_ =	sdelay $0x1  }
0x132: {  	v48 =	vld [tilespmem:s15+$0x9820];
	_ =	sdelay $0x1  }
0x133: {  	v49 =	vld [tilespmem:s15+$0xB020]  }
0x134: {  	v12 =	vmul.f32 v12, v8;
	v13 =	vmul.f32 v47, v9;
	_ =	sdelay $0x1  }
0x135: {  	v50 =	vmul.f32 v48, v10;
	v12 =	vadd.f32 v13, v12;
	_ =	sdelay $0x1  }
0x136: {  	v51 =	vmul.f32 v49, v11;
	v12 =	vadd.f32 v50, v12;
	_ =	sdelay $0x1  }
0x137: {  	v12 =	vadd.f32 v51, v12;
	_ =	sdelay $0x1  }
0x138: {  	[tilespmem:s16+$0x20] =	vst v12  }
0x139: {  	v12 =	vld [tilespmem:s15+$0x6830]  }
0x13a: {  	v52 =	vld [tilespmem:s15+$0x8030];
	_ =	sdelay $0x1  }
0x13b: {  	v53 =	vld [tilespmem:s15+$0x9830];
	_ =	sdelay $0x1  }
0x13c: {  	v54 =	vld [tilespmem:s15+$0xB030]  }
0x13d: {  	v12 =	vmul.f32 v12, v8;
	v13 =	vmul.f32 v52, v9;
	_ =	sdelay $0x1  }
0x13e: {  	v55 =	vmul.f32 v53, v10;
	v12 =	vadd.f32 v13, v12;
	_ =	sdelay $0x1  }
0x13f: {  	v56 =	vmul.f32 v54, v11;
	v12 =	vadd.f32 v55, v12;
	_ =	sdelay $0x1  }
0x140: {  	v12 =	vadd.f32 v56, v12;
	_ =	sdelay $0x1  }
0x141: {  	[tilespmem:s16+$0x30] =	vst v12  }
0x142: {  	v12 =	vld [tilespmem:s15+$0x6840]  }
0x143: {  	v57 =	vld [tilespmem:s15+$0x8040];
	_ =	sdelay $0x1  }
0x144: {  	v58 =	vld [tilespmem:s15+$0x9840];
	_ =	sdelay $0x1  }
0x145: {  	v59 =	vld [tilespmem:s15+$0xB040]  }
0x146: {  	v12 =	vmul.f32 v12, v8;
	v13 =	vmul.f32 v57, v9;
	_ =	sdelay $0x1  }
0x147: {  	v60 =	vmul.f32 v58, v10;
	v12 =	vadd.f32 v13, v12;
	_ =	sdelay $0x1  }
0x148: {  	v61 =	vmul.f32 v59, v11;
	v12 =	vadd.f32 v60, v12;
	_ =	sdelay $0x1  }
0x149: {  	v12 =	vadd.f32 v61, v12;
	_ =	sdelay $0x1  }
0x14a: {  	[tilespmem:s16+$0x40] =	vst v12  }
0x14b: {  	v12 =	vld [tilespmem:s15+$0x6850]  }
0x14c: {  	v62 =	vld [tilespmem:s15+$0x8050];
	_ =	sdelay $0x1  }
0x14d: {  	v63 =	vld [tilespmem:s15+$0x9850];
	_ =	sdelay $0x1  }
0x14e: {  	v18 =	vld [tilespmem:s15+$0xB050]  }
0x14f: {  	v12 =	vmul.f32 v12, v8;
	v13 =	vmul.f32 v62, v9;
	_ =	sdelay $0x1  }
0x150: {  	v19 =	vmul.f32 v63, v10;
	v12 =	vadd.f32 v13, v12;
	_ =	sdelay $0x1  }
0x151: {  	v20 =	vmul.f32 v18, v11;
	v12 =	vadd.f32 v19, v12;
	_ =	sdelay $0x1  }
0x152: {  	v12 =	vadd.f32 v20, v12;
	_ =	sdelay $0x1  }
0x153: {  	[tilespmem:s16+$0x50] =	vst v12  }
0x154: {  	v12 =	vld [tilespmem:s15+$0x6860]  }
0x155: {  	v21 =	vld [tilespmem:s15+$0x8060];
	_ =	sdelay $0x1  }
0x156: {  	v22 =	vld [tilespmem:s15+$0x9860];
	_ =	sdelay $0x1  }
0x157: {  	v23 =	vld [tilespmem:s15+$0xB060]  }
0x158: {  	v12 =	vmul.f32 v12, v8;
	v13 =	vmul.f32 v21, v9;
	_ =	sdelay $0x1  }
0x159: {  	v24 =	vmul.f32 v22, v10;
	v12 =	vadd.f32 v13, v12;
	_ =	sdelay $0x1  }
0x15a: {  	v25 =	vmul.f32 v23, v11;
	v12 =	vadd.f32 v24, v12;
	_ =	sdelay $0x1  }
0x15b: {  	v12 =	vadd.f32 v25, v12;
	_ =	sdelay $0x1  }
0x15c: {  	[tilespmem:s16+$0x60] =	vst v12  }
0x15d: {  	v12 =	vld [tilespmem:s15+$0x6870]  }
0x15e: {  	v26 =	vld [tilespmem:s15+$0x8070];
	_ =	sdelay $0x1  }
0x15f: {  	v27 =	vld [tilespmem:s15+$0x9870];
	_ =	sdelay $0x1  }
0x160: {  	v28 =	vld [tilespmem:s15+$0xB070]  }
0x161: {  	v12 =	vmul.f32 v12, v8;
	v13 =	vmul.f32 v26, v9;
	_ =	sdelay $0x1  }
0x162: {  	v29 =	vmul.f32 v27, v10;
	v12 =	vadd.f32 v13, v12;
	_ =	sdelay $0x1  }
0x163: {  	v30 =	vmul.f32 v28, v11;
	v12 =	vadd.f32 v29, v12;
	_ =	sdelay $0x1  }
0x164: {  	v12 =	vadd.f32 v30, v12;
	_ =	sdelay $0x1  }
0x165: {  	[tilespmem:s16+$0x70] =	vst v12  }
0x166: {  	v12 =	vld [tilespmem:s15+$0x6C00]  }
0x167: {  	v31 =	vld [tilespmem:s15+$0x8400];
	_ =	sdelay $0x1  }
0x168: {  	v32 =	vld [tilespmem:s15+$0x9C00];
	_ =	sdelay $0x1  }
0x169: {  	v33 =	vld [tilespmem:s15+$0xB400]  }
0x16a: {  	v12 =	vmul.f32 v12, v8;
	v13 =	vmul.f32 v31, v9;
	_ =	sdelay $0x1  }
0x16b: {  	v34 =	vmul.f32 v32, v10;
	v12 =	vadd.f32 v13, v12;
	_ =	sdelay $0x1  }
0x16c: {  	v35 =	vmul.f32 v33, v11;
	v12 =	vadd.f32 v34, v12;
	_ =	sdelay $0x1  }
0x16d: {  	v12 =	vadd.f32 v35, v12;
	_ =	sdelay $0x1  }
0x16e: {  	[tilespmem:s16+$0x400] =	vst v12  }
0x16f: {  	v12 =	vld [tilespmem:s15+$0x6C10]  }
0x170: {  	v36 =	vld [tilespmem:s15+$0x8410];
	_ =	sdelay $0x1  }
0x171: {  	v37 =	vld [tilespmem:s15+$0x9C10];
	_ =	sdelay $0x1  }
0x172: {  	v38 =	vld [tilespmem:s15+$0xB410]  }
0x173: {  	v12 =	vmul.f32 v12, v8;
	v13 =	vmul.f32 v36, v9;
	_ =	sdelay $0x1  }
0x174: {  	v39 =	vmul.f32 v37, v10;
	v12 =	vadd.f32 v13, v12;
	_ =	sdelay $0x1  }
0x175: {  	v40 =	vmul.f32 v38, v11;
	v12 =	vadd.f32 v39, v12;
	_ =	sdelay $0x1  }
0x176: {  	v12 =	vadd.f32 v40, v12;
	_ =	sdelay $0x1  }
0x177: {  	[tilespmem:s16+$0x410] =	vst v12  }
0x178: {  	v12 =	vld [tilespmem:s15+$0x6C20]  }
0x179: {  	v41 =	vld [tilespmem:s15+$0x8420];
	_ =	sdelay $0x1  }
0x17a: {  	v42 =	vld [tilespmem:s15+$0x9C20];
	_ =	sdelay $0x1  }
0x17b: {  	v43 =	vld [tilespmem:s15+$0xB420]  }
0x17c: {  	v12 =	vmul.f32 v12, v8;
	v13 =	vmul.f32 v41, v9;
	_ =	sdelay $0x1  }
0x17d: {  	v44 =	vmul.f32 v42, v10;
	v12 =	vadd.f32 v13, v12;
	_ =	sdelay $0x1  }
0x17e: {  	v45 =	vmul.f32 v43, v11;
	v12 =	vadd.f32 v44, v12;
	_ =	sdelay $0x1  }
0x17f: {  	v12 =	vadd.f32 v45, v12;
	_ =	sdelay $0x1  }
0x180: {  	[tilespmem:s16+$0x420] =	vst v12  }
0x181: {  	v12 =	vld [tilespmem:s15+$0x6C30]  }
0x182: {  	v46 =	vld [tilespmem:s15+$0x8430];
	_ =	sdelay $0x1  }
0x183: {  	v47 =	vld [tilespmem:s15+$0x9C30];
	_ =	sdelay $0x1  }
0x184: {  	v48 =	vld [tilespmem:s15+$0xB430]  }
0x185: {  	v12 =	vmul.f32 v12, v8;
	v13 =	vmul.f32 v46, v9;
	_ =	sdelay $0x1  }
0x186: {  	v49 =	vmul.f32 v47, v10;
	v12 =	vadd.f32 v13, v12;
	_ =	sdelay $0x1  }
0x187: {  	v50 =	vmul.f32 v48, v11;
	v12 =	vadd.f32 v49, v12;
	_ =	sdelay $0x1  }
0x188: {  	v12 =	vadd.f32 v50, v12;
	_ =	sdelay $0x1  }
0x189: {  	[tilespmem:s16+$0x430] =	vst v12  }
0x18a: {  	v12 =	vld [tilespmem:s15+$0x6C40]  }
0x18b: {  	v51 =	vld [tilespmem:s15+$0x8440];
	_ =	sdelay $0x1  }
0x18c: {  	v52 =	vld [tilespmem:s15+$0x9C40];
	_ =	sdelay $0x1  }
0x18d: {  	v53 =	vld [tilespmem:s15+$0xB440]  }
0x18e: {  	v12 =	vmul.f32 v12, v8;
	v13 =	vmul.f32 v51, v9;
	_ =	sdelay $0x1  }
0x18f: {  	v54 =	vmul.f32 v52, v10;
	v12 =	vadd.f32 v13, v12;
	_ =	sdelay $0x1  }
0x190: {  	v55 =	vmul.f32 v53, v11;
	v12 =	vadd.f32 v54, v12;
	_ =	sdelay $0x1  }
0x191: {  	v12 =	vadd.f32 v55, v12;
	_ =	sdelay $0x1  }
0x192: {  	[tilespmem:s16+$0x440] =	vst v12  }
0x193: {  	v12 =	vld [tilespmem:s15+$0x6C50]  }
0x194: {  	v56 =	vld [tilespmem:s15+$0x8450];
	_ =	sdelay $0x1  }
0x195: {  	v57 =	vld [tilespmem:s15+$0x9C50];
	_ =	sdelay $0x1  }
0x196: {  	v58 =	vld [tilespmem:s15+$0xB450]  }
0x197: {  	v12 =	vmul.f32 v12, v8;
	v13 =	vmul.f32 v56, v9;
	_ =	sdelay $0x1  }
0x198: {  	v59 =	vmul.f32 v57, v10;
	v12 =	vadd.f32 v13, v12;
	_ =	sdelay $0x1  }
0x199: {  	v60 =	vmul.f32 v58, v11;
	v12 =	vadd.f32 v59, v12;
	_ =	sdelay $0x1  }
0x19a: {  	v12 =	vadd.f32 v60, v12;
	_ =	sdelay $0x1  }
0x19b: {  	[tilespmem:s16+$0x450] =	vst v12  }
0x19c: {  	v12 =	vld [tilespmem:s15+$0x6C60]  }
0x19d: {  	v61 =	vld [tilespmem:s15+$0x8460];
	_ =	sdelay $0x1  }
0x19e: {  	v62 =	vld [tilespmem:s15+$0x9C60];
	_ =	sdelay $0x1  }
0x19f: {  	v63 =	vld [tilespmem:s15+$0xB460]  }
0x1a0: {  	v12 =	vmul.f32 v12, v8;
	v13 =	vmul.f32 v61, v9;
	_ =	sdelay $0x1  }
0x1a1: {  	v17 =	vmul.f32 v62, v10;
	v12 =	vadd.f32 v13, v12;
	_ =	sdelay $0x1  }
0x1a2: {  	v18 =	vmul.f32 v63, v11;
	v12 =	vadd.f32 v17, v12;
	_ =	sdelay $0x1  }
0x1a3: {  	v12 =	vadd.f32 v18, v12;
	_ =	sdelay $0x1  }
0x1a4: {  	[tilespmem:s16+$0x460] =	vst v12  }
0x1a5: {  	v12 =	vld [tilespmem:s15+$0x6C70]  }
0x1a6: {  	v19 =	vld [tilespmem:s15+$0x8470];
	_ =	sdelay $0x1  }
0x1a7: {  	v20 =	vld [tilespmem:s15+$0x9C70];
	_ =	sdelay $0x1  }
0x1a8: {  	v21 =	vld [tilespmem:s15+$0xB470]  }
0x1a9: {  	v12 =	vmul.f32 v12, v8;
	v13 =	vmul.f32 v19, v9;
	_ =	sdelay $0x1  }
0x1aa: {  	v22 =	vmul.f32 v20, v10;
	v12 =	vadd.f32 v13, v12;
	_ =	sdelay $0x1  }
0x1ab: {  	v23 =	vmul.f32 v21, v11;
	v12 =	vadd.f32 v22, v12;
	_ =	sdelay $0x1  }
0x1ac: {  	v12 =	vadd.f32 v23, v12;
	_ =	sdelay $0x1  }
0x1ad: {  	[tilespmem:s16+$0x470] =	vst v12  }
0x1ae: {  	v12 =	vld [tilespmem:s15+$0x7000]  }
0x1af: {  	v24 =	vld [tilespmem:s15+$0x8800];
	_ =	sdelay $0x1  }
0x1b0: {  	v25 =	vld [tilespmem:s15+$0xA000];
	_ =	sdelay $0x1  }
0x1b1: {  	v26 =	vld [tilespmem:s15+$0xB800]  }
0x1b2: {  	v12 =	vmul.f32 v12, v8;
	v13 =	vmul.f32 v24, v9;
	_ =	sdelay $0x1  }
0x1b3: {  	v27 =	vmul.f32 v25, v10;
	v12 =	vadd.f32 v13, v12;
	_ =	sdelay $0x1  }
0x1b4: {  	v28 =	vmul.f32 v26, v11;
	v12 =	vadd.f32 v27, v12;
	_ =	sdelay $0x1  }
0x1b5: {  	v12 =	vadd.f32 v28, v12;
	_ =	sdelay $0x1  }
0x1b6: {  	[tilespmem:s16+$0x800] =	vst v12  }
0x1b7: {  	v12 =	vld [tilespmem:s15+$0x7010]  }
0x1b8: {  	v29 =	vld [tilespmem:s15+$0x8810];
	_ =	sdelay $0x1  }
0x1b9: {  	v30 =	vld [tilespmem:s15+$0xA010];
	_ =	sdelay $0x1  }
0x1ba: {  	v31 =	vld [tilespmem:s15+$0xB810]  }
0x1bb: {  	v12 =	vmul.f32 v12, v8;
	v13 =	vmul.f32 v29, v9;
	_ =	sdelay $0x1  }
0x1bc: {  	v32 =	vmul.f32 v30, v10;
	v12 =	vadd.f32 v13, v12;
	_ =	sdelay $0x1  }
0x1bd: {  	v33 =	vmul.f32 v31, v11;
	v12 =	vadd.f32 v32, v12;
	_ =	sdelay $0x1  }
0x1be: {  	v12 =	vadd.f32 v33, v12;
	_ =	sdelay $0x1  }
0x1bf: {  	[tilespmem:s16+$0x810] =	vst v12  }
0x1c0: {  	v12 =	vld [tilespmem:s15+$0x7020]  }
0x1c1: {  	v34 =	vld [tilespmem:s15+$0x8820];
	_ =	sdelay $0x1  }
0x1c2: {  	v35 =	vld [tilespmem:s15+$0xA020];
	_ =	sdelay $0x1  }
0x1c3: {  	v36 =	vld [tilespmem:s15+$0xB820]  }
0x1c4: {  	v12 =	vmul.f32 v12, v8;
	v13 =	vmul.f32 v34, v9;
	_ =	sdelay $0x1  }
0x1c5: {  	v37 =	vmul.f32 v35, v10;
	v12 =	vadd.f32 v13, v12;
	_ =	sdelay $0x1  }
0x1c6: {  	v38 =	vmul.f32 v36, v11;
	v12 =	vadd.f32 v37, v12;
	_ =	sdelay $0x1  }
0x1c7: {  	v12 =	vadd.f32 v38, v12;
	_ =	sdelay $0x1  }
0x1c8: {  	[tilespmem:s16+$0x820] =	vst v12  }
0x1c9: {  	v12 =	vld [tilespmem:s15+$0x7030]  }
0x1ca: {  	v39 =	vld [tilespmem:s15+$0x8830];
	_ =	sdelay $0x1  }
0x1cb: {  	v40 =	vld [tilespmem:s15+$0xA030];
	_ =	sdelay $0x1  }
0x1cc: {  	v41 =	vld [tilespmem:s15+$0xB830]  }
0x1cd: {  	v12 =	vmul.f32 v12, v8;
	v13 =	vmul.f32 v39, v9;
	_ =	sdelay $0x1  }
0x1ce: {  	v42 =	vmul.f32 v40, v10;
	v12 =	vadd.f32 v13, v12;
	_ =	sdelay $0x1  }
0x1cf: {  	v43 =	vmul.f32 v41, v11;
	v12 =	vadd.f32 v42, v12;
	_ =	sdelay $0x1  }
0x1d0: {  	v12 =	vadd.f32 v43, v12;
	_ =	sdelay $0x1  }
0x1d1: {  	[tilespmem:s16+$0x830] =	vst v12  }
0x1d2: {  	v12 =	vld [tilespmem:s15+$0x7040]  }
0x1d3: {  	v44 =	vld [tilespmem:s15+$0x8840];
	_ =	sdelay $0x1  }
0x1d4: {  	v45 =	vld [tilespmem:s15+$0xA040];
	_ =	sdelay $0x1  }
0x1d5: {  	v46 =	vld [tilespmem:s15+$0xB840]  }
0x1d6: {  	v12 =	vmul.f32 v12, v8;
	v13 =	vmul.f32 v44, v9;
	_ =	sdelay $0x1  }
0x1d7: {  	v47 =	vmul.f32 v45, v10;
	v12 =	vadd.f32 v13, v12;
	_ =	sdelay $0x1  }
0x1d8: {  	v48 =	vmul.f32 v46, v11;
	v12 =	vadd.f32 v47, v12;
	_ =	sdelay $0x1  }
0x1d9: {  	v12 =	vadd.f32 v48, v12;
	_ =	sdelay $0x1  }
0x1da: {  	[tilespmem:s16+$0x840] =	vst v12  }
0x1db: {  	v12 =	vld [tilespmem:s15+$0x7050]  }
0x1dc: {  	v49 =	vld [tilespmem:s15+$0x8850];
	_ =	sdelay $0x1  }
0x1dd: {  	v50 =	vld [tilespmem:s15+$0xA050];
	_ =	sdelay $0x1  }
0x1de: {  	v51 =	vld [tilespmem:s15+$0xB850]  }
0x1df: {  	v12 =	vmul.f32 v12, v8;
	v13 =	vmul.f32 v49, v9;
	_ =	sdelay $0x1  }
0x1e0: {  	v52 =	vmul.f32 v50, v10;
	v12 =	vadd.f32 v13, v12;
	_ =	sdelay $0x1  }
0x1e1: {  	v53 =	vmul.f32 v51, v11;
	v12 =	vadd.f32 v52, v12;
	_ =	sdelay $0x1  }
0x1e2: {  	v12 =	vadd.f32 v53, v12;
	_ =	sdelay $0x1  }
0x1e3: {  	[tilespmem:s16+$0x850] =	vst v12  }
0x1e4: {  	v12 =	vld [tilespmem:s15+$0x7060]  }
0x1e5: {  	v54 =	vld [tilespmem:s15+$0x8860];
	_ =	sdelay $0x1  }
0x1e6: {  	v55 =	vld [tilespmem:s15+$0xA060];
	_ =	sdelay $0x1  }
0x1e7: {  	v56 =	vld [tilespmem:s15+$0xB860]  }
0x1e8: {  	v12 =	vmul.f32 v12, v8;
	v13 =	vmul.f32 v54, v9;
	_ =	sdelay $0x1  }
0x1e9: {  	v57 =	vmul.f32 v55, v10;
	v12 =	vadd.f32 v13, v12;
	_ =	sdelay $0x1  }
0x1ea: {  	v58 =	vmul.f32 v56, v11;
	v12 =	vadd.f32 v57, v12;
	_ =	sdelay $0x1  }
0x1eb: {  	v12 =	vadd.f32 v58, v12;
	_ =	sdelay $0x1  }
0x1ec: {  	[tilespmem:s16+$0x860] =	vst v12  }
0x1ed: {  	v12 =	vld [tilespmem:s15+$0x7070]  }
0x1ee: {  	v59 =	vld [tilespmem:s15+$0x8870];
	_ =	sdelay $0x1  }
0x1ef: {  	v60 =	vld [tilespmem:s15+$0xA070];
	_ =	sdelay $0x1  }
0x1f0: {  	v61 =	vld [tilespmem:s15+$0xB870]  }
0x1f1: {  	v8 =	vmul.f32 v12, v8;
	v9 =	vmul.f32 v59, v9;
	_ =	sdelay $0x1  }
0x1f2: {  	v62 =	vmul.f32 v60, v10;
	v8 =	vadd.f32 v9, v8;
	_ =	sdelay $0x1  }
0x1f3: {  	v63 =	vmul.f32 v61, v11;
	v8 =	vadd.f32 v62, v8;
	_ =	sdelay $0x1  }
0x1f4: {  	v8 =	vadd.f32 v63, v8;
	_ =	sdelay $0x1  }
0x1f5: {  	[tilespmem:s16+$0x870] =	vst v8  }
0x1f6: {  	v7 =	vld.idx.msk [tilespmem:v7+s29+$0x0], $0xffff;
	_ =	sdelay $0x1  }
0x1f7: {  	p0 =	sne.s32 s14, $0xF  }
.Ltmp1:
0x1f8: {  	_ = 	snop;
	(pc) =	sbr.rel @p0 .LBB2_5-.Ltmp1, $3  }
0x1f9: {  	_ = 	snop  }
0x1fa: {  	v7 =	vmul.f32 v6, v7;
	_ =	sdelay $0x1  }
0x1fb: {  	s10 =	sadd.s32 $0x80, s10;
	s14 =	sadd.s32 $0x1, s14;
	[tilespmem:s16+$0xC00] =	vst v7  }
0x1fc: {  	p0 =	seq.s32 s12, $0x3F  }
.Ltmp2:
0x1fd: {  	_ = 	snop;
	(pc) =	sbr.rel @p0 .LBB2_8-.Ltmp2, $4  }
0x1fe: {  	_ = 	snop  }
0x1ff: {  	s10 =	sshll.u32 s12, $0xB  }
0x200: {  	s10 =	sadd.s32 s10, s9  }
0x201: {  	[hbm4b:s10+s2] =	stream.linear.scatter [tilespmem:s30], [sflag:$0x3], $0x2000, $0x38;
	[tilespmem:$0x16800] =	vst v63  }
0x202: {  	v7 =	vld [tilespmem:s7+$0x2020];
	_ =	sdelay $0x4  }
0x203: {  	v8 =	vshrl.u32 v7, $0x3  }
0x204: {  	v8 =	vmul.u32 $0x18, v8  }
0x205: {  	v7 =	vand.u32 $0x7, v7  }
0x206: {  	v7 =	vor.u32 v7, v8  }
0x207: {  	v8 =	vperm.xlane v7, v3;
	_ =	sdelay $0x1  }
0x208: {  	v8 =	vadd.s32 v4, v8;
	_ =	sdelay $0x1  }
0x209: {  	v7 =	vperm.xlane v7, v5;
	_ =	sdelay $0x1  }
0x20a: {  	s10 =	simm.s32 $0x6800;
	v7 =	vadd.s32 v4, v7  }
0x20b: {  	[tilespmem:s10], [sflag:$0x1] =	stream.indirect_vreg.gather [hbm4b:s3+s2], $0x80, v8, vm0, $0xb8;
	[tilespmem:$0x16800] =	vst v63  }
0x20c: {  	s15 =	simm.s32 $0x7000  }
0x20d: {  	[tilespmem:s15], [sflag:$0x1] =	stream.indirect_vreg.gather [hbm4b:s8+s2], $0x80, v8, vm1, $0xb8;
	[tilespmem:$0x16800] =	vst v63  }
0x20e: {  	s16 =	simm.s32 $0x7400  }
0x20f: {  	[tilespmem:s16], [sflag:$0x1] =	stream.indirect_vreg.gather [hbm4b:s3+s2], $0x80, v7, vm0, $0xb8;
	[tilespmem:$0x16800] =	vst v63  }
0x210: {  	s17 =	simm.s32 $0x7C00  }
0x211: {  	[tilespmem:s17], [sflag:$0x1] =	stream.indirect_vreg.gather [hbm4b:s8+s2], $0x80, v7, vm1, $0xb8;
	[tilespmem:$0x16800] =	vst v63  }
0x212: {  	v7 =	vld [tilespmem:s7+$0x2820];
	_ =	sdelay $0x4  }
0x213: {  	v8 =	vshrl.u32 v7, $0x3  }
0x214: {  	v8 =	vmul.u32 $0x18, v8  }
0x215: {  	v7 =	vand.u32 $0x7, v7  }
0x216: {  	v7 =	vor.u32 v7, v8  }
0x217: {  	v8 =	vperm.xlane v7, v3;
	_ =	sdelay $0x1  }
0x218: {  	v8 =	vadd.s32 v4, v8;
	_ =	sdelay $0x1  }
0x219: {  	v7 =	vperm.xlane v7, v5;
	_ =	sdelay $0x1  }
0x21a: {  	s14 =	simm.s32 $0x8000;
	v7 =	vadd.s32 v4, v7  }
0x21b: {  	[tilespmem:s14], [sflag:$0x1] =	stream.indirect_vreg.gather [hbm4b:s3+s2], $0x80, v8, vm0, $0xb8;
	[tilespmem:$0x16800] =	vst v63  }
0x21c: {  	s15 =	simm.s32 $0x8800  }
0x21d: {  	[tilespmem:s15], [sflag:$0x1] =	stream.indirect_vreg.gather [hbm4b:s8+s2], $0x80, v8, vm1, $0xb8;
	[tilespmem:$0x16800] =	vst v63  }
0x21e: {  	s16 =	simm.s32 $0x8C00  }
0x21f: {  	[tilespmem:s16], [sflag:$0x1] =	stream.indirect_vreg.gather [hbm4b:s3+s2], $0x80, v7, vm0, $0xb8;
	[tilespmem:$0x16800] =	vst v63  }
0x220: {  	s17 =	simm.s32 $0x9400  }
0x221: {  	[tilespmem:s17], [sflag:$0x1] =	stream.indirect_vreg.gather [hbm4b:s8+s2], $0x80, v7, vm1, $0xb8;
	[tilespmem:$0x16800] =	vst v63  }
0x222: {  	v7 =	vld [tilespmem:s7+$0x3020];
	_ =	sdelay $0x4  }
0x223: {  	v8 =	vshrl.u32 v7, $0x3  }
0x224: {  	v8 =	vmul.u32 $0x18, v8  }
0x225: {  	v7 =	vand.u32 $0x7, v7  }
0x226: {  	v7 =	vor.u32 v7, v8  }
0x227: {  	v8 =	vperm.xlane v7, v3;
	_ =	sdelay $0x1  }
0x228: {  	v8 =	vadd.s32 v4, v8;
	_ =	sdelay $0x1  }
0x229: {  	v7 =	vperm.xlane v7, v5;
	_ =	sdelay $0x1  }
0x22a: {  	s14 =	simm.s32 $0x9800;
	v7 =	vadd.s32 v4, v7  }
0x22b: {  	[tilespmem:s14], [sflag:$0x1] =	stream.indirect_vreg.gather [hbm4b:s3+s2], $0x80, v8, vm0, $0xb8;
	[tilespmem:$0x16800] =	vst v63  }
0x22c: {  	s15 =	simm.s32 $0xA000  }
0x22d: {  	[tilespmem:s15], [sflag:$0x1] =	stream.indirect_vreg.gather [hbm4b:s8+s2], $0x80, v8, vm1, $0xb8;
	[tilespmem:$0x16800] =	vst v63  }
0x22e: {  	s16 =	simm.s32 $0xA400  }
0x22f: {  	[tilespmem:s16], [sflag:$0x1] =	stream.indirect_vreg.gather [hbm4b:s3+s2], $0x80, v7, vm0, $0xb8;
	[tilespmem:$0x16800] =	vst v63  }
0x230: {  	s17 =	simm.s32 $0xAC00  }
0x231: {  	[tilespmem:s17], [sflag:$0x1] =	stream.indirect_vreg.gather [hbm4b:s8+s2], $0x80, v7, vm1, $0xb8;
	[tilespmem:$0x16800] =	vst v63  }
0x232: {  	v7 =	vld [tilespmem:s7+$0x3820];
	_ =	sdelay $0x4  }
0x233: {  	v8 =	vshrl.u32 v7, $0x3  }
0x234: {  	v8 =	vmul.u32 $0x18, v8  }
0x235: {  	v7 =	vand.u32 $0x7, v7  }
0x236: {  	v7 =	vor.u32 v7, v8  }
0x237: {  	v8 =	vperm.xlane v7, v3;
	_ =	sdelay $0x1  }
0x238: {  	v8 =	vadd.s32 v4, v8;
	_ =	sdelay $0x1  }
0x239: {  	v7 =	vperm.xlane v7, v5;
	_ =	sdelay $0x1  }
0x23a: {  	s14 =	simm.s32 $0xB000;
	v7 =	vadd.s32 v4, v7  }
0x23b: {  	[tilespmem:s14], [sflag:$0x1] =	stream.indirect_vreg.gather [hbm4b:s3+s2], $0x80, v8, vm0, $0xb8;
	[tilespmem:$0x16800] =	vst v63  }
0x23c: {  	s15 =	simm.s32 $0xB800  }
0x23d: {  	[tilespmem:s15], [sflag:$0x1] =	stream.indirect_vreg.gather [hbm4b:s8+s2], $0x80, v8, vm1, $0xb8;
	[tilespmem:$0x16800] =	vst v63  }
0x23e: {  	s16 =	simm.s32 $0xBC00  }
0x23f: {  	[tilespmem:s16], [sflag:$0x1] =	stream.indirect_vreg.gather [hbm4b:s3+s2], $0x80, v7, vm0, $0xb8;
	[tilespmem:$0x16800] =	vst v63  }
0x240: {  	s17 =	simm.s32 $0xC400  }
0x241: {  	[tilespmem:s17], [sflag:$0x1] =	stream.indirect_vreg.gather [hbm4b:s8+s2], $0x80, v7, vm1, $0xb8;
	[tilespmem:$0x16800] =	vst v63  }
.LBB2_8:
0x242: {  	_ =	swait.ge [sflag:s31], $0x1800  }
0x243: {  	[sflag:s31] =	ssyncset.done $0x0  }
0x244: {  	[sflag:s31] =	ssyncadd.s32 $0xFFFFE800  }
0x245: {  	_ =	swait.ge [sflag:s31], $0x1800  }
0x246: {  	[sflag:s31] =	ssyncset.done $0x0  }
0x247: {  	[sflag:s31] =	ssyncadd.s32 $0xFFFFE800  }
0x248: {  	_ =	swait.ge [sflag:s31], $0x1800  }
0x249: {  	[sflag:s31] =	ssyncset.done $0x0  }
0x24a: {  	[sflag:s31] =	ssyncadd.s32 $0xFFFFE800  }
0x24b: {  	_ =	swait.ge [sflag:s31], $0x1800  }
0x24c: {  	[sflag:s31] =	ssyncset.done $0x0  }
0x24d: {  	s7 =	simm.s32 $0x0;
	s10 =	simm.s32 $0x0;
	[sflag:s31] =	ssyncadd.s32 $0xFFFFE800  }
.LBB2_9:
0x24e: {  	s14 =	sadd.s32 s10, s11;
	s15 =	sshrl.u32 s10, $0x3  }
0x24f: {  	v7 =	vmov s14;
	s17 =	smul.u32 $0xC00, s15  }
0x250: {  	s16 =	sand.u32 $0x380, s7  }
0x251: {  	s14 =	sor.u32 s16, s17  }
0x252: {  	v12 =	vld [tilespmem:s14+$0xC800]  }
0x253: {  	v13 =	vld [tilespmem:s14+$0xE000]  }
0x254: {  	v8 =	vld.idx.msk [tilespmem:v7+s24+$0x0], $0xffff  }
0x255: {  	v9 =	vld.idx.msk [tilespmem:v7+s25+$0x0], $0xffff  }
0x256: {  	v14 =	vld [tilespmem:s14+$0xF800]  }
0x257: {  	v10 =	vld.idx.msk [tilespmem:v7+s26+$0x0], $0xffff  }
0x258: {  	v15 =	vld [tilespmem:s14+$0x11000]  }
0x259: {  	v11 =	vld.idx.msk [tilespmem:v7+s28+$0x0], $0xffff  }
0x25a: {  	v12 =	vmul.f32 v12, v8;
	v13 =	vmul.f32 v13, v9;
	_ =	sdelay $0x1  }
0x25b: {  	v40 =	vmul.f32 v14, v10;
	v12 =	vadd.f32 v13, v12;
	_ =	sdelay $0x1  }
0x25c: {  	v41 =	vmul.f32 v15, v11;
	v12 =	vadd.f32 v40, v12  }
0x25d: {  	s15 =	sshll.u32 s15, $0xE  }
0x25e: {  	s15 =	sshra.s32 s15, $0x2;
	v12 =	vadd.f32 v41, v12  }
0x25f: {  	s15 =	sor.u32 s16, s15  }
0x260: {  	[tilespmem:s15+$0x14800] =	vst v12  }
0x261: {  	v12 =	vld [tilespmem:s14+$0xC810]  }
0x262: {  	v42 =	vld [tilespmem:s14+$0xE010];
	_ =	sdelay $0x1  }
0x263: {  	v43 =	vld [tilespmem:s14+$0xF810];
	_ =	sdelay $0x1  }
0x264: {  	v44 =	vld [tilespmem:s14+$0x11010]  }
0x265: {  	v12 =	vmul.f32 v12, v8;
	v13 =	vmul.f32 v42, v9;
	_ =	sdelay $0x1  }
0x266: {  	v45 =	vmul.f32 v43, v10;
	v12 =	vadd.f32 v13, v12;
	_ =	sdelay $0x1  }
0x267: {  	v46 =	vmul.f32 v44, v11;
	v12 =	vadd.f32 v45, v12;
	_ =	sdelay $0x1  }
0x268: {  	v12 =	vadd.f32 v46, v12  }
0x269: {  	s15 =	sadd.s32 $0x14800, s15  }
0x26a: {  	[tilespmem:s15+$0x10] =	vst v12  }
0x26b: {  	v12 =	vld [tilespmem:s14+$0xC820]  }
0x26c: {  	v47 =	vld [tilespmem:s14+$0xE020];
	_ =	sdelay $0x1  }
0x26d: {  	v48 =	vld [tilespmem:s14+$0xF820];
	_ =	sdelay $0x1  }
0x26e: {  	v49 =	vld [tilespmem:s14+$0x11020]  }
0x26f: {  	v12 =	vmul.f32 v12, v8;
	v13 =	vmul.f32 v47, v9;
	_ =	sdelay $0x1  }
0x270: {  	v50 =	vmul.f32 v48, v10;
	v12 =	vadd.f32 v13, v12;
	_ =	sdelay $0x1  }
0x271: {  	v51 =	vmul.f32 v49, v11;
	v12 =	vadd.f32 v50, v12;
	_ =	sdelay $0x1  }
0x272: {  	v12 =	vadd.f32 v51, v12;
	_ =	sdelay $0x1  }
0x273: {  	[tilespmem:s15+$0x20] =	vst v12  }
0x274: {  	v12 =	vld [tilespmem:s14+$0xC830]  }
0x275: {  	v52 =	vld [tilespmem:s14+$0xE030];
	_ =	sdelay $0x1  }
0x276: {  	v53 =	vld [tilespmem:s14+$0xF830];
	_ =	sdelay $0x1  }
0x277: {  	v54 =	vld [tilespmem:s14+$0x11030]  }
0x278: {  	v12 =	vmul.f32 v12, v8;
	v13 =	vmul.f32 v52, v9;
	_ =	sdelay $0x1  }
0x279: {  	v55 =	vmul.f32 v53, v10;
	v12 =	vadd.f32 v13, v12;
	_ =	sdelay $0x1  }
0x27a: {  	v56 =	vmul.f32 v54, v11;
	v12 =	vadd.f32 v55, v12;
	_ =	sdelay $0x1  }
0x27b: {  	v12 =	vadd.f32 v56, v12;
	_ =	sdelay $0x1  }
0x27c: {  	[tilespmem:s15+$0x30] =	vst v12  }
0x27d: {  	v12 =	vld [tilespmem:s14+$0xC840]  }
0x27e: {  	v57 =	vld [tilespmem:s14+$0xE040];
	_ =	sdelay $0x1  }
0x27f: {  	v58 =	vld [tilespmem:s14+$0xF840];
	_ =	sdelay $0x1  }
0x280: {  	v59 =	vld [tilespmem:s14+$0x11040]  }
0x281: {  	v12 =	vmul.f32 v12, v8;
	v13 =	vmul.f32 v57, v9;
	_ =	sdelay $0x1  }
0x282: {  	v60 =	vmul.f32 v58, v10;
	v12 =	vadd.f32 v13, v12;
	_ =	sdelay $0x1  }
0x283: {  	v61 =	vmul.f32 v59, v11;
	v12 =	vadd.f32 v60, v12;
	_ =	sdelay $0x1  }
0x284: {  	v12 =	vadd.f32 v61, v12;
	_ =	sdelay $0x1  }
0x285: {  	[tilespmem:s15+$0x40] =	vst v12  }
0x286: {  	v12 =	vld [tilespmem:s14+$0xC850]  }
0x287: {  	v62 =	vld [tilespmem:s14+$0xE050];
	_ =	sdelay $0x1  }
0x288: {  	v63 =	vld [tilespmem:s14+$0xF850];
	_ =	sdelay $0x1  }
0x289: {  	v18 =	vld [tilespmem:s14+$0x11050]  }
0x28a: {  	v12 =	vmul.f32 v12, v8;
	v13 =	vmul.f32 v62, v9;
	_ =	sdelay $0x1  }
0x28b: {  	v19 =	vmul.f32 v63, v10;
	v12 =	vadd.f32 v13, v12;
	_ =	sdelay $0x1  }
0x28c: {  	v20 =	vmul.f32 v18, v11;
	v12 =	vadd.f32 v19, v12;
	_ =	sdelay $0x1  }
0x28d: {  	v12 =	vadd.f32 v20, v12;
	_ =	sdelay $0x1  }
0x28e: {  	[tilespmem:s15+$0x50] =	vst v12  }
0x28f: {  	v12 =	vld [tilespmem:s14+$0xC860]  }
0x290: {  	v21 =	vld [tilespmem:s14+$0xE060];
	_ =	sdelay $0x1  }
0x291: {  	v22 =	vld [tilespmem:s14+$0xF860];
	_ =	sdelay $0x1  }
0x292: {  	v23 =	vld [tilespmem:s14+$0x11060]  }
0x293: {  	v12 =	vmul.f32 v12, v8;
	v13 =	vmul.f32 v21, v9;
	_ =	sdelay $0x1  }
0x294: {  	v24 =	vmul.f32 v22, v10;
	v12 =	vadd.f32 v13, v12;
	_ =	sdelay $0x1  }
0x295: {  	v25 =	vmul.f32 v23, v11;
	v12 =	vadd.f32 v24, v12;
	_ =	sdelay $0x1  }
0x296: {  	v12 =	vadd.f32 v25, v12;
	_ =	sdelay $0x1  }
0x297: {  	[tilespmem:s15+$0x60] =	vst v12  }
0x298: {  	v12 =	vld [tilespmem:s14+$0xC870]  }
0x299: {  	v26 =	vld [tilespmem:s14+$0xE070];
	_ =	sdelay $0x1  }
0x29a: {  	v27 =	vld [tilespmem:s14+$0xF870];
	_ =	sdelay $0x1  }
0x29b: {  	v28 =	vld [tilespmem:s14+$0x11070]  }
0x29c: {  	v12 =	vmul.f32 v12, v8;
	v13 =	vmul.f32 v26, v9;
	_ =	sdelay $0x1  }
0x29d: {  	v29 =	vmul.f32 v27, v10;
	v12 =	vadd.f32 v13, v12;
	_ =	sdelay $0x1  }
0x29e: {  	v30 =	vmul.f32 v28, v11;
	v12 =	vadd.f32 v29, v12;
	_ =	sdelay $0x1  }
0x29f: {  	v12 =	vadd.f32 v30, v12;
	_ =	sdelay $0x1  }
0x2a0: {  	[tilespmem:s15+$0x70] =	vst v12  }
0x2a1: {  	v12 =	vld [tilespmem:s14+$0xCC00]  }
0x2a2: {  	v31 =	vld [tilespmem:s14+$0xE400];
	_ =	sdelay $0x1  }
0x2a3: {  	v32 =	vld [tilespmem:s14+$0xFC00];
	_ =	sdelay $0x1  }
0x2a4: {  	v33 =	vld [tilespmem:s14+$0x11400]  }
0x2a5: {  	v12 =	vmul.f32 v12, v8;
	v13 =	vmul.f32 v31, v9;
	_ =	sdelay $0x1  }
0x2a6: {  	v34 =	vmul.f32 v32, v10;
	v12 =	vadd.f32 v13, v12;
	_ =	sdelay $0x1  }
0x2a7: {  	v35 =	vmul.f32 v33, v11;
	v12 =	vadd.f32 v34, v12;
	_ =	sdelay $0x1  }
0x2a8: {  	v12 =	vadd.f32 v35, v12;
	_ =	sdelay $0x1  }
0x2a9: {  	[tilespmem:s15+$0x400] =	vst v12  }
0x2aa: {  	v12 =	vld [tilespmem:s14+$0xCC10]  }
0x2ab: {  	v36 =	vld [tilespmem:s14+$0xE410];
	_ =	sdelay $0x1  }
0x2ac: {  	v37 =	vld [tilespmem:s14+$0xFC10];
	_ =	sdelay $0x1  }
0x2ad: {  	v38 =	vld [tilespmem:s14+$0x11410]  }
0x2ae: {  	v12 =	vmul.f32 v12, v8;
	v13 =	vmul.f32 v36, v9;
	_ =	sdelay $0x1  }
0x2af: {  	v39 =	vmul.f32 v37, v10;
	v12 =	vadd.f32 v13, v12;
	_ =	sdelay $0x1  }
0x2b0: {  	v40 =	vmul.f32 v38, v11;
	v12 =	vadd.f32 v39, v12;
	_ =	sdelay $0x1  }
0x2b1: {  	v12 =	vadd.f32 v40, v12;
	_ =	sdelay $0x1  }
0x2b2: {  	[tilespmem:s15+$0x410] =	vst v12  }
0x2b3: {  	v12 =	vld [tilespmem:s14+$0xCC20]  }
0x2b4: {  	v41 =	vld [tilespmem:s14+$0xE420];
	_ =	sdelay $0x1  }
0x2b5: {  	v42 =	vld [tilespmem:s14+$0xFC20];
	_ =	sdelay $0x1  }
0x2b6: {  	v43 =	vld [tilespmem:s14+$0x11420]  }
0x2b7: {  	v12 =	vmul.f32 v12, v8;
	v13 =	vmul.f32 v41, v9;
	_ =	sdelay $0x1  }
0x2b8: {  	v44 =	vmul.f32 v42, v10;
	v12 =	vadd.f32 v13, v12;
	_ =	sdelay $0x1  }
0x2b9: {  	v45 =	vmul.f32 v43, v11;
	v12 =	vadd.f32 v44, v12;
	_ =	sdelay $0x1  }
0x2ba: {  	v12 =	vadd.f32 v45, v12;
	_ =	sdelay $0x1  }
0x2bb: {  	[tilespmem:s15+$0x420] =	vst v12  }
0x2bc: {  	v12 =	vld [tilespmem:s14+$0xCC30]  }
0x2bd: {  	v46 =	vld [tilespmem:s14+$0xE430];
	_ =	sdelay $0x1  }
0x2be: {  	v47 =	vld [tilespmem:s14+$0xFC30];
	_ =	sdelay $0x1  }
0x2bf: {  	v48 =	vld [tilespmem:s14+$0x11430]  }
0x2c0: {  	v12 =	vmul.f32 v12, v8;
	v13 =	vmul.f32 v46, v9;
	_ =	sdelay $0x1  }
0x2c1: {  	v49 =	vmul.f32 v47, v10;
	v12 =	vadd.f32 v13, v12;
	_ =	sdelay $0x1  }
0x2c2: {  	v50 =	vmul.f32 v48, v11;
	v12 =	vadd.f32 v49, v12;
	_ =	sdelay $0x1  }
0x2c3: {  	v12 =	vadd.f32 v50, v12;
	_ =	sdelay $0x1  }
0x2c4: {  	[tilespmem:s15+$0x430] =	vst v12  }
0x2c5: {  	v12 =	vld [tilespmem:s14+$0xCC40]  }
0x2c6: {  	v51 =	vld [tilespmem:s14+$0xE440];
	_ =	sdelay $0x1  }
0x2c7: {  	v52 =	vld [tilespmem:s14+$0xFC40];
	_ =	sdelay $0x1  }
0x2c8: {  	v53 =	vld [tilespmem:s14+$0x11440]  }
0x2c9: {  	v12 =	vmul.f32 v12, v8;
	v13 =	vmul.f32 v51, v9;
	_ =	sdelay $0x1  }
0x2ca: {  	v54 =	vmul.f32 v52, v10;
	v12 =	vadd.f32 v13, v12;
	_ =	sdelay $0x1  }
0x2cb: {  	v55 =	vmul.f32 v53, v11;
	v12 =	vadd.f32 v54, v12;
	_ =	sdelay $0x1  }
0x2cc: {  	v12 =	vadd.f32 v55, v12;
	_ =	sdelay $0x1  }
0x2cd: {  	[tilespmem:s15+$0x440] =	vst v12  }
0x2ce: {  	v12 =	vld [tilespmem:s14+$0xCC50]  }
0x2cf: {  	v56 =	vld [tilespmem:s14+$0xE450];
	_ =	sdelay $0x1  }
0x2d0: {  	v57 =	vld [tilespmem:s14+$0xFC50];
	_ =	sdelay $0x1  }
0x2d1: {  	v58 =	vld [tilespmem:s14+$0x11450]  }
0x2d2: {  	v12 =	vmul.f32 v12, v8;
	v13 =	vmul.f32 v56, v9;
	_ =	sdelay $0x1  }
0x2d3: {  	v59 =	vmul.f32 v57, v10;
	v12 =	vadd.f32 v13, v12;
	_ =	sdelay $0x1  }
0x2d4: {  	v60 =	vmul.f32 v58, v11;
	v12 =	vadd.f32 v59, v12;
	_ =	sdelay $0x1  }
0x2d5: {  	v12 =	vadd.f32 v60, v12;
	_ =	sdelay $0x1  }
0x2d6: {  	[tilespmem:s15+$0x450] =	vst v12  }
0x2d7: {  	v12 =	vld [tilespmem:s14+$0xCC60]  }
0x2d8: {  	v61 =	vld [tilespmem:s14+$0xE460];
	_ =	sdelay $0x1  }
0x2d9: {  	v62 =	vld [tilespmem:s14+$0xFC60];
	_ =	sdelay $0x1  }
0x2da: {  	v63 =	vld [tilespmem:s14+$0x11460]  }
0x2db: {  	v12 =	vmul.f32 v12, v8;
	v13 =	vmul.f32 v61, v9;
	_ =	sdelay $0x1  }
0x2dc: {  	v17 =	vmul.f32 v62, v10;
	v12 =	vadd.f32 v13, v12;
	_ =	sdelay $0x1  }
0x2dd: {  	v18 =	vmul.f32 v63, v11;
	v12 =	vadd.f32 v17, v12;
	_ =	sdelay $0x1  }
0x2de: {  	v12 =	vadd.f32 v18, v12;
	_ =	sdelay $0x1  }
0x2df: {  	[tilespmem:s15+$0x460] =	vst v12  }
0x2e0: {  	v12 =	vld [tilespmem:s14+$0xCC70]  }
0x2e1: {  	v19 =	vld [tilespmem:s14+$0xE470];
	_ =	sdelay $0x1  }
0x2e2: {  	v20 =	vld [tilespmem:s14+$0xFC70];
	_ =	sdelay $0x1  }
0x2e3: {  	v21 =	vld [tilespmem:s14+$0x11470]  }
0x2e4: {  	v12 =	vmul.f32 v12, v8;
	v13 =	vmul.f32 v19, v9;
	_ =	sdelay $0x1  }
0x2e5: {  	v22 =	vmul.f32 v20, v10;
	v12 =	vadd.f32 v13, v12;
	_ =	sdelay $0x1  }
0x2e6: {  	v23 =	vmul.f32 v21, v11;
	v12 =	vadd.f32 v22, v12;
	_ =	sdelay $0x1  }
0x2e7: {  	v12 =	vadd.f32 v23, v12;
	_ =	sdelay $0x1  }
0x2e8: {  	[tilespmem:s15+$0x470] =	vst v12  }
0x2e9: {  	v12 =	vld [tilespmem:s14+$0xD000]  }
0x2ea: {  	v24 =	vld [tilespmem:s14+$0xE800]  }
0x2eb: {  	s17 =	sadd.s32 $0x800, s14  }
0x2ec: {  	v25 =	vld [tilespmem:s17+$0xF800];
	_ =	sdelay $0x1  }
0x2ed: {  	v26 =	vld [tilespmem:s14+$0x11800]  }
0x2ee: {  	v12 =	vmul.f32 v12, v8;
	v13 =	vmul.f32 v24, v9;
	_ =	sdelay $0x1  }
0x2ef: {  	v27 =	vmul.f32 v25, v10;
	v12 =	vadd.f32 v13, v12;
	_ =	sdelay $0x1  }
0x2f0: {  	v28 =	vmul.f32 v26, v11;
	v12 =	vadd.f32 v27, v12;
	_ =	sdelay $0x1  }
0x2f1: {  	v12 =	vadd.f32 v28, v12;
	_ =	sdelay $0x1  }
0x2f2: {  	[tilespmem:s15+$0x800] =	vst v12  }
0x2f3: {  	v12 =	vld [tilespmem:s14+$0xD010]  }
0x2f4: {  	v29 =	vld [tilespmem:s14+$0xE810];
	_ =	sdelay $0x1  }
0x2f5: {  	v30 =	vld [tilespmem:s17+$0xF810];
	_ =	sdelay $0x1  }
0x2f6: {  	v31 =	vld [tilespmem:s14+$0x11810]  }
0x2f7: {  	v12 =	vmul.f32 v12, v8;
	v13 =	vmul.f32 v29, v9;
	_ =	sdelay $0x1  }
0x2f8: {  	v32 =	vmul.f32 v30, v10;
	v12 =	vadd.f32 v13, v12;
	_ =	sdelay $0x1  }
0x2f9: {  	v33 =	vmul.f32 v31, v11;
	v12 =	vadd.f32 v32, v12;
	_ =	sdelay $0x1  }
0x2fa: {  	v12 =	vadd.f32 v33, v12;
	_ =	sdelay $0x1  }
0x2fb: {  	[tilespmem:s15+$0x810] =	vst v12  }
0x2fc: {  	v12 =	vld [tilespmem:s14+$0xD020]  }
0x2fd: {  	v34 =	vld [tilespmem:s14+$0xE820];
	_ =	sdelay $0x1  }
0x2fe: {  	v35 =	vld [tilespmem:s17+$0xF820];
	_ =	sdelay $0x1  }
0x2ff: {  	v36 =	vld [tilespmem:s14+$0x11820]  }
0x300: {  	v12 =	vmul.f32 v12, v8;
	v13 =	vmul.f32 v34, v9;
	_ =	sdelay $0x1  }
0x301: {  	v37 =	vmul.f32 v35, v10;
	v12 =	vadd.f32 v13, v12;
	_ =	sdelay $0x1  }
0x302: {  	v38 =	vmul.f32 v36, v11;
	v12 =	vadd.f32 v37, v12;
	_ =	sdelay $0x1  }
0x303: {  	v12 =	vadd.f32 v38, v12;
	_ =	sdelay $0x1  }
0x304: {  	[tilespmem:s15+$0x820] =	vst v12  }
0x305: {  	v12 =	vld [tilespmem:s14+$0xD030]  }
0x306: {  	v39 =	vld [tilespmem:s14+$0xE830];
	_ =	sdelay $0x1  }
0x307: {  	v40 =	vld [tilespmem:s17+$0xF830];
	_ =	sdelay $0x1  }
0x308: {  	v41 =	vld [tilespmem:s14+$0x11830]  }
0x309: {  	v12 =	vmul.f32 v12, v8;
	v13 =	vmul.f32 v39, v9;
	_ =	sdelay $0x1  }
0x30a: {  	v42 =	vmul.f32 v40, v10;
	v12 =	vadd.f32 v13, v12;
	_ =	sdelay $0x1  }
0x30b: {  	v43 =	vmul.f32 v41, v11;
	v12 =	vadd.f32 v42, v12;
	_ =	sdelay $0x1  }
0x30c: {  	v12 =	vadd.f32 v43, v12;
	_ =	sdelay $0x1  }
0x30d: {  	[tilespmem:s15+$0x830] =	vst v12  }
0x30e: {  	v12 =	vld [tilespmem:s14+$0xD040]  }
0x30f: {  	v44 =	vld [tilespmem:s14+$0xE840];
	_ =	sdelay $0x1  }
0x310: {  	v45 =	vld [tilespmem:s17+$0xF840];
	_ =	sdelay $0x1  }
0x311: {  	v46 =	vld [tilespmem:s14+$0x11840]  }
0x312: {  	v12 =	vmul.f32 v12, v8;
	v13 =	vmul.f32 v44, v9;
	_ =	sdelay $0x1  }
0x313: {  	v47 =	vmul.f32 v45, v10;
	v12 =	vadd.f32 v13, v12;
	_ =	sdelay $0x1  }
0x314: {  	v48 =	vmul.f32 v46, v11;
	v12 =	vadd.f32 v47, v12;
	_ =	sdelay $0x1  }
0x315: {  	v12 =	vadd.f32 v48, v12;
	_ =	sdelay $0x1  }
0x316: {  	[tilespmem:s15+$0x840] =	vst v12  }
0x317: {  	v12 =	vld [tilespmem:s14+$0xD050]  }
0x318: {  	v49 =	vld [tilespmem:s14+$0xE850];
	_ =	sdelay $0x1  }
0x319: {  	v50 =	vld [tilespmem:s17+$0xF850];
	_ =	sdelay $0x1  }
0x31a: {  	v51 =	vld [tilespmem:s14+$0x11850]  }
0x31b: {  	v12 =	vmul.f32 v12, v8;
	v13 =	vmul.f32 v49, v9;
	_ =	sdelay $0x1  }
0x31c: {  	v52 =	vmul.f32 v50, v10;
	v12 =	vadd.f32 v13, v12;
	_ =	sdelay $0x1  }
0x31d: {  	v53 =	vmul.f32 v51, v11;
	v12 =	vadd.f32 v52, v12;
	_ =	sdelay $0x1  }
0x31e: {  	v12 =	vadd.f32 v53, v12;
	_ =	sdelay $0x1  }
0x31f: {  	[tilespmem:s15+$0x850] =	vst v12  }
0x320: {  	v12 =	vld [tilespmem:s14+$0xD060]  }
0x321: {  	v54 =	vld [tilespmem:s14+$0xE860];
	_ =	sdelay $0x1  }
0x322: {  	v55 =	vld [tilespmem:s17+$0xF860];
	_ =	sdelay $0x1  }
0x323: {  	v56 =	vld [tilespmem:s14+$0x11860]  }
0x324: {  	v12 =	vmul.f32 v12, v8;
	v13 =	vmul.f32 v54, v9;
	_ =	sdelay $0x1  }
0x325: {  	v57 =	vmul.f32 v55, v10;
	v12 =	vadd.f32 v13, v12;
	_ =	sdelay $0x1  }
0x326: {  	v58 =	vmul.f32 v56, v11;
	v12 =	vadd.f32 v57, v12;
	_ =	sdelay $0x1  }
0x327: {  	v12 =	vadd.f32 v58, v12;
	_ =	sdelay $0x1  }
0x328: {  	[tilespmem:s15+$0x860] =	vst v12  }
0x329: {  	v12 =	vld [tilespmem:s14+$0xD070]  }
0x32a: {  	v59 =	vld [tilespmem:s14+$0xE870];
	_ =	sdelay $0x1  }
0x32b: {  	v60 =	vld [tilespmem:s17+$0xF870];
	_ =	sdelay $0x1  }
0x32c: {  	v61 =	vld [tilespmem:s14+$0x11870]  }
0x32d: {  	v8 =	vmul.f32 v12, v8;
	v9 =	vmul.f32 v59, v9;
	_ =	sdelay $0x1  }
0x32e: {  	v62 =	vmul.f32 v60, v10;
	v8 =	vadd.f32 v9, v8;
	_ =	sdelay $0x1  }
0x32f: {  	v63 =	vmul.f32 v61, v11;
	v8 =	vadd.f32 v62, v8;
	_ =	sdelay $0x1  }
0x330: {  	v8 =	vadd.f32 v63, v8;
	_ =	sdelay $0x1  }
0x331: {  	[tilespmem:s15+$0x870] =	vst v8  }
0x332: {  	v7 =	vld.idx.msk [tilespmem:v7+s29+$0x0], $0xffff;
	_ =	sdelay $0x1  }
0x333: {  	p0 =	sne.s32 s10, $0xF  }
.Ltmp3:
0x334: {  	_ = 	snop;
	(pc) =	sbr.rel @p0 .LBB2_9-.Ltmp3, $3  }
0x335: {  	_ = 	snop  }
0x336: {  	v7 =	vmul.f32 v6, v7;
	_ =	sdelay $0x1  }
0x337: {  	s7 =	sadd.s32 $0x80, s7;
	s10 =	sadd.s32 $0x1, s10;
	[tilespmem:s15+$0xC00] =	vst v7  }
0x338: {  	s12 =	sadd.s32 $0x1, s12  }
0x339: {  	p0 =	sne.s32 s12, $0x40  }
.Ltmp4:
0x33a: {  	_ = 	snop;
	(pc) =	sbr.rel @p0 .LBB2_4-.Ltmp4, $4  }
0x33b: {  	s6 =	sadd.s32 s5, s6  }
0x33c: {  	s6 =	sshll.u32 s6, $0x6  }
0x33d: {  	s1 =	sadd.s32 $0x20, s1;
	s11 =	sadd.s32 $0x20, s11;
	s6 =	sadd.s32 s4, s6  }
0x33e: {  	[hbm4b:s6+s2] =	stream.linear.scatter [tilespmem:s0], [sflag:$0x3], $0x2000, $0x38;
	[tilespmem:$0x16800] =	vst v63  }
0x33f: {  	s6 =	simm.s32 $0x3  }
0x340: {  	_ =	swait.ge [sflag:s6], $0x2000  }
0x341: {  	[sflag:s6] =	ssyncset.done $0x0  }
0x342: {  	[sflag:s6] =	ssyncadd.s32 $0xFFFFE000  }
0x343: {  	_ =	swait.ge [sflag:s6], $0x2000  }
0x344: {  	s7 =	rddreg [dreg:$0x6]  }
0x345: {  	s1 =	rddreg [dreg:$0x5];
	s7 =	sadd.s32 $0x1, s7  }
0x346: {  	p0 =	sne.s32 s7, s1  }
.Ltmp5:
0x347: {  	_ = 	snop;
	(pc) =	sbr.rel @p0 .LBB2_1-.Ltmp5, $3  }
0x348: {  	_ =	sdelay $0x1  }
0x349: {  	[sflag:s6] =	ssyncset.done $0x0  }
0x34a: {  	[sflag:s6] =	ssyncadd.s32 $0xFFFFE000  }
0x34b: {  	_ =	sfence.sel $0x180000  }
0x34c: {  	[bflag:$0x0] =	sbarrier.arrive $0xFFFF  }
0x34d: {  	_ =	strace $0x9000004A  }
0x34e: {  	s0 =	stileid.u32;
	[bflag:$0x2] =	sbarrier.arrive $0xFFFF  }
0x34f: {  	p0 =	sne.s32 s0, $0x0;
	s0 =	rddreg [dreg:$0x2]  }
0x350: {  	s0 =	sadd.s32 @!p0 $0x100000, s0  }
0x351: {  	[sflag:s0] =	ssyncadd.tile.s32 @!p0 $0x1;
	_ =	shalt  }
.Lfunc_end2:
_tile_overlayer_lowered:
.L_overlay_start_2:
0x352: {  	(tag) =	ssettag $0x2  }
0x353: {  	s0 =	rddreg [dreg:$0x0];
	s2 =	stileid.u32  }
0x354: {  	s1 =	rddreg [dreg:$0x1];
	p0 =	sne.s32 s2, $0x0  }
0x355: {  	s3 =	rddreg [dreg:$0x2];
	[bflag:$0x3] =	sbarrier.arrive $0xFFFF;
	s2 =	simm.s32 @!p0 $0x1C04  }
0x356: {  	[timem:s3], [sflag:s2] =	dma.local @!p0 [hbm:s0], s1  }
0x357: {  	s0 =	simm.s32 @!p0 $0x4  }
0x358: {  	_ =	swait.ge @!p0 [sflag:s0], s1  }
0x359: {  	s1 =	ssub.s32 @!p0 $0x0, s1;
	[sflag:s0] =	ssyncset.done @!p0 $0x0  }
0x35a: {  	[sflag:s0] =	ssyncadd.s32 @!p0 s1  }
0x35b: {  	[bflag:$0x3] =	sbarrier.arrive $0xFFFF  }
0x35c: {  	_ =	shalt  }

// kernel: sparse-core-data-format-call.cloned.1.call-start
scs
called_computation_lowered:
.L_overlay_start_0:
0x0: {  	s2 =	sld [smem:$0x3FD9]  }
0x1: {  	s3 =	sld [smem:$0x3FFE];
	_ =	sdelay $0x1  }
0x2: {  	s1 =	srdreg.scid  }
0x3: {  	s0 =	sand.u32 $0x1, s1  }
0x4: {  	s18 =	sshll.u32 s0, $0xA;
	s2 =	sadd.s32 s3, s2  }
0x5: {  	s2 =	sadd.s32 s2, s18  }
0x6: {  	[smem:$0x3FBD] =	sst s2  }
0x7: {  	_ = 	snop  }
0x8: {  	s2 =	sld [smem:$0x3FC8];
	(tm) =	ssettm $0x1  }
0x9: {  	s19 =	sld [smem:$0x3FFB];
	_ =	sdelay $0x3  }
0xa: {  	_ =	strace s19  }
0xb: {  	s3 =	sld [smem:$0x3FFC];
	_ =	sdelay $0x3  }
0xc: {  	_ =	strace s3  }
0xd: {  	s3 =	sld [smem:$0x3FFD];
	_ =	sdelay $0x3  }
0xe: {  	_ =	strace s3  }
0xf: {  	_ =	strace $0x8FFFFFFF  }
0x10: {  	s20 =	sld [smem:$0x3FDB];
	_ =	sdelay $0x1  }
0x11: {  	s4 =	simm.s32 $_scs_section_size  }
0x12: {  	s5 =	simm.s32 $_size__tile_overlayer_lowered;
	s6 =	simm.s32 $_tile_overlayer_lowered  }
0x13: {  	s23 =	simm.s32 $0x1BFF;
	s22 =	sshll.u32 s6, $0x1;
	s3 =	sadd.s32 s4, s20  }
0x14: {  	s7 =	simm.s32 $0x0;
	s21 =	sshll.u32 s5, $0x1;
	s5 =	sadd.s32 s22, s3  }
0x15: {  	[timem:s7], [sflag:s23] =	dma.local [hbm:s5], s21  }
0x16: {  	_ =	swait.ge [sflag:s23], s21  }
0x17: {  	s4 =	ssub.s32 $0x0, s21;
	[sflag:s23] =	ssyncset.done $0x0  }
0x18: {  	[sflag:s23] =	ssyncadd.s32 s4;
	_ =	sdelay $0x1  }
0x19: {  	s24 =	simm.s32 $0x1B8B  }
0x1a: {  	_ =	swait.ge [sflag:s24], $0x1  }
0x1b: {  	[sflag:s24] =	ssyncset.done $0x0  }
0x1c: {  	s26 =	simm.s32 $0x1B8E;
	s25 =	sld [smem:$0x3FFE];
	[sflag:s24] =	ssyncadd.s32 $0xFFFFFFFF  }
0x1d: {  	s27 =	simm.s32 $execute0_lowered;
	[smem:$0x3FD2] =	sst s26  }
0x1e: {  	s5 =	sshll.u32 s27, $0x1;
	_ =	strace $0x80000046;
	[dreg:$0x1] =	wrdreg $0xFFFFFFFF  }
0x1f: {  	s28 =	simm.s32 $_size_execute0_lowered;
	s3 =	sadd.s32 s3, s5;
	[dreg:$0x0] =	wrdreg $0x0  }
0x20: {  	s5 =	sshll.u32 s28, $0x1;
	[dreg:$0x2] =	wrdreg s3  }
0x21: {  	[dreg:$0x3] =	wrdreg s5  }
0x22: {  	[dreg:$0x4] =	wrdreg $0xC0  }
0x23: {  	_ =	task [dreg:s7], $0x5FFFF  }
0x24: {  	[dreg:$0x1] =	wrdreg $0xFFFFFFFF  }
0x25: {  	[dreg:$0x0] =	wrdreg $0x60  }
0x26: {  	[dreg:$0x2] =	wrdreg s2  }
0x27: {  	[dreg:$0x3] =	wrdreg s25  }
0x28: {  	[dreg:$0x4] =	wrdreg $0x9  }
0x29: {  	_ =	task.clear_ibuf [dreg:s7], $0x5FFFF;
	_ =	strace $0x90000046  }
0x2a: {  	s29 =	simm.s32 $0x9;
	_ =	strace $0x80000048  }
0x2b: {  	_ =	swait.ge [sflag:s29], $0x1  }
0x2c: {  	[sflag:s29] =	ssyncadd.s32 $0xFFFFFFFF  }
0x2d: {  	_ =	strace $0x90000048  }
0x2e: {  	_ =	sfence  }
0x2f: {  	s30 =	sld [smem:$0x0];
	_ =	sdelay $0x2  }
0x30: {  	s31 =	sshll.u32 s1, $0xD;
	s1 =	sshrl.u32 s1, $0x2  }
0x31: {  	s3 =	sand.u32 $0x4000, s31;
	s1 =	sadd.s32 s1, s30  }
0x32: {  	s0 =	sor.u32 s3, s0;
	s1 =	sshll.u32 s1, $0x11  }
0x33: {  	s0 =	sor.u32 s1, s0  }
0x34: {  	s0 =	sadd.s32 $0x8F2B, s0  }
0x35: {  	[sflag:s0] =	ssyncadd.remote.s32 $0x1  }
0x36: {  	_ =	sfence.sel $0xFFFF  }
0x37: {  	[dreg:$0x0] =	wrdreg $0xFFFFFFFF;
	(pc) =	sbr.abs _section_cstart, $3  }
0x38: {  	[dreg:$0x1] =	wrdreg $0xFFFFFFFF  }
0x39: {  	_ =	task.clear_ibuf [dreg:s7], $0x2FFFF;
	_ =	strace $0x9FFFFFFF  }
0x3a: {  	(tm) =	ssettm $0x7FFFFFFF  }
0x3b: {  	_ =	shalt  }
tec
execute0_lowered:
.L_overlay_start_1:
0x0: {  	(tag) =	ssettag $0x1  }
0x1: {  	s2 =	rddreg [dreg:$0x0]  }
0x2: {  	s3 =	rddreg [dreg:$0x1]  }
0x3: {  	s1 =	srdreg.scid;
	s0 =	rddreg [dreg:$0x2];
	_ =	strace $0x80000047  }
0x4: {  	s7 =	simm.s32 $0x2;
	s12 =	simm.s32 $0x0;
	p0 =	por $0x0, $0x0  }
0x5: {  	s14 =	simm.s32 $0x0;
	s13 =	simm.s32 $0x0;
	s10 =	simm.s32 $0x0  }
.Ltmp0:
0x6: {  	s8 =	simm.s32 $0x0;
	s4 =	sshll.u32 s1, $0x4;
	(pc) =	sbr.rel .LBB1_1-.Ltmp0, $4  }
0x7: {  	s1 =	stileid.u32;
	s3 =	sadd.s32 $0x1600, s3;
	s4 =	sand.u32 $0x10, s4  }
0x8: {  	s5 =	sand.u32 $0x7, s1;
	s6 =	sor.u32 s1, s4;
	s4 =	simm.s32 $0x1  }
0x9: {  	s11 =	smov.u32 s5;
	[sflag:s4] =	ssyncpa.u1 $0x0;
	s6 =	sshrl.u32 s6, $0x3  }
0xa: {  	[sflag:s7] =	ssyncpa.u1 $0x0;
	s7 =	simm.s32 $0xC00;
	s9 =	smov.u32 s6  }
.LBB1_5:
0xb: {  	s15 =	sadd.s32 $0x4, s9  }
0xc: {  	s12 =	sadd.s32 $0x80, s10;
	s16 =	smov.u32 s10;
	p2 =	sgt.s32 s15, $0x7F  }
0xd: {  	s16 =	smov.u32 @p2 s12  }
0xe: {  	s18 =	smov.u32 s11;
	s12 =	sadd.s32 $0x8, s11;
	p3 =	sgt.s32 s16, $0x17F  }
0xf: {  	p1 =	slt.u32 s8, $0x2;
	s18 =	smov.u32 @p3 s12  }
0x10: {  	s8 =	sadd.s32 $0x1, s8;
	s15 =	smov.u32 @p2 s6;
	p2 =	sgt.s32 s18, $0x7  }
0x11: {  	s18 =	smov.u32 @p2 s5;
	p2 =	sne.s32 s8, $0x62  }
.Ltmp1:
0x12: {  	s17 =	simm.s32 @!p1 $0x2;
	(pc) =	sbr.rel @!p2 .LBB1_6-.Ltmp1, $4  }
0x13: {  	s14 =	smov.u32 s10;
	_ =	swait.ge @!p1 [sflag:s17], $0x4000  }
0x14: {  	s13 =	smov.u32 s11;
	p0 =	por !p0, !p0;
	[sflag:s17] =	ssyncset.done @!p1 $0x0  }
0x15: {  	s16 =	simm.s32 @p3 $0x0;
	s12 =	smov.u32 s9;
	[sflag:s17] =	ssyncadd.s32 @!p1 $0xFFFFC000  }
0x16: {  	s9 =	smov.u32 s15;
	s10 =	smov.u32 s16;
	s11 =	smov.u32 s18  }
.LBB1_1:
0x17: {  	p1 =	sgt.u32 s8, $0x5F  }
0x18: {  	s16 =	smul.u32 @!p1 $0xC0000, s11  }
0x19: {  	s15 =	sxor.u32 @!p1 $0xFFFFFFFF, s8;
	s17 =	sshll.u32 @!p1 s10, $0xB  }
0x1a: {  	s18 =	sshll.u32 @!p1 s9, $0x4;
	s15 =	sshll.u32 @!p1 s15, $0xE;
	s16 =	sadd.s32 @!p1 s2, s16  }
0x1b: {  	s18 =	sand.u32 @!p1 $0x7F0, s18;
	s15 =	sand.u32 @!p1 $0x4000, s15;
	s16 =	sadd.s32 @!p1 s17, s16  }
0x1c: {  	s17 =	simm.s32 @!p1 $0x80;
	s16 =	sadd.s32 @!p1 s18, s16;
	s18 =	simm.s32 @!p1 $0x4000  }
0x1d: {  	[tilespmem:s15], [sflag:$0x1] =	stream.strided.gather @!p1 [hbm4b:s16+s17], $0x4000, s18, s17, $0x38;
	[tilespmem:$0x10100] =	vst v63  }
0x1e: {  	p1 =	seq.s32 s8, $0x0  }
0x1f: {  	p2 =	seq.s32 @!p1 s8, $0x61  }
0x20: {  	p1 =	por p1, p2  }
.Ltmp2:
0x21: {  	_ = 	snop;
	(pc) =	sbr.rel @p1 .LBB1_5-.Ltmp2, $1  }
0x22: {  	_ =	sdelay $0x3  }
0x23: {  	s15 =	simm.s32 $0x1  }
0x24: {  	_ =	swait.ge [sflag:s4], $0x4000;
	s15 =	simm.s32 @!p0 $0x0  }
0x25: {  	[sflag:s4] =	ssyncset.done $0x0;
	s16 =	sshll.u32 s15, $0xE  }
0x26: {  	[sflag:s4] =	ssyncadd.s32 $0xFFFFC000;
	s17 =	sor.u32 $0x40, s16  }
0x27: {  	s15 =	smul.u32 $0x10200, s15;
	v0 =	vld [tilespmem:s17+$0x30]  }
0x28: {  	v1 =	vld [tilespmem:s17+$0xFFFFFFD0]  }
0x29: {  	s15 =	sshrl.u32 s15, $0x2;
	v5 =	vld [tilespmem:s17+$0xFFFFFFE0]  }
0x2a: {  	v6 =	vld [tilespmem:s17+$0xFFFFFFF0];
	s16 =	sor.u32 $0x8000, s15  }
0x2b: {  	s31 =	sand.u32 $0x1, s8;
	v4 =	vld [tilespmem:s17+$0x0];
	s18 =	sadd.s32 $0x0, s16  }
0x2c: {  	v3 =	vld [tilespmem:s17+$0x10];
	s15 =	smul.u32 $0x10200, s31;
	[tilespmem:s18+$0x3870 ss:$0x81] =	vst.msk $0xffff, v0  }
0x2d: {  	v2 =	vld [tilespmem:s17+$0x20];
	[tilespmem:s18+$0x810 ss:$0x81] =	vst.msk $0xffff, v1  }
0x2e: {  	s15 =	sshrl.u32 s15, $0x2;
	v0 =	vld [tilespmem:s17+$0xFFFFFFC0];
	[tilespmem:s18+$0x1020 ss:$0x81] =	vst.msk $0xffff, v5;
	s17 =	sadd.s32 $0x80, s17  }
0x2f: {  	s19 =	simm.s32 $0x4;
	s20 =	simm.s32 $0x8;
	s15 =	sor.u32 $0x8000, s15;
	[tilespmem:s18+$0x1830 ss:$0x81] =	vst.msk $0xffff, v6;
	v1 =	vld [tilespmem:s17+$0x30]  }
.LBB1_3:
0x30: {  	p1 =	sne.s32 s20, $0x1FC;
	v5 =	vld [tilespmem:s17+$0xFFFFFFD0];
	[tilespmem:s18+$0x2040 ss:$0x81] =	vst.msk $0xffff, v4  }
0x31: {  	v6 =	vld [tilespmem:s17+$0xFFFFFFE0];
	[tilespmem:s18+$0x2850 ss:$0x81] =	vst.msk $0xffff, v3  }
0x32: {  	s21 =	sshra.s32 s19, $0x2;
	s19 =	smov.u32 s20;
	v7 =	vld [tilespmem:s17+$0xFFFFFFF0];
	[tilespmem:s18+$0x3060 ss:$0x81] =	vst.msk $0xffff, v2  }
.Ltmp3:
0x33: {  	v4 =	vld [tilespmem:s17+$0x0];
	[tilespmem:s18+$0x0 ss:$0x81] =	vst.msk $0xffff, v0;
	s18 =	sadd.s32 s21, s16;
	(pc) =	sbr.rel @p1 .LBB1_3-.Ltmp3, $4  }
0x34: {  	v3 =	vld [tilespmem:s17+$0x10];
	[tilespmem:s18+$0x3870 ss:$0x81] =	vst.msk $0xffff, v1  }
0x35: {  	[tilespmem:s18+$0x810 ss:$0x81] =	vst.msk $0xffff, v5;
	v2 =	vld [tilespmem:s17+$0x20]  }
0x36: {  	v0 =	vld [tilespmem:s17+$0xFFFFFFC0];
	[tilespmem:s18+$0x1020 ss:$0x81] =	vst.msk $0xffff, v6;
	s17 =	sadd.s32 $0x80, s17  }
0x37: {  	s20 =	sadd.s32 $0x4, s20;
	v1 =	vld [tilespmem:s17+$0x30];
	[tilespmem:s18+$0x1830 ss:$0x81] =	vst.msk $0xffff, v7  }
0x38: {  	s20 =	sshll.u32 s14, $0x3;
	v5 =	vld [tilespmem:s17+$0xFFFFFFD0];
	[tilespmem:s18+$0x2040 ss:$0x81] =	vst.msk $0xffff, v4  }
0x39: {  	s27 =	sand.u32 $0x7F, s14;
	v58 =	vld [tilespmem:s17+$0xFFFFFFE0];
	s20 =	sand.u32 $0xFFFFFC00, s20;
	[tilespmem:s18+$0x2850 ss:$0x81] =	vst.msk $0xffff, v3  }
0x3a: {  	s19 =	sshra.s32 s19, $0x2;
	v59 =	vld [tilespmem:s17+$0xFFFFFFF0];
	s14 =	sor.u32 s27, s20;
	[tilespmem:s18+$0x3060 ss:$0x81] =	vst.msk $0xffff, v2;
	s29 =	smulhi.u32 $0xAAAAAAAB, s20  }
0x3b: {  	v60 =	vld [tilespmem:s17+$0x0];
	s16 =	sadd.s32 s19, s16;
	s21 =	smulhi.u32 $0xAAAAAAAB, s14;
	[tilespmem:s18+$0x0 ss:$0x81] =	vst.msk $0xffff, v0  }
0x3c: {  	v61 =	vld [tilespmem:s17+$0x10];
	s13 =	smul.u32 $0xC0000, s13;
	[tilespmem:s16+$0x3870 ss:$0x81] =	vst.msk $0xffff, v1  }
0x3d: {  	v62 =	vld [tilespmem:s17+$0x20];
	s12 =	smul.u32 $0x1800, s12;
	s30 =	sshrl.u32 s29, $0x8;
	s28 =	sshrl.u32 s21, $0x8;
	[tilespmem:s16+$0x810 ss:$0x81] =	vst.msk $0xffff, v5  }
0x3e: {  	v63 =	vld [tilespmem:s17+$0xFFFFFFC0];
	[tilespmem:s16+$0x1020 ss:$0x81] =	vst.msk $0xffff, v58;
	s17 =	sand.u32 $0x7F, s30;
	s18 =	smul.u32 $0x180, s28  }
0x3f: {  	[tilespmem:s16+$0x1830 ss:$0x81] =	vst.msk $0xffff, v59;
	s17 =	smul.u32 $0x30, s17  }
.Ltmp4:
0x40: {  	s13 =	sadd.s32 s3, s13;
	[tilespmem:s16+$0x2040 ss:$0x81] =	vst.msk $0xffff, v60;
	s14 =	ssub.s32 s14, s18;
	(pc) =	sbr.rel .LBB1_5-.Ltmp4, $4  }
0x41: {  	s12 =	sadd.s32 s12, s13;
	[tilespmem:s16+$0x2850 ss:$0x81] =	vst.msk $0xffff, v61;
	s31 =	sand.u32 $0x7, s14  }
0x42: {  	[tilespmem:s16+$0x3060 ss:$0x81] =	vst.msk $0xffff, v62;
	s12 =	sadd.s32 s17, s12;
	s14 =	sshrl.u32 s14, $0x3;
	s13 =	sshll.u32 s31, $0x12  }
0x43: {  	[tilespmem:s16+$0x0 ss:$0x81] =	vst.msk $0xffff, v63;
	s12 =	sadd.s32 s14, s12;
	s13 =	sor.u32 $0x400, s13  }
0x44: {  	[hbm4b:s12+s13] =	stream.strided.scatter [tilespmem:s15], [sflag:$0x2], $0x4000, s7, s13, $0x20;
	[tilespmem:$0x10100] =	vst v63  }
.LBB1_6:
0x45: {  	_ =	sfence.sel $0x180000  }
0x46: {  	s2 =	simm.s32 $0x1;
	[bflag:$0x0] =	sbarrier.arrive $0xFFFF  }
0x47: {  	s31 =	simm.s32 $0x2;
	[sflag:s2] =	ssyncpa.u1 $0x1  }
0x48: {  	[sflag:s31] =	ssyncpa.u1 $0x1  }
0x49: {  	p0 =	sne.s32 s1, $0x0;
	_ =	strace $0x90000047  }
0x4a: {  	s0 =	sadd.s32 @!p0 $0x100000, s0;
	[bflag:$0x2] =	sbarrier.arrive $0xFFFF  }
0x4b: {  	[sflag:s0] =	ssyncadd.tile.s32 @!p0 $0x1;
	_ =	shalt  }
.Lfunc_end1:
_tile_overlayer_lowered:
.L_overlay_start_2:
0x4c: {  	(tag) =	ssettag $0x2  }
0x4d: {  	s0 =	rddreg [dreg:$0x0];
	s2 =	stileid.u32  }
0x4e: {  	s1 =	rddreg [dreg:$0x1];
	p0 =	sne.s32 s2, $0x0  }
0x4f: {  	s3 =	rddreg [dreg:$0x2];
	[bflag:$0x3] =	sbarrier.arrive $0xFFFF;
	s2 =	simm.s32 @!p0 $0x1C01  }
0x50: {  	[timem:s3], [sflag:s2] =	dma.local @!p0 [hbm:s0], s1  }
0x51: {  	s0 =	simm.s32 @!p0 $0x1  }
0x52: {  	_ =	swait.ge @!p0 [sflag:s0], s1  }
0x53: {  	s1 =	ssub.s32 @!p0 $0x0, s1;
	[sflag:s0] =	ssyncset.done @!p0 $0x0  }
0x54: {  	[sflag:s0] =	ssyncadd.s32 @!p0 s1  }
0x55: {  	[bflag:$0x3] =	sbarrier.arrive $0xFFFF  }
0x56: {  	_ =	shalt  }

</sc_bundles>
